<compile_context>
chip_gen: v7x
topology: tpu7x:2x2x1
jax: 0.10.2.dev20260603
libtpu: 0.0.44.dev20260713+nightly
codegen_flags: <defaults>
</compile_context>

<pallas_src>
import functools

import jax
import jax.numpy as jnp
from jax import lax
from jax.experimental import pallas as pl
from jax.experimental.pallas import tpu as pltpu
from jax.experimental.pallas import tpu_sc as plsc

TAU_INV = 10.0
GRP = 16
UNROLL = 8


def _sc_partials(logp2, idx, maskf, sim):
    n, v = logp2.shape
    info = plsc.get_sparse_core_info()
    nc, ns = info.num_cores, info.num_subcores
    nw = nc * ns
    npad = ((n + nw * GRP - 1) // (nw * GRP)) * (nw * GRP)
    tpw = npad // nw
    npairs = tpw // 2

    nfull = (v // (GRP * UNROLL)) * UNROLL
    tail0 = nfull * GRP
    tbase = v - GRP

    idx_pad = jnp.pad(idx, (0, npad - n))
    mask_pad = jnp.pad(maskf, (0, npad - n))
    logp_f = logp2.reshape(-1)
    sim_f = sim.reshape(-1)

    mesh = plsc.VectorSubcoreMesh(core_axis_name="c", subcore_axis_name="s")

    @functools.partial(
        pl.kernel,
        out_type=jax.ShapeDtypeStruct((nw, 3, GRP), jnp.float32),
        mesh=mesh,
        compiler_params=pltpu.CompilerParams(use_tc_tiling_on_sc=False,
                                             needs_layout_passes=False),
        scratch_types=[
            pltpu.VMEM((tpw + GRP,), jnp.int32),
            pltpu.VMEM((tpw + GRP,), jnp.float32),
            pltpu.VMEM((4, v), jnp.float32),
            pltpu.VMEM((4, v), jnp.float32),
            pltpu.VMEM((4 * v + GRP,), jnp.float32),
            pltpu.VMEM((4 * v + GRP,), jnp.float32),
            pltpu.VMEM((3, GRP), jnp.float32),
            pltpu.SemaphoreType.DMA,
            pltpu.SemaphoreType.DMA,
            pltpu.SemaphoreType.DMA,
            pltpu.SemaphoreType.DMA,
        ],
    )
    def k(logp_hbm, idx_hbm, mask_hbm, sim_hbm, out_hbm,
          idx_v, mask_v, sba, sbb, lba, lbb, ob, ssa, ssb, lsa, lsb):
        wid = lax.axis_index("s") * nc + lax.axis_index("c")
        base = wid * tpw
        pltpu.sync_copy(idx_hbm.at[pl.ds(base, tpw)], idx_v.at[pl.ds(0, tpw)])
        pltpu.sync_copy(mask_hbm.at[pl.ds(base, tpw)],
                        mask_v.at[pl.ds(0, tpw)])
        lane = lax.iota(jnp.int32, GRP)
        twght = jnp.where(lane < GRP - (v - tail0), 0.0, 1.0)

        def issue(tblk, sbuf, lbuf, ssem, lsem):
            tl = jnp.minimum(tblk, tpw - 4)
            ids = idx_v[pl.ds(tl, GRP)]
            for j in range(4):
                pltpu.async_copy(sim_hbm.at[pl.ds(ids[j] * v, v)],
                                 sbuf.at[j], ssem)
            lrow = jnp.minimum(base + tl, n - 4)
            pltpu.async_copy(logp_hbm.at[pl.ds(lrow * v, 4 * v)],
                             lbuf.at[pl.ds(0, 4 * v)], lsem)

        def drain(sbuf, lbuf, ssem, lsem):
            for j in range(4):
                pltpu.make_async_copy(sim_hbm.at[pl.ds(0, v)],
                                      sbuf.at[j], ssem).wait()
            pltpu.make_async_copy(logp_hbm.at[pl.ds(0, 4 * v)],
                                  lbuf.at[pl.ds(0, 4 * v)], lsem).wait()

        def token(tloc, j, sbuf, lbuf):
            zp = tuple(jnp.zeros((GRP,), jnp.float32) for _ in range(4))
            dp = tuple(jnp.zeros((GRP,), jnp.float32) for _ in range(4))

            def chunk_body(c, acc):
                zs, ds = list(acc[0]), list(acc[1])
                cb = c * (GRP * UNROLL)
                for u in range(UNROLL):
                    sv = sbuf[j, pl.ds(cb + u * GRP, GRP)]
                    lv = lbuf[pl.ds(j * v + cb + u * GRP, GRP)]
                    e = jnp.exp(sv * TAU_INV)
                    a = u % 4
                    zs[a] = zs[a] + e
                    ds[a] = ds[a] + lv * e
                return (tuple(zs), tuple(ds))

            zs, ds = lax.fori_loop(0, nfull // UNROLL, chunk_body, (zp, dp))
            sv = sbuf[j, pl.ds(tbase, GRP)]
            lv = lbuf[pl.ds(j * v + tbase, GRP)]
            e = jnp.exp(sv * TAU_INV) * twght
            zvec = (zs[0] + zs[1]) + (zs[2] + zs[3]) + e
            dvec = (ds[0] + ds[1]) + (ds[2] + ds[3]) + lv * e
            ztv = jnp.full((GRP,), lax.reduce_sum_p.bind(zvec, axes=(0,)))
            dtv = jnp.full((GRP,), lax.reduce_sum_p.bind(dvec, axes=(0,)))
            mtv = jnp.full((GRP,), mask_v[pl.ds(tloc, GRP)][0])
            ntv = jnp.full((GRP,), lbuf[pl.ds(
                j * v + idx_v[pl.ds(tloc, GRP)][0], GRP)][0])
            contrib = mtv * (0.0 - dtv) / ztv
            return contrib, mtv * ntv, mtv

        issue(0, sba, lba, ssa, lsa)

        def pair_body(i, carry):
            tot_sm, tot_nll, tot_mask = carry
            t0 = i * 8
            issue(t0 + 4, sbb, lbb, ssb, lsb)
            drain(sba, lba, ssa, lsa)
            for j in range(4):
                c0, n0, m0 = token(t0 + j, j, sba, lba)
                tot_sm, tot_nll, tot_mask = (tot_sm + c0, tot_nll + n0,
                                             tot_mask + m0)
            issue(t0 + 8, sba, lba, ssa, lsa)
            drain(sbb, lbb, ssb, lsb)
            for j in range(4):
                c1, n1, m1 = token(t0 + 4 + j, j, sbb, lbb)
                tot_sm, tot_nll, tot_mask = (tot_sm + c1, tot_nll + n1,
                                             tot_mask + m1)
            return (tot_sm, tot_nll, tot_mask)

        zeros = jnp.zeros((GRP,), jnp.float32)
        tot_sm, tot_nll, tot_mask = lax.fori_loop(
            0, tpw // 8, pair_body, (zeros, zeros, zeros))
        drain(sba, lba, ssa, lsa)
        ob[0, :] = tot_sm * (1.0 / GRP)
        ob[1, :] = tot_nll * (1.0 / GRP)
        ob[2, :] = tot_mask * (1.0 / GRP)
        pltpu.sync_copy(ob, out_hbm.at[wid])

    return k(logp_f, idx_pad, mask_pad, sim_f)


def _tc_relayout(logp):
    b, s, v = logp.shape
    lt = jnp.transpose(logp, (1, 2, 0))

    def body(in_ref, out_ref):
        out_ref[0] = jnp.transpose(in_ref[0], (1, 0))

    out = pl.pallas_call(
        body,
        grid=(s,),
        in_specs=[pl.BlockSpec((1, v, b), lambda i: (i, 0, 0))],
        out_specs=pl.BlockSpec((1, b, v), lambda i: (i, 0, 0)),
        out_shape=jax.ShapeDtypeStruct((s, b, v), jnp.float32),
    )(lt)
    return out.reshape(s * b, v)


def kernel(logp, target, mask, Sim_Matrix):
    b, s, v = logp.shape
    logp2 = _tc_relayout(logp)
    idx = target.T.reshape(-1).astype(jnp.int32)
    maskf = mask.T.reshape(-1).astype(jnp.float32)
    partials = _sc_partials(logp2, idx, maskf, Sim_Matrix)
    sums = jnp.sum(partials, axis=(0, 2))
    msum = sums[2]
    ml_output = -sums[1] / msum
    output = sums[0] / msum
    return (ml_output, output)

# --- scband reference (transcript-rebuilt; emitter-appended) ---
"""Pipeline reference for scband-word-smooth-criterion-59356448031230 (READ-ONLY COPY).

The authoritative reference and input builder live on the scoring server;
editing this copy changes nothing except your own understanding.
"""

import jax, jax.numpy as jnp
import numpy as np

B, S, V = 128, 50, 5000
TAU = 0.1

def setup_inputs(seed: int = 0) -> dict:
    key = jax.random.key(seed)
    k1, k2, k3 = jax.random.split(key, 3)
    logits = jax.random.normal(k1, (B, S, V), dtype=jnp.float32)
    logp = jax.nn.log_softmax(logits, axis=-1)
    target = jax.random.randint(k2, (B, S), 0, V)
    mask = jnp.ones((B, S), dtype=jnp.float32)
    # dense similarity matrix; __init__ applies M = M - 1 when use_cooc is False
    Sim_Matrix = jax.random.uniform(k3, (V, V), dtype=jnp.float32) - 1.0
    return {"logp": logp, "target": target, "mask": mask, "Sim_Matrix": Sim_Matrix}


def reference(logp, target, mask, Sim_Matrix):
    # forward_dense path: margin_sim=0, limited=False, tau_word=0.1, normalize_batch=True, scores=None
    Bv, Sv, Vv = logp.shape
    logp2 = logp.reshape(-1, Vv)
    idx = target.reshape(-1)
    maskf = mask.reshape(-1)
    # get_ml_loss: masked NLL at target tokens, batch-normalized by mask sum
    nll = -jnp.take_along_axis(logp2, idx[:, None], axis=1)[:, 0]
    ml_output = jnp.sum(nll * maskf) / jnp.sum(maskf)
    # gather similarity rows for each target token (scatter/gather memory op)
    sim = jnp.take(Sim_Matrix, idx, axis=0)
    smooth_target = jnp.exp(sim * (1.0 / TAU))
    # normalize_reward: l1-normalize each row
    smooth_target = smooth_target / jnp.sum(smooth_target, axis=1, keepdims=True)
    out = -logp2 * maskf[:, None] * smooth_target
    output = jnp.sum(out) / jnp.sum(mask)
    return (ml_output, output)

if __name__ == "__main__":
    import jax
    _d = setup_inputs()
    print(jax.jit(kernel)(*tuple(_d.values())))

</pallas_src>

<mosaic_0001>
#map = affine_map<(d0, d1) -> (0)>
#map1 = affine_map<(d0, d1) -> (0, 0, 0)>
module attributes {stable_mosaic.version = 14 : i64} {
  func.func @k(%arg0: i32, %arg1: i32, %arg2: memref<32000000xf32, #tpu.memory_space<hbm>>, %arg3: memref<6656xi32, #tpu.memory_space<hbm>>, %arg4: memref<6656xf32, #tpu.memory_space<hbm>>, %arg5: memref<25000000xf32, #tpu.memory_space<hbm>>, %arg6: memref<32x3x16xf32, #tpu.memory_space<hbm>>, %arg7: memref<224xi32, #tpu.memory_space<vmem>>, %arg8: memref<224xf32, #tpu.memory_space<vmem>>, %arg9: memref<4x5000xf32, #tpu.memory_space<vmem>>, %arg10: memref<4x5000xf32, #tpu.memory_space<vmem>>, %arg11: memref<20016xf32, #tpu.memory_space<vmem>>, %arg12: memref<20016xf32, #tpu.memory_space<vmem>>, %arg13: memref<3x16xf32, #tpu.memory_space<vmem>>, %arg14: memref<!tpu.dma_semaphore, #tpu.memory_space<semaphore_mem>>, %arg15: memref<!tpu.dma_semaphore, #tpu.memory_space<semaphore_mem>>, %arg16: memref<!tpu.dma_semaphore, #tpu.memory_space<semaphore_mem>>, %arg17: memref<!tpu.dma_semaphore, #tpu.memory_space<semaphore_mem>>) attributes {dimension_semantics = [#tpu.dimension_semantics<core_parallel>, #tpu.dimension_semantics<subcore_parallel>], iteration_bounds = array<i64: 2, 16>, scalar_prefetch = 0 : i64, scratch_operands = 11 : i64, tpu.core_type = #tpu.core_type<sc_vector_subcore>, window_params = [{transform_indices = #map}, {transform_indices = #map}, {transform_indices = #map}, {transform_indices = #map}, {transform_indices = #map1}]} {
    %mul3A = arith.constant 2 : i32
    %mul3A_0 = arith.muli %arg1, %mul3A : i32
    %add3A = arith.addi %mul3A_0, %arg0 : i32
    %mul3A_1 = arith.constant 208 : i32
    %mul3A_2 = arith.muli %add3A, %mul3A_1 : i32
    "tpu.region"() ({
      %run_scoped3A = tpu.sem_alloc : memref<!tpu.dma_semaphore, #tpu.memory_space<semaphore_mem>>
      %dma_start3A_148 = arith.constant 0 : i32
      %dma_start3A_149 = tpu.memref_slice %arg7[%dma_start3A_148] : memref<224xi32, #tpu.memory_space<vmem>> -> memref<208xi32, #tpu.memory_space<vmem>>
      %dma_start3A_150 = tpu.memref_slice %arg3[%mul3A_2] : memref<6656xi32, #tpu.memory_space<hbm>> -> memref<208xi32, #tpu.memory_space<hbm>>
      %dma_start3A_151 = arith.constant 0 : i32
      %dma_start3A_152 = tpu.memref_slice %arg7[%dma_start3A_151] : memref<224xi32, #tpu.memory_space<vmem>> -> memref<208xi32, #tpu.memory_space<vmem>>
      %dma_start3A_153 = tpu.memref_slice %arg3[%mul3A_2] : memref<6656xi32, #tpu.memory_space<hbm>> -> memref<208xi32, #tpu.memory_space<hbm>>
      tpu.enqueue_dma source(%dma_start3A_153 : memref<208xi32, #tpu.memory_space<hbm>>) target(%dma_start3A_152 : memref<208xi32, #tpu.memory_space<vmem>>) target_semaphore(%run_scoped3A : memref<!tpu.dma_semaphore, #tpu.memory_space<semaphore_mem>>)
      %dma_wait3A_154 = arith.constant 0 : i32
      %dma_wait3A_155 = tpu.memref_slice %arg7[%dma_wait3A_154] : memref<224xi32, #tpu.memory_space<vmem>> -> memref<208xi32, #tpu.memory_space<vmem>>
      %dma_wait3A_156 = tpu.memref_slice %arg3[%mul3A_2] : memref<6656xi32, #tpu.memory_space<hbm>> -> memref<208xi32, #tpu.memory_space<hbm>>
      %dma_wait3A_157 = arith.constant 0 : i32
      %dma_wait3A_158 = tpu.memref_slice %arg7[%dma_wait3A_157] : memref<224xi32, #tpu.memory_space<vmem>> -> memref<208xi32, #tpu.memory_space<vmem>>
      %dma_wait3A_159 = tpu.memref_slice %arg3[%mul3A_2] : memref<6656xi32, #tpu.memory_space<hbm>> -> memref<208xi32, #tpu.memory_space<hbm>>
      tpu.wait_dma2 semaphore(%run_scoped3A : memref<!tpu.dma_semaphore, #tpu.memory_space<semaphore_mem>>) src(%dma_wait3A_159 : memref<208xi32, #tpu.memory_space<hbm>>) dst(%dma_wait3A_158 : memref<208xi32, #tpu.memory_space<vmem>>)
      tpu.yield
    }) : () -> ()
    "tpu.region"() ({
      %run_scoped3A = tpu.sem_alloc : memref<!tpu.dma_semaphore, #tpu.memory_space<semaphore_mem>>
      %dma_start3A_148 = arith.constant 0 : i32
      %dma_start3A_149 = tpu.memref_slice %arg8[%dma_start3A_148] : memref<224xf32, #tpu.memory_space<vmem>> -> memref<208xf32, #tpu.memory_space<vmem>>
      %dma_start3A_150 = tpu.memref_slice %arg4[%mul3A_2] : memref<6656xf32, #tpu.memory_space<hbm>> -> memref<208xf32, #tpu.memory_space<hbm>>
      %dma_start3A_151 = arith.constant 0 : i32
      %dma_start3A_152 = tpu.memref_slice %arg8[%dma_start3A_151] : memref<224xf32, #tpu.memory_space<vmem>> -> memref<208xf32, #tpu.memory_space<vmem>>
      %dma_start3A_153 = tpu.memref_slice %arg4[%mul3A_2] : memref<6656xf32, #tpu.memory_space<hbm>> -> memref<208xf32, #tpu.memory_space<hbm>>
      tpu.enqueue_dma source(%dma_start3A_153 : memref<208xf32, #tpu.memory_space<hbm>>) target(%dma_start3A_152 : memref<208xf32, #tpu.memory_space<vmem>>) target_semaphore(%run_scoped3A : memref<!tpu.dma_semaphore, #tpu.memory_space<semaphore_mem>>)
      %dma_wait3A_154 = arith.constant 0 : i32
      %dma_wait3A_155 = tpu.memref_slice %arg8[%dma_wait3A_154] : memref<224xf32, #tpu.memory_space<vmem>> -> memref<208xf32, #tpu.memory_space<vmem>>
      %dma_wait3A_156 = tpu.memref_slice %arg4[%mul3A_2] : memref<6656xf32, #tpu.memory_space<hbm>> -> memref<208xf32, #tpu.memory_space<hbm>>
      %dma_wait3A_157 = arith.constant 0 : i32
      %dma_wait3A_158 = tpu.memref_slice %arg8[%dma_wait3A_157] : memref<224xf32, #tpu.memory_space<vmem>> -> memref<208xf32, #tpu.memory_space<vmem>>
      %dma_wait3A_159 = tpu.memref_slice %arg4[%mul3A_2] : memref<6656xf32, #tpu.memory_space<hbm>> -> memref<208xf32, #tpu.memory_space<hbm>>
      tpu.wait_dma2 semaphore(%run_scoped3A : memref<!tpu.dma_semaphore, #tpu.memory_space<semaphore_mem>>) src(%dma_wait3A_159 : memref<208xf32, #tpu.memory_space<hbm>>) dst(%dma_wait3A_158 : memref<208xf32, #tpu.memory_space<vmem>>)
      tpu.yield
    }) : () -> ()
    %iota3A = tpu.iota {dimensions = array<i32: 0>} : vector<16xi32>
    %lt3A = arith.constant 8 : i32
    %lt3A_3 = vector.broadcast %lt3A : i32 to vector<16xi32>
    %lt3A_4 = arith.cmpi slt, %iota3A, %lt3A_3 : vector<16xi32>
    %jit3A = arith.constant 0.000000e+00 : f32
    %jit3A_5 = arith.constant 1.000000e+00 : f32
    %broadcast_in_dim3A = vector.broadcast %jit3A : f32 to vector<16xf32>
    %broadcast_in_dim3A_6 = vector.broadcast %jit3A_5 : f32 to vector<16xf32>
    %select_n3A = arith.select %lt3A_4, %broadcast_in_dim3A, %broadcast_in_dim3A_6 : vector<16xi1>, vector<16xf32>
    %min3A = arith.constant 0 : i32
    %min3A_7 = arith.constant 204 : i32
    %min3A_8 = arith.minsi %min3A, %min3A_7 : i32
    %get3A = arith.index_cast %min3A_8 : i32 to index
    %get3A_9 = tpu.vector_load %arg7[%get3A] {strides = array<i32>} : memref<224xi32, #tpu.memory_space<vmem>>, vector<16xi32>,
    %slice3A = vector.extract_strided_slice %get3A_9 {offsets = [0], sizes = [1], strides = [1]} : vector<16xi32> to vector<1xi32>
    %squeeze3A = vector.extract %slice3A[0] : i32 from vector<1xi32>
    %mul3A_10 = arith.constant 5000 : i32
    %mul3A_11 = arith.muli %squeeze3A, %mul3A_10 : i32
    %dma_start3A = arith.constant 0 : i32
    %dma_start3A_12 = arith.constant 0 : i32
    %dma_start3A_13 = tpu.memref_slice %arg9[%dma_start3A, %dma_start3A_12] : memref<4x5000xf32, #tpu.memory_space<vmem>> -> memref<1x5000xf32, #tpu.memory_space<vmem>>
    %dma_start3A_14 = tpu.memref_squeeze %dma_start3A_13 : memref<1x5000xf32, #tpu.memory_space<vmem>> -> memref<5000xf32, #tpu.memory_space<vmem>>
    %dma_start3A_15 = tpu.memref_slice %arg5[%mul3A_11] : memref<25000000xf32, #tpu.memory_space<hbm>> -> memref<5000xf32, #tpu.memory_space<hbm>>
    %dma_start3A_16 = arith.constant 0 : i32
    %dma_start3A_17 = tpu.memref_slice %arg9[%dma_start3A, %dma_start3A_16] : memref<4x5000xf32, #tpu.memory_space<vmem>> -> memref<1x5000xf32, #tpu.memory_space<vmem>>
    %dma_start3A_18 = tpu.memref_squeeze %dma_start3A_17 : memref<1x5000xf32, #tpu.memory_space<vmem>> -> memref<5000xf32, #tpu.memory_space<vmem>>
    %dma_start3A_19 = tpu.memref_slice %arg5[%mul3A_11] : memref<25000000xf32, #tpu.memory_space<hbm>> -> memref<5000xf32, #tpu.memory_space<hbm>>
    tpu.enqueue_dma source(%dma_start3A_19 : memref<5000xf32, #tpu.memory_space<hbm>>) target(%dma_start3A_18 : memref<5000xf32, #tpu.memory_space<vmem>>) target_semaphore(%arg14 : memref<!tpu.dma_semaphore, #tpu.memory_space<semaphore_mem>>)
    %slice3A_20 = vector.extract_strided_slice %get3A_9 {offsets = [1], sizes = [1], strides = [1]} : vector<16xi32> to vector<1xi32>
    %squeeze3A_21 = vector.extract %slice3A_20[0] : i32 from vector<1xi32>
    %mul3A_22 = arith.constant 5000 : i32
    %mul3A_23 = arith.muli %squeeze3A_21, %mul3A_22 : i32
    %dma_start3A_24 = arith.constant 1 : i32
    %dma_start3A_25 = arith.constant 0 : i32
    %dma_start3A_26 = tpu.memref_slice %arg9[%dma_start3A_24, %dma_start3A_25] : memref<4x5000xf32, #tpu.memory_space<vmem>> -> memref<1x5000xf32, #tpu.memory_space<vmem>>
    %dma_start3A_27 = tpu.memref_squeeze %dma_start3A_26 : memref<1x5000xf32, #tpu.memory_space<vmem>> -> memref<5000xf32, #tpu.memory_space<vmem>>
    %dma_start3A_28 = tpu.memref_slice %arg5[%mul3A_23] : memref<25000000xf32, #tpu.memory_space<hbm>> -> memref<5000xf32, #tpu.memory_space<hbm>>
    %dma_start3A_29 = arith.constant 0 : i32
    %dma_start3A_30 = tpu.memref_slice %arg9[%dma_start3A_24, %dma_start3A_29] : memref<4x5000xf32, #tpu.memory_space<vmem>> -> memref<1x5000xf32, #tpu.memory_space<vmem>>
    %dma_start3A_31 = tpu.memref_squeeze %dma_start3A_30 : memref<1x5000xf32, #tpu.memory_space<vmem>> -> memref<5000xf32, #tpu.memory_space<vmem>>
    %dma_start3A_32 = tpu.memref_slice %arg5[%mul3A_23] : memref<25000000xf32, #tpu.memory_space<hbm>> -> memref<5000xf32, #tpu.memory_space<hbm>>
    tpu.enqueue_dma source(%dma_start3A_32 : memref<5000xf32, #tpu.memory_space<hbm>>) target(%dma_start3A_31 : memref<5000xf32, #tpu.memory_space<vmem>>) target_semaphore(%arg14 : memref<!tpu.dma_semaphore, #tpu.memory_space<semaphore_mem>>)
    %slice3A_33 = vector.extract_strided_slice %get3A_9 {offsets = [2], sizes = [1], strides = [1]} : vector<16xi32> to vector<1xi32>
    %squeeze3A_34 = vector.extract %slice3A_33[0] : i32 from vector<1xi32>
    %mul3A_35 = arith.constant 5000 : i32
    %mul3A_36 = arith.muli %squeeze3A_34, %mul3A_35 : i32
    %dma_start3A_37 = arith.constant 2 : i32
    %dma_start3A_38 = arith.constant 0 : i32
    %dma_start3A_39 = tpu.memref_slice %arg9[%dma_start3A_37, %dma_start3A_38] : memref<4x5000xf32, #tpu.memory_space<vmem>> -> memref<1x5000xf32, #tpu.memory_space<vmem>>
    %dma_start3A_40 = tpu.memref_squeeze %dma_start3A_39 : memref<1x5000xf32, #tpu.memory_space<vmem>> -> memref<5000xf32, #tpu.memory_space<vmem>>
    %dma_start3A_41 = tpu.memref_slice %arg5[%mul3A_36] : memref<25000000xf32, #tpu.memory_space<hbm>> -> memref<5000xf32, #tpu.memory_space<hbm>>
    %dma_start3A_42 = arith.constant 0 : i32
    %dma_start3A_43 = tpu.memref_slice %arg9[%dma_start3A_37, %dma_start3A_42] : memref<4x5000xf32, #tpu.memory_space<vmem>> -> memref<1x5000xf32, #tpu.memory_space<vmem>>
    %dma_start3A_44 = tpu.memref_squeeze %dma_start3A_43 : memref<1x5000xf32, #tpu.memory_space<vmem>> -> memref<5000xf32, #tpu.memory_space<vmem>>
    %dma_start3A_45 = tpu.memref_slice %arg5[%mul3A_36] : memref<25000000xf32, #tpu.memory_space<hbm>> -> memref<5000xf32, #tpu.memory_space<hbm>>
    tpu.enqueue_dma source(%dma_start3A_45 : memref<5000xf32, #tpu.memory_space<hbm>>) target(%dma_start3A_44 : memref<5000xf32, #tpu.memory_space<vmem>>) target_semaphore(%arg14 : memref<!tpu.dma_semaphore, #tpu.memory_space<semaphore_mem>>)
    %slice3A_46 = vector.extract_strided_slice %get3A_9 {offsets = [3], sizes = [1], strides = [1]} : vector<16xi32> to vector<1xi32>
    %squeeze3A_47 = vector.extract %slice3A_46[0] : i32 from vector<1xi32>
    %mul3A_48 = arith.constant 5000 : i32
    %mul3A_49 = arith.muli %squeeze3A_47, %mul3A_48 : i32
    %dma_start3A_50 = arith.constant 3 : i32
    %dma_start3A_51 = arith.constant 0 : i32
    %dma_start3A_52 = tpu.memref_slice %arg9[%dma_start3A_50, %dma_start3A_51] : memref<4x5000xf32, #tpu.memory_space<vmem>> -> memref<1x5000xf32, #tpu.memory_space<vmem>>
    %dma_start3A_53 = tpu.memref_squeeze %dma_start3A_52 : memref<1x5000xf32, #tpu.memory_space<vmem>> -> memref<5000xf32, #tpu.memory_space<vmem>>
    %dma_start3A_54 = tpu.memref_slice %arg5[%mul3A_49] : memref<25000000xf32, #tpu.memory_space<hbm>> -> memref<5000xf32, #tpu.memory_space<hbm>>
    %dma_start3A_55 = arith.constant 0 : i32
    %dma_start3A_56 = tpu.memref_slice %arg9[%dma_start3A_50, %dma_start3A_55] : memref<4x5000xf32, #tpu.memory_space<vmem>> -> memref<1x5000xf32, #tpu.memory_space<vmem>>
    %dma_start3A_57 = tpu.memref_squeeze %dma_start3A_56 : memref<1x5000xf32, #tpu.memory_space<vmem>> -> memref<5000xf32, #tpu.memory_space<vmem>>
    %dma_start3A_58 = tpu.memref_slice %arg5[%mul3A_49] : memref<25000000xf32, #tpu.memory_space<hbm>> -> memref<5000xf32, #tpu.memory_space<hbm>>
    tpu.enqueue_dma source(%dma_start3A_58 : memref<5000xf32, #tpu.memory_space<hbm>>) target(%dma_start3A_57 : memref<5000xf32, #tpu.memory_space<vmem>>) target_semaphore(%arg14 : memref<!tpu.dma_semaphore, #tpu.memory_space<semaphore_mem>>)
    %add3A_59 = arith.addi %mul3A_2, %min3A_8 : i32
    %min3A_60 = arith.constant 6396 : i32
    %min3A_61 = arith.minsi %add3A_59, %min3A_60 : i32
    %mul3A_62 = arith.constant 5000 : i32
    %mul3A_63 = arith.muli %min3A_61, %mul3A_62 : i32
    %dma_start3A_64 = arith.constant 0 : i32
    %dma_start3A_65 = tpu.memref_slice %arg11[%dma_start3A_64] : memref<20016xf32, #tpu.memory_space<vmem>> -> memref<20000xf32, #tpu.memory_space<vmem>>
    %dma_start3A_66 = tpu.memref_slice %arg2[%mul3A_63] : memref<32000000xf32, #tpu.memory_space<hbm>> -> memref<20000xf32, #tpu.memory_space<hbm>>
    %dma_start3A_67 = arith.constant 0 : i32
    %dma_start3A_68 = tpu.memref_slice %arg11[%dma_start3A_67] : memref<20016xf32, #tpu.memory_space<vmem>> -> memref<20000xf32, #tpu.memory_space<vmem>>
    %dma_start3A_69 = tpu.memref_slice %arg2[%mul3A_63] : memref<32000000xf32, #tpu.memory_space<hbm>> -> memref<20000xf32, #tpu.memory_space<hbm>>
    tpu.enqueue_dma source(%dma_start3A_69 : memref<20000xf32, #tpu.memory_space<hbm>>) target(%dma_start3A_68 : memref<20000xf32, #tpu.memory_space<vmem>>) target_semaphore(%arg16 : memref<!tpu.dma_semaphore, #tpu.memory_space<semaphore_mem>>)
    %broadcast_in_dim3A_70 = arith.constant 0.000000e+00 : f32
    %broadcast_in_dim3A_71 = vector.broadcast %broadcast_in_dim3A_70 : f32 to vector<16xf32>
    %scan3A = arith.constant 0 : i32
    %scan3A_72 = arith.constant 26 : i32
    %scan3A_73 = arith.addi %scan3A, %scan3A_72 : i32
    %scan3A_74 = arith.constant 1 : i32
    %scan3A_75:3 = scf.for %scan3A_148 = %scan3A to %scan3A_73 step %scan3A_74 iter_args(%scan3A_149 = %broadcast_in_dim3A_71, %scan3A_150 = %broadcast_in_dim3A_71, %scan3A_151 = %broadcast_in_dim3A_71) -> (vector<16xf32>, vector<16xf32>, vector<16xf32>)  : i32 {
      %mul3A_152 = arith.constant 8 : i32
      %mul3A_153 = arith.muli %scan3A_148, %mul3A_152 : i32
      %add3A_154 = arith.constant 4 : i32
      %add3A_155 = arith.addi %mul3A_153, %add3A_154 : i32
      %min3A_156 = arith.constant 204 : i32
      %min3A_157 = arith.minsi %add3A_155, %min3A_156 : i32
      %get3A_158 = arith.index_cast %min3A_157 : i32 to index
      %get3A_159 = tpu.vector_load %arg7[%get3A_158] {strides = array<i32>} : memref<224xi32, #tpu.memory_space<vmem>>, vector<16xi32>,
      %slice3A_160 = vector.extract_strided_slice %get3A_159 {offsets = [0], sizes = [1], strides = [1]} : vector<16xi32> to vector<1xi32>
      %squeeze3A_161 = vector.extract %slice3A_160[0] : i32 from vector<1xi32>
      %mul3A_162 = arith.constant 5000 : i32
      %mul3A_163 = arith.muli %squeeze3A_161, %mul3A_162 : i32
      %dma_start3A_164 = arith.constant 0 : i32
      %dma_start3A_165 = arith.constant 0 : i32
      %dma_start3A_166 = tpu.memref_slice %arg10[%dma_start3A_164, %dma_start3A_165] : memref<4x5000xf32, #tpu.memory_space<vmem>> -> memref<1x5000xf32, #tpu.memory_space<vmem>>
      %dma_start3A_167 = tpu.memref_squeeze %dma_start3A_166 : memref<1x5000xf32, #tpu.memory_space<vmem>> -> memref<5000xf32, #tpu.memory_space<vmem>>
      %dma_start3A_168 = tpu.memref_slice %arg5[%mul3A_163] : memref<25000000xf32, #tpu.memory_space<hbm>> -> memref<5000xf32, #tpu.memory_space<hbm>>
      %dma_start3A_169 = arith.constant 0 : i32
      %dma_start3A_170 = tpu.memref_slice %arg10[%dma_start3A_164, %dma_start3A_169] : memref<4x5000xf32, #tpu.memory_space<vmem>> -> memref<1x5000xf32, #tpu.memory_space<vmem>>
      %dma_start3A_171 = tpu.memref_squeeze %dma_start3A_170 : memref<1x5000xf32, #tpu.memory_space<vmem>> -> memref<5000xf32, #tpu.memory_space<vmem>>
      %dma_start3A_172 = tpu.memref_slice %arg5[%mul3A_163] : memref<25000000xf32, #tpu.memory_space<hbm>> -> memref<5000xf32, #tpu.memory_space<hbm>>
      tpu.enqueue_dma source(%dma_start3A_172 : memref<5000xf32, #tpu.memory_space<hbm>>) target(%dma_start3A_171 : memref<5000xf32, #tpu.memory_space<vmem>>) target_semaphore(%arg15 : memref<!tpu.dma_semaphore, #tpu.memory_space<semaphore_mem>>)
      %slice3A_173 = vector.extract_strided_slice %get3A_159 {offsets = [1], sizes = [1], strides = [1]} : vector<16xi32> to vector<1xi32>
      %squeeze3A_174 = vector.extract %slice3A_173[0] : i32 from vector<1xi32>
      %mul3A_175 = arith.constant 5000 : i32
      %mul3A_176 = arith.muli %squeeze3A_174, %mul3A_175 : i32
      %dma_start3A_177 = arith.constant 1 : i32
      %dma_start3A_178 = arith.constant 0 : i32
      %dma_start3A_179 = tpu.memref_slice %arg10[%dma_start3A_177, %dma_start3A_178] : memref<4x5000xf32, #tpu.memory_space<vmem>> -> memref<1x5000xf32, #tpu.memory_space<vmem>>
      %dma_start3A_180 = tpu.memref_squeeze %dma_start3A_179 : memref<1x5000xf32, #tpu.memory_space<vmem>> -> memref<5000xf32, #tpu.memory_space<vmem>>
      %dma_start3A_181 = tpu.memref_slice %arg5[%mul3A_176] : memref<25000000xf32, #tpu.memory_space<hbm>> -> memref<5000xf32, #tpu.memory_space<hbm>>
      %dma_start3A_182 = arith.constant 0 : i32
      %dma_start3A_183 = tpu.memref_slice %arg10[%dma_start3A_177, %dma_start3A_182] : memref<4x5000xf32, #tpu.memory_space<vmem>> -> memref<1x5000xf32, #tpu.memory_space<vmem>>
      %dma_start3A_184 = tpu.memref_squeeze %dma_start3A_183 : memref<1x5000xf32, #tpu.memory_space<vmem>> -> memref<5000xf32, #tpu.memory_space<vmem>>
      %dma_start3A_185 = tpu.memref_slice %arg5[%mul3A_176] : memref<25000000xf32, #tpu.memory_space<hbm>> -> memref<5000xf32, #tpu.memory_space<hbm>>
      tpu.enqueue_dma source(%dma_start3A_185 : memref<5000xf32, #tpu.memory_space<hbm>>) target(%dma_start3A_184 : memref<5000xf32, #tpu.memory_space<vmem>>) target_semaphore(%arg15 : memref<!tpu.dma_semaphore, #tpu.memory_space<semaphore_mem>>)
      %slice3A_186 = vector.extract_strided_slice %get3A_159 {offsets = [2], sizes = [1], strides = [1]} : vector<16xi32> to vector<1xi32>
      %squeeze3A_187 = vector.extract %slice3A_186[0] : i32 from vector<1xi32>
      %mul3A_188 = arith.constant 5000 : i32
      %mul3A_189 = arith.muli %squeeze3A_187, %mul3A_188 : i32
      %dma_start3A_190 = arith.constant 2 : i32
      %dma_start3A_191 = arith.constant 0 : i32
      %dma_start3A_192 = tpu.memref_slice %arg10[%dma_start3A_190, %dma_start3A_191] : memref<4x5000xf32, #tpu.memory_space<vmem>> -> memref<1x5000xf32, #tpu.memory_space<vmem>>
      %dma_start3A_193 = tpu.memref_squeeze %dma_start3A_192 : memref<1x5000xf32, #tpu.memory_space<vmem>> -> memref<5000xf32, #tpu.memory_space<vmem>>
      %dma_start3A_194 = tpu.memref_slice %arg5[%mul3A_189] : memref<25000000xf32, #tpu.memory_space<hbm>> -> memref<5000xf32, #tpu.memory_space<hbm>>
      %dma_start3A_195 = arith.constant 0 : i32
      %dma_start3A_196 = tpu.memref_slice %arg10[%dma_start3A_190, %dma_start3A_195] : memref<4x5000xf32, #tpu.memory_space<vmem>> -> memref<1x5000xf32, #tpu.memory_space<vmem>>
      %dma_start3A_197 = tpu.memref_squeeze %dma_start3A_196 : memref<1x5000xf32, #tpu.memory_space<vmem>> -> memref<5000xf32, #tpu.memory_space<vmem>>
      %dma_start3A_198 = tpu.memref_slice %arg5[%mul3A_189] : memref<25000000xf32, #tpu.memory_space<hbm>> -> memref<5000xf32, #tpu.memory_space<hbm>>
      tpu.enqueue_dma source(%dma_start3A_198 : memref<5000xf32, #tpu.memory_space<hbm>>) target(%dma_start3A_197 : memref<5000xf32, #tpu.memory_space<vmem>>) target_semaphore(%arg15 : memref<!tpu.dma_semaphore, #tpu.memory_space<semaphore_mem>>)
      %slice3A_199 = vector.extract_strided_slice %get3A_159 {offsets = [3], sizes = [1], strides = [1]} : vector<16xi32> to vector<1xi32>
      %squeeze3A_200 = vector.extract %slice3A_199[0] : i32 from vector<1xi32>
      %mul3A_201 = arith.constant 5000 : i32
      %mul3A_202 = arith.muli %squeeze3A_200, %mul3A_201 : i32
      %dma_start3A_203 = arith.constant 3 : i32
      %dma_start3A_204 = arith.constant 0 : i32
      %dma_start3A_205 = tpu.memref_slice %arg10[%dma_start3A_203, %dma_start3A_204] : memref<4x5000xf32, #tpu.memory_space<vmem>> -> memref<1x5000xf32, #tpu.memory_space<vmem>>
      %dma_start3A_206 = tpu.memref_squeeze %dma_start3A_205 : memref<1x5000xf32, #tpu.memory_space<vmem>> -> memref<5000xf32, #tpu.memory_space<vmem>>
      %dma_start3A_207 = tpu.memref_slice %arg5[%mul3A_202] : memref<25000000xf32, #tpu.memory_space<hbm>> -> memref<5000xf32, #tpu.memory_space<hbm>>
      %dma_start3A_208 = arith.constant 0 : i32
      %dma_start3A_209 = tpu.memref_slice %arg10[%dma_start3A_203, %dma_start3A_208] : memref<4x5000xf32, #tpu.memory_space<vmem>> -> memref<1x5000xf32, #tpu.memory_space<vmem>>
      %dma_start3A_210 = tpu.memref_squeeze %dma_start3A_209 : memref<1x5000xf32, #tpu.memory_space<vmem>> -> memref<5000xf32, #tpu.memory_space<vmem>>
      %dma_start3A_211 = tpu.memref_slice %arg5[%mul3A_202] : memref<25000000xf32, #tpu.memory_space<hbm>> -> memref<5000xf32, #tpu.memory_space<hbm>>
      tpu.enqueue_dma source(%dma_start3A_211 : memref<5000xf32, #tpu.memory_space<hbm>>) target(%dma_start3A_210 : memref<5000xf32, #tpu.memory_space<vmem>>) target_semaphore(%arg15 : memref<!tpu.dma_semaphore, #tpu.memory_space<semaphore_mem>>)
      %add3A_212 = arith.addi %mul3A_2, %min3A_157 : i32
      %min3A_213 = arith.constant 6396 : i32
      %min3A_214 = arith.minsi %add3A_212, %min3A_213 : i32
      %mul3A_215 = arith.constant 5000 : i32
      %mul3A_216 = arith.muli %min3A_214, %mul3A_215 : i32
      %dma_start3A_217 = arith.constant 0 : i32
      %dma_start3A_218 = tpu.memref_slice %arg12[%dma_start3A_217] : memref<20016xf32, #tpu.memory_space<vmem>> -> memref<20000xf32, #tpu.memory_space<vmem>>
      %dma_start3A_219 = tpu.memref_slice %arg2[%mul3A_216] : memref<32000000xf32, #tpu.memory_space<hbm>> -> memref<20000xf32, #tpu.memory_space<hbm>>
      %dma_start3A_220 = arith.constant 0 : i32
      %dma_start3A_221 = tpu.memref_slice %arg12[%dma_start3A_220] : memref<20016xf32, #tpu.memory_space<vmem>> -> memref<20000xf32, #tpu.memory_space<vmem>>
      %dma_start3A_222 = tpu.memref_slice %arg2[%mul3A_216] : memref<32000000xf32, #tpu.memory_space<hbm>> -> memref<20000xf32, #tpu.memory_space<hbm>>
      tpu.enqueue_dma source(%dma_start3A_222 : memref<20000xf32, #tpu.memory_space<hbm>>) target(%dma_start3A_221 : memref<20000xf32, #tpu.memory_space<vmem>>) target_semaphore(%arg17 : memref<!tpu.dma_semaphore, #tpu.memory_space<semaphore_mem>>)
      %dma_wait3A_223 = arith.constant 0 : i32
      %dma_wait3A_224 = arith.constant 0 : i32
      %dma_wait3A_225 = tpu.memref_slice %arg9[%dma_wait3A_223, %dma_wait3A_224] : memref<4x5000xf32, #tpu.memory_space<vmem>> -> memref<1x5000xf32, #tpu.memory_space<vmem>>
      %dma_wait3A_226 = tpu.memref_squeeze %dma_wait3A_225 : memref<1x5000xf32, #tpu.memory_space<vmem>> -> memref<5000xf32, #tpu.memory_space<vmem>>
      %dma_wait3A_227 = arith.constant 0 : i32
      %dma_wait3A_228 = tpu.memref_slice %arg5[%dma_wait3A_227] : memref<25000000xf32, #tpu.memory_space<hbm>> -> memref<5000xf32, #tpu.memory_space<hbm>>
      %dma_wait3A_229 = arith.constant 0 : i32
      %dma_wait3A_230 = tpu.memref_slice %arg9[%dma_wait3A_223, %dma_wait3A_229] : memref<4x5000xf32, #tpu.memory_space<vmem>> -> memref<1x5000xf32, #tpu.memory_space<vmem>>
      %dma_wait3A_231 = tpu.memref_squeeze %dma_wait3A_230 : memref<1x5000xf32, #tpu.memory_space<vmem>> -> memref<5000xf32, #tpu.memory_space<vmem>>
      %dma_wait3A_232 = arith.constant 0 : i32
      %dma_wait3A_233 = tpu.memref_slice %arg5[%dma_wait3A_232] : memref<25000000xf32, #tpu.memory_space<hbm>> -> memref<5000xf32, #tpu.memory_space<hbm>>
      tpu.wait_dma2 semaphore(%arg14 : memref<!tpu.dma_semaphore, #tpu.memory_space<semaphore_mem>>) src(%dma_wait3A_233 : memref<5000xf32, #tpu.memory_space<hbm>>) dst(%dma_wait3A_231 : memref<5000xf32, #tpu.memory_space<vmem>>)
      %dma_wait3A_234 = arith.constant 1 : i32
      %dma_wait3A_235 = arith.constant 0 : i32
      %dma_wait3A_236 = tpu.memref_slice %arg9[%dma_wait3A_234, %dma_wait3A_235] : memref<4x5000xf32, #tpu.memory_space<vmem>> -> memref<1x5000xf32, #tpu.memory_space<vmem>>
      %dma_wait3A_237 = tpu.memref_squeeze %dma_wait3A_236 : memref<1x5000xf32, #tpu.memory_space<vmem>> -> memref<5000xf32, #tpu.memory_space<vmem>>
      %dma_wait3A_238 = arith.constant 0 : i32
      %dma_wait3A_239 = tpu.memref_slice %arg5[%dma_wait3A_238] : memref<25000000xf32, #tpu.memory_space<hbm>> -> memref<5000xf32, #tpu.memory_space<hbm>>
      %dma_wait3A_240 = arith.constant 0 : i32
      %dma_wait3A_241 = tpu.memref_slice %arg9[%dma_wait3A_234, %dma_wait3A_240] : memref<4x5000xf32, #tpu.memory_space<vmem>> -> memref<1x5000xf32, #tpu.memory_space<vmem>>
      %dma_wait3A_242 = tpu.memref_squeeze %dma_wait3A_241 : memref<1x5000xf32, #tpu.memory_space<vmem>> -> memref<5000xf32, #tpu.memory_space<vmem>>
      %dma_wait3A_243 = arith.constant 0 : i32
      %dma_wait3A_244 = tpu.memref_slice %arg5[%dma_wait3A_243] : memref<25000000xf32, #tpu.memory_space<hbm>> -> memref<5000xf32, #tpu.memory_space<hbm>>
      tpu.wait_dma2 semaphore(%arg14 : memref<!tpu.dma_semaphore, #tpu.memory_space<semaphore_mem>>) src(%dma_wait3A_244 : memref<5000xf32, #tpu.memory_space<hbm>>) dst(%dma_wait3A_242 : memref<5000xf32, #tpu.memory_space<vmem>>)
      %dma_wait3A_245 = arith.constant 2 : i32
      %dma_wait3A_246 = arith.constant 0 : i32
      %dma_wait3A_247 = tpu.memref_slice %arg9[%dma_wait3A_245, %dma_wait3A_246] : memref<4x5000xf32, #tpu.memory_space<vmem>> -> memref<1x5000xf32, #tpu.memory_space<vmem>>
      %dma_wait3A_248 = tpu.memref_squeeze %dma_wait3A_247 : memref<1x5000xf32, #tpu.memory_space<vmem>> -> memref<5000xf32, #tpu.memory_space<vmem>>
      %dma_wait3A_249 = arith.constant 0 : i32
      %dma_wait3A_250 = tpu.memref_slice %arg5[%dma_wait3A_249] : memref<25000000xf32, #tpu.memory_space<hbm>> -> memref<5000xf32, #tpu.memory_space<hbm>>
      %dma_wait3A_251 = arith.constant 0 : i32
      %dma_wait3A_252 = tpu.memref_slice %arg9[%dma_wait3A_245, %dma_wait3A_251] : memref<4x5000xf32, #tpu.memory_space<vmem>> -> memref<1x5000xf32, #tpu.memory_space<vmem>>
      %dma_wait3A_253 = tpu.memref_squeeze %dma_wait3A_252 : memref<1x5000xf32, #tpu.memory_space<vmem>> -> memref<5000xf32, #tpu.memory_space<vmem>>
      %dma_wait3A_254 = arith.constant 0 : i32
      %dma_wait3A_255 = tpu.memref_slice %arg5[%dma_wait3A_254] : memref<25000000xf32, #tpu.memory_space<hbm>> -> memref<5000xf32, #tpu.memory_space<hbm>>
      tpu.wait_dma2 semaphore(%arg14 : memref<!tpu.dma_semaphore, #tpu.memory_space<semaphore_mem>>) src(%dma_wait3A_255 : memref<5000xf32, #tpu.memory_space<hbm>>) dst(%dma_wait3A_253 : memref<5000xf32, #tpu.memory_space<vmem>>)
      %dma_wait3A_256 = arith.constant 3 : i32
      %dma_wait3A_257 = arith.constant 0 : i32
      %dma_wait3A_258 = tpu.memref_slice %arg9[%dma_wait3A_256, %dma_wait3A_257] : memref<4x5000xf32, #tpu.memory_space<vmem>> -> memref<1x5000xf32, #tpu.memory_space<vmem>>
      %dma_wait3A_259 = tpu.memref_squeeze %dma_wait3A_258 : memref<1x5000xf32, #tpu.memory_space<vmem>> -> memref<5000xf32, #tpu.memory_space<vmem>>
      %dma_wait3A_260 = arith.constant 0 : i32
      %dma_wait3A_261 = tpu.memref_slice %arg5[%dma_wait3A_260] : memref<25000000xf32, #tpu.memory_space<hbm>> -> memref<5000xf32, #tpu.memory_space<hbm>>
      %dma_wait3A_262 = arith.constant 0 : i32
      %dma_wait3A_263 = tpu.memref_slice %arg9[%dma_wait3A_256, %dma_wait3A_262] : memref<4x5000xf32, #tpu.memory_space<vmem>> -> memref<1x5000xf32, #tpu.memory_space<vmem>>
      %dma_wait3A_264 = tpu.memref_squeeze %dma_wait3A_263 : memref<1x5000xf32, #tpu.memory_space<vmem>> -> memref<5000xf32, #tpu.memory_space<vmem>>
      %dma_wait3A_265 = arith.constant 0 : i32
      %dma_wait3A_266 = tpu.memref_slice %arg5[%dma_wait3A_265] : memref<25000000xf32, #tpu.memory_space<hbm>> -> memref<5000xf32, #tpu.memory_space<hbm>>
      tpu.wait_dma2 semaphore(%arg14 : memref<!tpu.dma_semaphore, #tpu.memory_space<semaphore_mem>>) src(%dma_wait3A_266 : memref<5000xf32, #tpu.memory_space<hbm>>) dst(%dma_wait3A_264 : memref<5000xf32, #tpu.memory_space<vmem>>)
      %dma_wait3A_267 = arith.constant 0 : i32
      %dma_wait3A_268 = tpu.memref_slice %arg11[%dma_wait3A_267] : memref<20016xf32, #tpu.memory_space<vmem>> -> memref<20000xf32, #tpu.memory_space<vmem>>
      %dma_wait3A_269 = arith.constant 0 : i32
      %dma_wait3A_270 = tpu.memref_slice %arg2[%dma_wait3A_269] : memref<32000000xf32, #tpu.memory_space<hbm>> -> memref<20000xf32, #tpu.memory_space<hbm>>
      %dma_wait3A_271 = arith.constant 0 : i32
      %dma_wait3A_272 = tpu.memref_slice %arg11[%dma_wait3A_271] : memref<20016xf32, #tpu.memory_space<vmem>> -> memref<20000xf32, #tpu.memory_space<vmem>>
      %dma_wait3A_273 = arith.constant 0 : i32
      %dma_wait3A_274 = tpu.memref_slice %arg2[%dma_wait3A_273] : memref<32000000xf32, #tpu.memory_space<hbm>> -> memref<20000xf32, #tpu.memory_space<hbm>>
      tpu.wait_dma2 semaphore(%arg16 : memref<!tpu.dma_semaphore, #tpu.memory_space<semaphore_mem>>) src(%dma_wait3A_274 : memref<20000xf32, #tpu.memory_space<hbm>>) dst(%dma_wait3A_272 : memref<20000xf32, #tpu.memory_space<vmem>>)
      %add3A_275 = arith.constant 0 : i32
      %add3A_276 = arith.addi %mul3A_153, %add3A_275 : i32
      %broadcast_in_dim3A_277 = arith.constant 0.000000e+00 : f32
      %broadcast_in_dim3A_278 = vector.broadcast %broadcast_in_dim3A_277 : f32 to vector<16xf32>
      %broadcast_in_dim3A_279 = arith.constant 0.000000e+00 : f32
      %broadcast_in_dim3A_280 = vector.broadcast %broadcast_in_dim3A_279 : f32 to vector<16xf32>
      %broadcast_in_dim3A_281 = arith.constant 0.000000e+00 : f32
      %broadcast_in_dim3A_282 = vector.broadcast %broadcast_in_dim3A_281 : f32 to vector<16xf32>
      %broadcast_in_dim3A_283 = arith.constant 0.000000e+00 : f32
      %broadcast_in_dim3A_284 = vector.broadcast %broadcast_in_dim3A_283 : f32 to vector<16xf32>
      %broadcast_in_dim3A_285 = arith.constant 0.000000e+00 : f32
      %broadcast_in_dim3A_286 = vector.broadcast %broadcast_in_dim3A_285 : f32 to vector<16xf32>
      %broadcast_in_dim3A_287 = arith.constant 0.000000e+00 : f32
      %broadcast_in_dim3A_288 = vector.broadcast %broadcast_in_dim3A_287 : f32 to vector<16xf32>
      %broadcast_in_dim3A_289 = arith.constant 0.000000e+00 : f32
      %broadcast_in_dim3A_290 = vector.broadcast %broadcast_in_dim3A_289 : f32 to vector<16xf32>
      %broadcast_in_dim3A_291 = arith.constant 0.000000e+00 : f32
      %broadcast_in_dim3A_292 = vector.broadcast %broadcast_in_dim3A_291 : f32 to vector<16xf32>
      %scan3A_293 = arith.constant 0 : i32
      %scan3A_294 = arith.constant 39 : i32
      %scan3A_295 = arith.addi %scan3A_293, %scan3A_294 : i32
      %scan3A_296 = arith.constant 1 : i32
      %scan3A_297:8 = scf.for %scan3A_1032 = %scan3A_293 to %scan3A_295 step %scan3A_296 iter_args(%scan3A_1033 = %broadcast_in_dim3A_278, %scan3A_1034 = %broadcast_in_dim3A_280, %scan3A_1035 = %broadcast_in_dim3A_282, %scan3A_1036 = %broadcast_in_dim3A_284, %scan3A_1037 = %broadcast_in_dim3A_286, %scan3A_1038 = %broadcast_in_dim3A_288, %scan3A_1039 = %broadcast_in_dim3A_290, %scan3A_1040 = %broadcast_in_dim3A_292) -> (vector<16xf32>, vector<16xf32>, vector<16xf32>, vector<16xf32>, vector<16xf32>, vector<16xf32>, vector<16xf32>, vector<16xf32>)  : i32 {
        %mul3A_1041 = arith.constant 128 : i32
        %mul3A_1042 = arith.muli %scan3A_1032, %mul3A_1041 : i32
        %add3A_1043 = arith.constant 0 : i32
        %add3A_1044 = arith.addi %mul3A_1042, %add3A_1043 : i32
        %get3A_1045 = arith.constant 0 : i32
        %get3A_1046 = arith.index_cast %get3A_1045 : i32 to index
        %get3A_1047 = arith.index_cast %add3A_1044 : i32 to index
        %get3A_1048 = tpu.vector_load %arg9[%get3A_1046, %get3A_1047] {strides = array<i32>} : memref<4x5000xf32, #tpu.memory_space<vmem>>, vector<16xf32>,
        %add3A_1049 = arith.constant 0 : i32
        %add3A_1050 = arith.addi %add3A_1049, %mul3A_1042 : i32
        %add3A_1051 = arith.constant 0 : i32
        %add3A_1052 = arith.addi %add3A_1050, %add3A_1051 : i32
        %get3A_1053 = arith.index_cast %add3A_1052 : i32 to index
        %get3A_1054 = tpu.vector_load %arg11[%get3A_1053] {strides = array<i32>} : memref<20016xf32, #tpu.memory_space<vmem>>, vector<16xf32>,
        %mul3A_1055 = arith.constant 1.000000e+01 : f32
        %mul3A_1056 = vector.broadcast %mul3A_1055 : f32 to vector<16xf32>
        %mul3A_1057 = arith.mulf %get3A_1048, %mul3A_1056 : vector<16xf32>
        %exp3A_1058 = math.exp %mul3A_1057 : vector<16xf32>
        %add3A_1059 = arith.addf %scan3A_1033, %exp3A_1058 : vector<16xf32>
        %mul3A_1060 = arith.mulf %get3A_1054, %exp3A_1058 : vector<16xf32>
        %add3A_1061 = arith.addf %scan3A_1037, %mul3A_1060 : vector<16xf32>
        %add3A_1062 = arith.constant 16 : i32
        %add3A_1063 = arith.addi %mul3A_1042, %add3A_1062 : i32
        %get3A_1064 = arith.constant 0 : i32
        %get3A_1065 = arith.index_cast %get3A_1064 : i32 to index
        %get3A_1066 = arith.index_cast %add3A_1063 : i32 to index
        %get3A_1067 = tpu.vector_load %arg9[%get3A_1065, %get3A_1066] {strides = array<i32>} : memref<4x5000xf32, #tpu.memory_space<vmem>>, vector<16xf32>,
        %add3A_1068 = arith.constant 0 : i32
        %add3A_1069 = arith.addi %add3A_1068, %mul3A_1042 : i32
        %add3A_1070 = arith.constant 16 : i32
        %add3A_1071 = arith.addi %add3A_1069, %add3A_1070 : i32
        %get3A_1072 = arith.index_cast %add3A_1071 : i32 to index
        %get3A_1073 = tpu.vector_load %arg11[%get3A_1072] {strides = array<i32>} : memref<20016xf32, #tpu.memory_space<vmem>>, vector<16xf32>,
        %mul3A_1074 = arith.constant 1.000000e+01 : f32
        %mul3A_1075 = vector.broadcast %mul3A_1074 : f32 to vector<16xf32>
        %mul3A_1076 = arith.mulf %get3A_1067, %mul3A_1075 : vector<16xf32>
        %exp3A_1077 = math.exp %mul3A_1076 : vector<16xf32>
        %add3A_1078 = arith.addf %scan3A_1034, %exp3A_1077 : vector<16xf32>
        %mul3A_1079 = arith.mulf %get3A_1073, %exp3A_1077 : vector<16xf32>
        %add3A_1080 = arith.addf %scan3A_1038, %mul3A_1079 : vector<16xf32>
        %add3A_1081 = arith.constant 32 : i32
        %add3A_1082 = arith.addi %mul3A_1042, %add3A_1081 : i32
        %get3A_1083 = arith.constant 0 : i32
        %get3A_1084 = arith.index_cast %get3A_1083 : i32 to index
        %get3A_1085 = arith.index_cast %add3A_1082 : i32 to index
        %get3A_1086 = tpu.vector_load %arg9[%get3A_1084, %get3A_1085] {strides = array<i32>} : memref<4x5000xf32, #tpu.memory_space<vmem>>, vector<16xf32>,
        %add3A_1087 = arith.constant 0 : i32
        %add3A_1088 = arith.addi %add3A_1087, %mul3A_1042 : i32
        %add3A_1089 = arith.constant 32 : i32
        %add3A_1090 = arith.addi %add3A_1088, %add3A_1089 : i32
        %get3A_1091 = arith.index_cast %add3A_1090 : i32 to index
        %get3A_1092 = tpu.vector_load %arg11[%get3A_1091] {strides = array<i32>} : memref<20016xf32, #tpu.memory_space<vmem>>, vector<16xf32>,
        %mul3A_1093 = arith.constant 1.000000e+01 : f32
        %mul3A_1094 = vector.broadcast %mul3A_1093 : f32 to vector<16xf32>
        %mul3A_1095 = arith.mulf %get3A_1086, %mul3A_1094 : vector<16xf32>
        %exp3A_1096 = math.exp %mul3A_1095 : vector<16xf32>
        %add3A_1097 = arith.addf %scan3A_1035, %exp3A_1096 : vector<16xf32>
        %mul3A_1098 = arith.mulf %get3A_1092, %exp3A_1096 : vector<16xf32>
        %add3A_1099 = arith.addf %scan3A_1039, %mul3A_1098 : vector<16xf32>
        %add3A_1100 = arith.constant 48 : i32
        %add3A_1101 = arith.addi %mul3A_1042, %add3A_1100 : i32
        %get3A_1102 = arith.constant 0 : i32
        %get3A_1103 = arith.index_cast %get3A_1102 : i32 to index
        %get3A_1104 = arith.index_cast %add3A_1101 : i32 to index
        %get3A_1105 = tpu.vector_load %arg9[%get3A_1103, %get3A_1104] {strides = array<i32>} : memref<4x5000xf32, #tpu.memory_space<vmem>>, vector<16xf32>,
        %add3A_1106 = arith.constant 0 : i32
        %add3A_1107 = arith.addi %add3A_1106, %mul3A_1042 : i32
        %add3A_1108 = arith.constant 48 : i32
        %add3A_1109 = arith.addi %add3A_1107, %add3A_1108 : i32
        %get3A_1110 = arith.index_cast %add3A_1109 : i32 to index
        %get3A_1111 = tpu.vector_load %arg11[%get3A_1110] {strides = array<i32>} : memref<20016xf32, #tpu.memory_space<vmem>>, vector<16xf32>,
        %mul3A_1112 = arith.constant 1.000000e+01 : f32
        %mul3A_1113 = vector.broadcast %mul3A_1112 : f32 to vector<16xf32>
        %mul3A_1114 = arith.mulf %get3A_1105, %mul3A_1113 : vector<16xf32>
        %exp3A_1115 = math.exp %mul3A_1114 : vector<16xf32>
        %add3A_1116 = arith.addf %scan3A_1036, %exp3A_1115 : vector<16xf32>
        %mul3A_1117 = arith.mulf %get3A_1111, %exp3A_1115 : vector<16xf32>
        %add3A_1118 = arith.addf %scan3A_1040, %mul3A_1117 : vector<16xf32>
        %add3A_1119 = arith.constant 64 : i32
        %add3A_1120 = arith.addi %mul3A_1042, %add3A_1119 : i32
        %get3A_1121 = arith.constant 0 : i32
        %get3A_1122 = arith.index_cast %get3A_1121 : i32 to index
        %get3A_1123 = arith.index_cast %add3A_1120 : i32 to index
        %get3A_1124 = tpu.vector_load %arg9[%get3A_1122, %get3A_1123] {strides = array<i32>} : memref<4x5000xf32, #tpu.memory_space<vmem>>, vector<16xf32>,
        %add3A_1125 = arith.constant 0 : i32
        %add3A_1126 = arith.addi %add3A_1125, %mul3A_1042 : i32
        %add3A_1127 = arith.constant 64 : i32
        %add3A_1128 = arith.addi %add3A_1126, %add3A_1127 : i32
        %get3A_1129 = arith.index_cast %add3A_1128 : i32 to index
        %get3A_1130 = tpu.vector_load %arg11[%get3A_1129] {strides = array<i32>} : memref<20016xf32, #tpu.memory_space<vmem>>, vector<16xf32>,
        %mul3A_1131 = arith.constant 1.000000e+01 : f32
        %mul3A_1132 = vector.broadcast %mul3A_1131 : f32 to vector<16xf32>
        %mul3A_1133 = arith.mulf %get3A_1124, %mul3A_1132 : vector<16xf32>
        %exp3A_1134 = math.exp %mul3A_1133 : vector<16xf32>
        %add3A_1135 = arith.addf %add3A_1059, %exp3A_1134 : vector<16xf32>
        %mul3A_1136 = arith.mulf %get3A_1130, %exp3A_1134 : vector<16xf32>
        %add3A_1137 = arith.addf %add3A_1061, %mul3A_1136 : vector<16xf32>
        %add3A_1138 = arith.constant 80 : i32
        %add3A_1139 = arith.addi %mul3A_1042, %add3A_1138 : i32
        %get3A_1140 = arith.constant 0 : i32
        %get3A_1141 = arith.index_cast %get3A_1140 : i32 to index
        %get3A_1142 = arith.index_cast %add3A_1139 : i32 to index
        %get3A_1143 = tpu.vector_load %arg9[%get3A_1141, %get3A_1142] {strides = array<i32>} : memref<4x5000xf32, #tpu.memory_space<vmem>>, vector<16xf32>,
        %add3A_1144 = arith.constant 0 : i32
        %add3A_1145 = arith.addi %add3A_1144, %mul3A_1042 : i32
        %add3A_1146 = arith.constant 80 : i32
        %add3A_1147 = arith.addi %add3A_1145, %add3A_1146 : i32
        %get3A_1148 = arith.index_cast %add3A_1147 : i32 to index
        %get3A_1149 = tpu.vector_load %arg11[%get3A_1148] {strides = array<i32>} : memref<20016xf32, #tpu.memory_space<vmem>>, vector<16xf32>,
        %mul3A_1150 = arith.constant 1.000000e+01 : f32
        %mul3A_1151 = vector.broadcast %mul3A_1150 : f32 to vector<16xf32>
        %mul3A_1152 = arith.mulf %get3A_1143, %mul3A_1151 : vector<16xf32>
        %exp3A_1153 = math.exp %mul3A_1152 : vector<16xf32>
        %add3A_1154 = arith.addf %add3A_1078, %exp3A_1153 : vector<16xf32>
        %mul3A_1155 = arith.mulf %get3A_1149, %exp3A_1153 : vector<16xf32>
        %add3A_1156 = arith.addf %add3A_1080, %mul3A_1155 : vector<16xf32>
        %add3A_1157 = arith.constant 96 : i32
        %add3A_1158 = arith.addi %mul3A_1042, %add3A_1157 : i32
        %get3A_1159 = arith.constant 0 : i32
        %get3A_1160 = arith.index_cast %get3A_1159 : i32 to index
        %get3A_1161 = arith.index_cast %add3A_1158 : i32 to index
        %get3A_1162 = tpu.vector_load %arg9[%get3A_1160, %get3A_1161] {strides = array<i32>} : memref<4x5000xf32, #tpu.memory_space<vmem>>, vector<16xf32>,
        %add3A_1163 = arith.constant 0 : i32
        %add3A_1164 = arith.addi %add3A_1163, %mul3A_1042 : i32
        %add3A_1165 = arith.constant 96 : i32
        %add3A_1166 = arith.addi %add3A_1164, %add3A_1165 : i32
        %get3A_1167 = arith.index_cast %add3A_1166 : i32 to index
        %get3A_1168 = tpu.vector_load %arg11[%get3A_1167] {strides = array<i32>} : memref<20016xf32, #tpu.memory_space<vmem>>, vector<16xf32>,
        %mul3A_1169 = arith.constant 1.000000e+01 : f32
        %mul3A_1170 = vector.broadcast %mul3A_1169 : f32 to vector<16xf32>
        %mul3A_1171 = arith.mulf %get3A_1162, %mul3A_1170 : vector<16xf32>
        %exp3A_1172 = math.exp %mul3A_1171 : vector<16xf32>
        %add3A_1173 = arith.addf %add3A_1097, %exp3A_1172 : vector<16xf32>
        %mul3A_1174 = arith.mulf %get3A_1168, %exp3A_1172 : vector<16xf32>
        %add3A_1175 = arith.addf %add3A_1099, %mul3A_1174 : vector<16xf32>
        %add3A_1176 = arith.constant 112 : i32
        %add3A_1177 = arith.addi %mul3A_1042, %add3A_1176 : i32
        %get3A_1178 = arith.constant 0 : i32
        %get3A_1179 = arith.index_cast %get3A_1178 : i32 to index
        %get3A_1180 = arith.index_cast %add3A_1177 : i32 to index
        %get3A_1181 = tpu.vector_load %arg9[%get3A_1179, %get3A_1180] {strides = array<i32>} : memref<4x5000xf32, #tpu.memory_space<vmem>>, vector<16xf32>,
        %add3A_1182 = arith.constant 0 : i32
        %add3A_1183 = arith.addi %add3A_1182, %mul3A_1042 : i32
        %add3A_1184 = arith.constant 112 : i32
        %add3A_1185 = arith.addi %add3A_1183, %add3A_1184 : i32
        %get3A_1186 = arith.index_cast %add3A_1185 : i32 to index
        %get3A_1187 = tpu.vector_load %arg11[%get3A_1186] {strides = array<i32>} : memref<20016xf32, #tpu.memory_space<vmem>>, vector<16xf32>,
        %mul3A_1188 = arith.constant 1.000000e+01 : f32
        %mul3A_1189 = vector.broadcast %mul3A_1188 : f32 to vector<16xf32>
        %mul3A_1190 = arith.mulf %get3A_1181, %mul3A_1189 : vector<16xf32>
        %exp3A_1191 = math.exp %mul3A_1190 : vector<16xf32>
        %add3A_1192 = arith.addf %add3A_1116, %exp3A_1191 : vector<16xf32>
        %mul3A_1193 = arith.mulf %get3A_1187, %exp3A_1191 : vector<16xf32>
        %add3A_1194 = arith.addf %add3A_1118, %mul3A_1193 : vector<16xf32>
        scf.yield %add3A_1135, %add3A_1154, %add3A_1173, %add3A_1192, %add3A_1137, %add3A_1156, %add3A_1175, %add3A_1194 : vector<16xf32>, vector<16xf32>, vector<16xf32>, vector<16xf32>, vector<16xf32>, vector<16xf32>, vector<16xf32>, vector<16xf32>
      }
      %scan3A_298 = arith.constant 39 : i32
      %get3A_299 = arith.constant 0 : i32
      %get3A_300 = arith.index_cast %get3A_299 : i32 to index
      %get3A_301 = arith.constant 4984 : index
      %get3A_302 = tpu.vector_load %arg9[%get3A_300, %get3A_301] {strides = array<i32>} : memref<4x5000xf32, #tpu.memory_space<vmem>>, vector<16xf32>,
      %get3A_303 = arith.constant 4984 : index
      %get3A_304 = tpu.vector_load %arg11[%get3A_303] {strides = array<i32>} : memref<20016xf32, #tpu.memory_space<vmem>>, vector<16xf32>,
      %mul3A_305 = arith.constant 1.000000e+01 : f32
      %mul3A_306 = vector.broadcast %mul3A_305 : f32 to vector<16xf32>
      %mul3A_307 = arith.mulf %get3A_302, %mul3A_306 : vector<16xf32>
      %exp3A = math.exp %mul3A_307 : vector<16xf32>
      %mul3A_308 = arith.mulf %exp3A, %select_n3A : vector<16xf32>
      %add3A_309 = arith.addf %scan3A_297#0, %scan3A_297#1 : vector<16xf32>
      %add3A_310 = arith.addf %scan3A_297#2, %scan3A_297#3 : vector<16xf32>
      %add3A_311 = arith.addf %add3A_309, %add3A_310 : vector<16xf32>
      %add3A_312 = arith.addf %add3A_311, %mul3A_308 : vector<16xf32>
      %add3A_313 = arith.addf %scan3A_297#4, %scan3A_297#5 : vector<16xf32>
      %add3A_314 = arith.addf %scan3A_297#6, %scan3A_297#7 : vector<16xf32>
      %add3A_315 = arith.addf %add3A_313, %add3A_314 : vector<16xf32>
      %mul3A_316 = arith.mulf %get3A_304, %mul3A_308 : vector<16xf32>
      %add3A_317 = arith.addf %add3A_315, %mul3A_316 : vector<16xf32>
      %reduce_sum3A = arith.constant true
      %reduce_sum3A_318 = vector.broadcast %reduce_sum3A : i1 to vector<16xi1>
      %reduce_sum3A_319 = tpu.scan <sum>, %add3A_312 masked %reduce_sum3A_318 : vector<16xf32>, vector<16xi1> -> vector<16xf32>
      %reduce_sum3A_320 = vector.extract %reduce_sum3A_319[15] : f32 from vector<16xf32>
      %broadcast_in_dim3A_321 = vector.broadcast %reduce_sum3A_320 : f32 to vector<16xf32>
      %reduce_sum3A_322 = arith.constant true
      %reduce_sum3A_323 = vector.broadcast %reduce_sum3A_322 : i1 to vector<16xi1>
      %reduce_sum3A_324 = tpu.scan <sum>, %add3A_317 masked %reduce_sum3A_323 : vector<16xf32>, vector<16xi1> -> vector<16xf32>
      %reduce_sum3A_325 = vector.extract %reduce_sum3A_324[15] : f32 from vector<16xf32>
      %broadcast_in_dim3A_326 = vector.broadcast %reduce_sum3A_325 : f32 to vector<16xf32>
      %get3A_327 = arith.index_cast %add3A_276 : i32 to index
      %get3A_328 = tpu.vector_load %arg8[%get3A_327] {strides = array<i32>} : memref<224xf32, #tpu.memory_space<vmem>>, vector<16xf32>,
      %slice3A_329 = vector.extract_strided_slice %get3A_328 {offsets = [0], sizes = [1], strides = [1]} : vector<16xf32> to vector<1xf32>
      %squeeze3A_330 = vector.extract %slice3A_329[0] : f32 from vector<1xf32>
      %broadcast_in_dim3A_331 = vector.broadcast %squeeze3A_330 : f32 to vector<16xf32>
      %get3A_332 = arith.index_cast %add3A_276 : i32 to index
      %get3A_333 = tpu.vector_load %arg7[%get3A_332] {strides = array<i32>} : memref<224xi32, #tpu.memory_space<vmem>>, vector<16xi32>,
      %slice3A_334 = vector.extract_strided_slice %get3A_333 {offsets = [0], sizes = [1], strides = [1]} : vector<16xi32> to vector<1xi32>
      %squeeze3A_335 = vector.extract %slice3A_334[0] : i32 from vector<1xi32>
      %add3A_336 = arith.constant 0 : i32
      %add3A_337 = arith.addi %add3A_336, %squeeze3A_335 : i32
      %get3A_338 = arith.index_cast %add3A_337 : i32 to index
      %get3A_339 = tpu.vector_load %arg11[%get3A_338] {strides = array<i32>} : memref<20016xf32, #tpu.memory_space<vmem>>, vector<16xf32>,
      %slice3A_340 = vector.extract_strided_slice %get3A_339 {offsets = [0], sizes = [1], strides = [1]} : vector<16xf32> to vector<1xf32>
      %squeeze3A_341 = vector.extract %slice3A_340[0] : f32 from vector<1xf32>
      %broadcast_in_dim3A_342 = vector.broadcast %squeeze3A_341 : f32 to vector<16xf32>
      %sub3A = arith.constant 0.000000e+00 : f32
      %sub3A_343 = vector.broadcast %sub3A : f32 to vector<16xf32>
      %sub3A_344 = arith.subf %sub3A_343, %broadcast_in_dim3A_326 : vector<16xf32>
      %mul3A_345 = arith.mulf %broadcast_in_dim3A_331, %sub3A_344 : vector<16xf32>
      %div3A = arith.divf %mul3A_345, %broadcast_in_dim3A_321 : vector<16xf32>
      %mul3A_346 = arith.mulf %broadcast_in_dim3A_331, %broadcast_in_dim3A_342 : vector<16xf32>
      %add3A_347 = arith.addf %scan3A_149, %div3A : vector<16xf32>
      %add3A_348 = arith.addf %scan3A_150, %mul3A_346 : vector<16xf32>
      %add3A_349 = arith.addf %scan3A_151, %broadcast_in_dim3A_331 : vector<16xf32>
      %add3A_350 = arith.constant 1 : i32
      %add3A_351 = arith.addi %mul3A_153, %add3A_350 : i32
      %broadcast_in_dim3A_352 = arith.constant 0.000000e+00 : f32
      %broadcast_in_dim3A_353 = vector.broadcast %broadcast_in_dim3A_352 : f32 to vector<16xf32>
      %broadcast_in_dim3A_354 = arith.constant 0.000000e+00 : f32
      %broadcast_in_dim3A_355 = vector.broadcast %broadcast_in_dim3A_354 : f32 to vector<16xf32>
      %broadcast_in_dim3A_356 = arith.constant 0.000000e+00 : f32
      %broadcast_in_dim3A_357 = vector.broadcast %broadcast_in_dim3A_356 : f32 to vector<16xf32>
      %broadcast_in_dim3A_358 = arith.constant 0.000000e+00 : f32
      %broadcast_in_dim3A_359 = vector.broadcast %broadcast_in_dim3A_358 : f32 to vector<16xf32>
      %broadcast_in_dim3A_360 = arith.constant 0.000000e+00 : f32
      %broadcast_in_dim3A_361 = vector.broadcast %broadcast_in_dim3A_360 : f32 to vector<16xf32>
      %broadcast_in_dim3A_362 = arith.constant 0.000000e+00 : f32
      %broadcast_in_dim3A_363 = vector.broadcast %broadcast_in_dim3A_362 : f32 to vector<16xf32>
      %broadcast_in_dim3A_364 = arith.constant 0.000000e+00 : f32
      %broadcast_in_dim3A_365 = vector.broadcast %broadcast_in_dim3A_364 : f32 to vector<16xf32>
      %broadcast_in_dim3A_366 = arith.constant 0.000000e+00 : f32
      %broadcast_in_dim3A_367 = vector.broadcast %broadcast_in_dim3A_366 : f32 to vector<16xf32>
      %scan3A_368 = arith.constant 0 : i32
      %scan3A_369 = arith.constant 39 : i32
      %scan3A_370 = arith.addi %scan3A_368, %scan3A_369 : i32
      %scan3A_371 = arith.constant 1 : i32
      %scan3A_372:8 = scf.for %scan3A_1032 = %scan3A_368 to %scan3A_370 step %scan3A_371 iter_args(%scan3A_1033 = %broadcast_in_dim3A_353, %scan3A_1034 = %broadcast_in_dim3A_355, %scan3A_1035 = %broadcast_in_dim3A_357, %scan3A_1036 = %broadcast_in_dim3A_359, %scan3A_1037 = %broadcast_in_dim3A_361, %scan3A_1038 = %broadcast_in_dim3A_363, %scan3A_1039 = %broadcast_in_dim3A_365, %scan3A_1040 = %broadcast_in_dim3A_367) -> (vector<16xf32>, vector<16xf32>, vector<16xf32>, vector<16xf32>, vector<16xf32>, vector<16xf32>, vector<16xf32>, vector<16xf32>)  : i32 {
        %mul3A_1041 = arith.constant 128 : i32
        %mul3A_1042 = arith.muli %scan3A_1032, %mul3A_1041 : i32
        %add3A_1043 = arith.constant 0 : i32
        %add3A_1044 = arith.addi %mul3A_1042, %add3A_1043 : i32
        %get3A_1045 = arith.constant 1 : i32
        %get3A_1046 = arith.index_cast %get3A_1045 : i32 to index
        %get3A_1047 = arith.index_cast %add3A_1044 : i32 to index
        %get3A_1048 = tpu.vector_load %arg9[%get3A_1046, %get3A_1047] {strides = array<i32>} : memref<4x5000xf32, #tpu.memory_space<vmem>>, vector<16xf32>,
        %add3A_1049 = arith.constant 5000 : i32
        %add3A_1050 = arith.addi %add3A_1049, %mul3A_1042 : i32
        %add3A_1051 = arith.constant 0 : i32
        %add3A_1052 = arith.addi %add3A_1050, %add3A_1051 : i32
        %get3A_1053 = arith.index_cast %add3A_1052 : i32 to index
        %get3A_1054 = tpu.vector_load %arg11[%get3A_1053] {strides = array<i32>} : memref<20016xf32, #tpu.memory_space<vmem>>, vector<16xf32>,
        %mul3A_1055 = arith.constant 1.000000e+01 : f32
        %mul3A_1056 = vector.broadcast %mul3A_1055 : f32 to vector<16xf32>
        %mul3A_1057 = arith.mulf %get3A_1048, %mul3A_1056 : vector<16xf32>
        %exp3A_1058 = math.exp %mul3A_1057 : vector<16xf32>
        %add3A_1059 = arith.addf %scan3A_1033, %exp3A_1058 : vector<16xf32>
        %mul3A_1060 = arith.mulf %get3A_1054, %exp3A_1058 : vector<16xf32>
        %add3A_1061 = arith.addf %scan3A_1037, %mul3A_1060 : vector<16xf32>
        %add3A_1062 = arith.constant 16 : i32
        %add3A_1063 = arith.addi %mul3A_1042, %add3A_1062 : i32
        %get3A_1064 = arith.constant 1 : i32
        %get3A_1065 = arith.index_cast %get3A_1064 : i32 to index
        %get3A_1066 = arith.index_cast %add3A_1063 : i32 to index
        %get3A_1067 = tpu.vector_load %arg9[%get3A_1065, %get3A_1066] {strides = array<i32>} : memref<4x5000xf32, #tpu.memory_space<vmem>>, vector<16xf32>,
        %add3A_1068 = arith.constant 5000 : i32
        %add3A_1069 = arith.addi %add3A_1068, %mul3A_1042 : i32
        %add3A_1070 = arith.constant 16 : i32
        %add3A_1071 = arith.addi %add3A_1069, %add3A_1070 : i32
        %get3A_1072 = arith.index_cast %add3A_1071 : i32 to index
        %get3A_1073 = tpu.vector_load %arg11[%get3A_1072] {strides = array<i32>} : memref<20016xf32, #tpu.memory_space<vmem>>, vector<16xf32>,
        %mul3A_1074 = arith.constant 1.000000e+01 : f32
        %mul3A_1075 = vector.broadcast %mul3A_1074 : f32 to vector<16xf32>
        %mul3A_1076 = arith.mulf %get3A_1067, %mul3A_1075 : vector<16xf32>
        %exp3A_1077 = math.exp %mul3A_1076 : vector<16xf32>
        %add3A_1078 = arith.addf %scan3A_1034, %exp3A_1077 : vector<16xf32>
        %mul3A_1079 = arith.mulf %get3A_1073, %exp3A_1077 : vector<16xf32>
        %add3A_1080 = arith.addf %scan3A_1038, %mul3A_1079 : vector<16xf32>
        %add3A_1081 = arith.constant 32 : i32
        %add3A_1082 = arith.addi %mul3A_1042, %add3A_1081 : i32
        %get3A_1083 = arith.constant 1 : i32
        %get3A_1084 = arith.index_cast %get3A_1083 : i32 to index
        %get3A_1085 = arith.index_cast %add3A_1082 : i32 to index
        %get3A_1086 = tpu.vector_load %arg9[%get3A_1084, %get3A_1085] {strides = array<i32>} : memref<4x5000xf32, #tpu.memory_space<vmem>>, vector<16xf32>,
        %add3A_1087 = arith.constant 5000 : i32
        %add3A_1088 = arith.addi %add3A_1087, %mul3A_1042 : i32
        %add3A_1089 = arith.constant 32 : i32
        %add3A_1090 = arith.addi %add3A_1088, %add3A_1089 : i32
        %get3A_1091 = arith.index_cast %add3A_1090 : i32 to index
        %get3A_1092 = tpu.vector_load %arg11[%get3A_1091] {strides = array<i32>} : memref<20016xf32, #tpu.memory_space<vmem>>, vector<16xf32>,
        %mul3A_1093 = arith.constant 1.000000e+01 : f32
        %mul3A_1094 = vector.broadcast %mul3A_1093 : f32 to vector<16xf32>
        %mul3A_1095 = arith.mulf %get3A_1086, %mul3A_1094 : vector<16xf32>
        %exp3A_1096 = math.exp %mul3A_1095 : vector<16xf32>
        %add3A_1097 = arith.addf %scan3A_1035, %exp3A_1096 : vector<16xf32>
        %mul3A_1098 = arith.mulf %get3A_1092, %exp3A_1096 : vector<16xf32>
        %add3A_1099 = arith.addf %scan3A_1039, %mul3A_1098 : vector<16xf32>
        %add3A_1100 = arith.constant 48 : i32
        %add3A_1101 = arith.addi %mul3A_1042, %add3A_1100 : i32
        %get3A_1102 = arith.constant 1 : i32
        %get3A_1103 = arith.index_cast %get3A_1102 : i32 to index
        %get3A_1104 = arith.index_cast %add3A_1101 : i32 to index
        %get3A_1105 = tpu.vector_load %arg9[%get3A_1103, %get3A_1104] {strides = array<i32>} : memref<4x5000xf32, #tpu.memory_space<vmem>>, vector<16xf32>,
        %add3A_1106 = arith.constant 5000 : i32
        %add3A_1107 = arith.addi %add3A_1106, %mul3A_1042 : i32
        %add3A_1108 = arith.constant 48 : i32
        %add3A_1109 = arith.addi %add3A_1107, %add3A_1108 : i32
        %get3A_1110 = arith.index_cast %add3A_1109 : i32 to index
        %get3A_1111 = tpu.vector_load %arg11[%get3A_1110] {strides = array<i32>} : memref<20016xf32, #tpu.memory_space<vmem>>, vector<16xf32>,
        %mul3A_1112 = arith.constant 1.000000e+01 : f32
        %mul3A_1113 = vector.broadcast %mul3A_1112 : f32 to vector<16xf32>
        %mul3A_1114 = arith.mulf %get3A_1105, %mul3A_1113 : vector<16xf32>
        %exp3A_1115 = math.exp %mul3A_1114 : vector<16xf32>
        %add3A_1116 = arith.addf %scan3A_1036, %exp3A_1115 : vector<16xf32>
        %mul3A_1117 = arith.mulf %get3A_1111, %exp3A_1115 : vector<16xf32>
        %add3A_1118 = arith.addf %scan3A_1040, %mul3A_1117 : vector<16xf32>
        %add3A_1119 = arith.constant 64 : i32
        %add3A_1120 = arith.addi %mul3A_1042, %add3A_1119 : i32
        %get3A_1121 = arith.constant 1 : i32
        %get3A_1122 = arith.index_cast %get3A_1121 : i32 to index
        %get3A_1123 = arith.index_cast %add3A_1120 : i32 to index
        %get3A_1124 = tpu.vector_load %arg9[%get3A_1122, %get3A_1123] {strides = array<i32>} : memref<4x5000xf32, #tpu.memory_space<vmem>>, vector<16xf32>,
        %add3A_1125 = arith.constant 5000 : i32
        %add3A_1126 = arith.addi %add3A_1125, %mul3A_1042 : i32
        %add3A_1127 = arith.constant 64 : i32
        %add3A_1128 = arith.addi %add3A_1126, %add3A_1127 : i32
        %get3A_1129 = arith.index_cast %add3A_1128 : i32 to index
        %get3A_1130 = tpu.vector_load %arg11[%get3A_1129] {strides = array<i32>} : memref<20016xf32, #tpu.memory_space<vmem>>, vector<16xf32>,
        %mul3A_1131 = arith.constant 1.000000e+01 : f32
        %mul3A_1132 = vector.broadcast %mul3A_1131 : f32 to vector<16xf32>
        %mul3A_1133 = arith.mulf %get3A_1124, %mul3A_1132 : vector<16xf32>
        %exp3A_1134 = math.exp %mul3A_1133 : vector<16xf32>
        %add3A_1135 = arith.addf %add3A_1059, %exp3A_1134 : vector<16xf32>
        %mul3A_1136 = arith.mulf %get3A_1130, %exp3A_1134 : vector<16xf32>
        %add3A_1137 = arith.addf %add3A_1061, %mul3A_1136 : vector<16xf32>
        %add3A_1138 = arith.constant 80 : i32
        %add3A_1139 = arith.addi %mul3A_1042, %add3A_1138 : i32
        %get3A_1140 = arith.constant 1 : i32
        %get3A_1141 = arith.index_cast %get3A_1140 : i32 to index
        %get3A_1142 = arith.index_cast %add3A_1139 : i32 to index
        %get3A_1143 = tpu.vector_load %arg9[%get3A_1141, %get3A_1142] {strides = array<i32>} : memref<4x5000xf32, #tpu.memory_space<vmem>>, vector<16xf32>,
        %add3A_1144 = arith.constant 5000 : i32
        %add3A_1145 = arith.addi %add3A_1144, %mul3A_1042 : i32
        %add3A_1146 = arith.constant 80 : i32
        %add3A_1147 = arith.addi %add3A_1145, %add3A_1146 : i32
        %get3A_1148 = arith.index_cast %add3A_1147 : i32 to index
        %get3A_1149 = tpu.vector_load %arg11[%get3A_1148] {strides = array<i32>} : memref<20016xf32, #tpu.memory_space<vmem>>, vector<16xf32>,
        %mul3A_1150 = arith.constant 1.000000e+01 : f32
        %mul3A_1151 = vector.broadcast %mul3A_1150 : f32 to vector<16xf32>
        %mul3A_1152 = arith.mulf %get3A_1143, %mul3A_1151 : vector<16xf32>
        %exp3A_1153 = math.exp %mul3A_1152 : vector<16xf32>
        %add3A_1154 = arith.addf %add3A_1078, %exp3A_1153 : vector<16xf32>
        %mul3A_1155 = arith.mulf %get3A_1149, %exp3A_1153 : vector<16xf32>
        %add3A_1156 = arith.addf %add3A_1080, %mul3A_1155 : vector<16xf32>
        %add3A_1157 = arith.constant 96 : i32
        %add3A_1158 = arith.addi %mul3A_1042, %add3A_1157 : i32
        %get3A_1159 = arith.constant 1 : i32
        %get3A_1160 = arith.index_cast %get3A_1159 : i32 to index
        %get3A_1161 = arith.index_cast %add3A_1158 : i32 to index
        %get3A_1162 = tpu.vector_load %arg9[%get3A_1160, %get3A_1161] {strides = array<i32>} : memref<4x5000xf32, #tpu.memory_space<vmem>>, vector<16xf32>,
        %add3A_1163 = arith.constant 5000 : i32
        %add3A_1164 = arith.addi %add3A_1163, %mul3A_1042 : i32
        %add3A_1165 = arith.constant 96 : i32
        %add3A_1166 = arith.addi %add3A_1164, %add3A_1165 : i32
        %get3A_1167 = arith.index_cast %add3A_1166 : i32 to index
        %get3A_1168 = tpu.vector_load %arg11[%get3A_1167] {strides = array<i32>} : memref<20016xf32, #tpu.memory_space<vmem>>, vector<16xf32>,
        %mul3A_1169 = arith.constant 1.000000e+01 : f32
        %mul3A_1170 = vector.broadcast %mul3A_1169 : f32 to vector<16xf32>
        %mul3A_1171 = arith.mulf %get3A_1162, %mul3A_1170 : vector<16xf32>
        %exp3A_1172 = math.exp %mul3A_1171 : vector<16xf32>
        %add3A_1173 = arith.addf %add3A_1097, %exp3A_1172 : vector<16xf32>
        %mul3A_1174 = arith.mulf %get3A_1168, %exp3A_1172 : vector<16xf32>
        %add3A_1175 = arith.addf %add3A_1099, %mul3A_1174 : vector<16xf32>
        %add3A_1176 = arith.constant 112 : i32
        %add3A_1177 = arith.addi %mul3A_1042, %add3A_1176 : i32
        %get3A_1178 = arith.constant 1 : i32
        %get3A_1179 = arith.index_cast %get3A_1178 : i32 to index
        %get3A_1180 = arith.index_cast %add3A_1177 : i32 to index
        %get3A_1181 = tpu.vector_load %arg9[%get3A_1179, %get3A_1180] {strides = array<i32>} : memref<4x5000xf32, #tpu.memory_space<vmem>>, vector<16xf32>,
        %add3A_1182 = arith.constant 5000 : i32
        %add3A_1183 = arith.addi %add3A_1182, %mul3A_1042 : i32
        %add3A_1184 = arith.constant 112 : i32
        %add3A_1185 = arith.addi %add3A_1183, %add3A_1184 : i32
        %get3A_1186 = arith.index_cast %add3A_1185 : i32 to index
        %get3A_1187 = tpu.vector_load %arg11[%get3A_1186] {strides = array<i32>} : memref<20016xf32, #tpu.memory_space<vmem>>, vector<16xf32>,
        %mul3A_1188 = arith.constant 1.000000e+01 : f32
        %mul3A_1189 = vector.broadcast %mul3A_1188 : f32 to vector<16xf32>
        %mul3A_1190 = arith.mulf %get3A_1181, %mul3A_1189 : vector<16xf32>
        %exp3A_1191 = math.exp %mul3A_1190 : vector<16xf32>
        %add3A_1192 = arith.addf %add3A_1116, %exp3A_1191 : vector<16xf32>
        %mul3A_1193 = arith.mulf %get3A_1187, %exp3A_1191 : vector<16xf32>
        %add3A_1194 = arith.addf %add3A_1118, %mul3A_1193 : vector<16xf32>
        scf.yield %add3A_1135, %add3A_1154, %add3A_1173, %add3A_1192, %add3A_1137, %add3A_1156, %add3A_1175, %add3A_1194 : vector<16xf32>, vector<16xf32>, vector<16xf32>, vector<16xf32>, vector<16xf32>, vector<16xf32>, vector<16xf32>, vector<16xf32>
      }
      %scan3A_373 = arith.constant 39 : i32
      %get3A_374 = arith.constant 1 : i32
      %get3A_375 = arith.index_cast %get3A_374 : i32 to index
      %get3A_376 = arith.constant 4984 : index
      %get3A_377 = tpu.vector_load %arg9[%get3A_375, %get3A_376] {strides = array<i32>} : memref<4x5000xf32, #tpu.memory_space<vmem>>, vector<16xf32>,
      %get3A_378 = arith.constant 9984 : index
      %get3A_379 = tpu.vector_load %arg11[%get3A_378] {strides = array<i32>} : memref<20016xf32, #tpu.memory_space<vmem>>, vector<16xf32>,
      %mul3A_380 = arith.constant 1.000000e+01 : f32
      %mul3A_381 = vector.broadcast %mul3A_380 : f32 to vector<16xf32>
      %mul3A_382 = arith.mulf %get3A_377, %mul3A_381 : vector<16xf32>
      %exp3A_383 = math.exp %mul3A_382 : vector<16xf32>
      %mul3A_384 = arith.mulf %exp3A_383, %select_n3A : vector<16xf32>
      %add3A_385 = arith.addf %scan3A_372#0, %scan3A_372#1 : vector<16xf32>
      %add3A_386 = arith.addf %scan3A_372#2, %scan3A_372#3 : vector<16xf32>
      %add3A_387 = arith.addf %add3A_385, %add3A_386 : vector<16xf32>
      %add3A_388 = arith.addf %add3A_387, %mul3A_384 : vector<16xf32>
      %add3A_389 = arith.addf %scan3A_372#4, %scan3A_372#5 : vector<16xf32>
      %add3A_390 = arith.addf %scan3A_372#6, %scan3A_372#7 : vector<16xf32>
      %add3A_391 = arith.addf %add3A_389, %add3A_390 : vector<16xf32>
      %mul3A_392 = arith.mulf %get3A_379, %mul3A_384 : vector<16xf32>
      %add3A_393 = arith.addf %add3A_391, %mul3A_392 : vector<16xf32>
      %reduce_sum3A_394 = arith.constant true
      %reduce_sum3A_395 = vector.broadcast %reduce_sum3A_394 : i1 to vector<16xi1>
      %reduce_sum3A_396 = tpu.scan <sum>, %add3A_388 masked %reduce_sum3A_395 : vector<16xf32>, vector<16xi1> -> vector<16xf32>
      %reduce_sum3A_397 = vector.extract %reduce_sum3A_396[15] : f32 from vector<16xf32>
      %broadcast_in_dim3A_398 = vector.broadcast %reduce_sum3A_397 : f32 to vector<16xf32>
      %reduce_sum3A_399 = arith.constant true
      %reduce_sum3A_400 = vector.broadcast %reduce_sum3A_399 : i1 to vector<16xi1>
      %reduce_sum3A_401 = tpu.scan <sum>, %add3A_393 masked %reduce_sum3A_400 : vector<16xf32>, vector<16xi1> -> vector<16xf32>
      %reduce_sum3A_402 = vector.extract %reduce_sum3A_401[15] : f32 from vector<16xf32>
      %broadcast_in_dim3A_403 = vector.broadcast %reduce_sum3A_402 : f32 to vector<16xf32>
      %get3A_404 = arith.index_cast %add3A_351 : i32 to index
      %get3A_405 = tpu.vector_load %arg8[%get3A_404] {strides = array<i32>} : memref<224xf32, #tpu.memory_space<vmem>>, vector<16xf32>,
      %slice3A_406 = vector.extract_strided_slice %get3A_405 {offsets = [0], sizes = [1], strides = [1]} : vector<16xf32> to vector<1xf32>
      %squeeze3A_407 = vector.extract %slice3A_406[0] : f32 from vector<1xf32>
      %broadcast_in_dim3A_408 = vector.broadcast %squeeze3A_407 : f32 to vector<16xf32>
      %get3A_409 = arith.index_cast %add3A_351 : i32 to index
      %get3A_410 = tpu.vector_load %arg7[%get3A_409] {strides = array<i32>} : memref<224xi32, #tpu.memory_space<vmem>>, vector<16xi32>,
      %slice3A_411 = vector.extract_strided_slice %get3A_410 {offsets = [0], sizes = [1], strides = [1]} : vector<16xi32> to vector<1xi32>
      %squeeze3A_412 = vector.extract %slice3A_411[0] : i32 from vector<1xi32>
      %add3A_413 = arith.constant 5000 : i32
      %add3A_414 = arith.addi %add3A_413, %squeeze3A_412 : i32
      %get3A_415 = arith.index_cast %add3A_414 : i32 to index
      %get3A_416 = tpu.vector_load %arg11[%get3A_415] {strides = array<i32>} : memref<20016xf32, #tpu.memory_space<vmem>>, vector<16xf32>,
      %slice3A_417 = vector.extract_strided_slice %get3A_416 {offsets = [0], sizes = [1], strides = [1]} : vector<16xf32> to vector<1xf32>
      %squeeze3A_418 = vector.extract %slice3A_417[0] : f32 from vector<1xf32>
      %broadcast_in_dim3A_419 = vector.broadcast %squeeze3A_418 : f32 to vector<16xf32>
      %sub3A_420 = arith.constant 0.000000e+00 : f32
      %sub3A_421 = vector.broadcast %sub3A_420 : f32 to vector<16xf32>
      %sub3A_422 = arith.subf %sub3A_421, %broadcast_in_dim3A_403 : vector<16xf32>
      %mul3A_423 = arith.mulf %broadcast_in_dim3A_408, %sub3A_422 : vector<16xf32>
      %div3A_424 = arith.divf %mul3A_423, %broadcast_in_dim3A_398 : vector<16xf32>
      %mul3A_425 = arith.mulf %broadcast_in_dim3A_408, %broadcast_in_dim3A_419 : vector<16xf32>
      %add3A_426 = arith.addf %add3A_347, %div3A_424 : vector<16xf32>
      %add3A_427 = arith.addf %add3A_348, %mul3A_425 : vector<16xf32>
      %add3A_428 = arith.addf %add3A_349, %broadcast_in_dim3A_408 : vector<16xf32>
      %add3A_429 = arith.constant 2 : i32
      %add3A_430 = arith.addi %mul3A_153, %add3A_429 : i32
      %broadcast_in_dim3A_431 = arith.constant 0.000000e+00 : f32
      %broadcast_in_dim3A_432 = vector.broadcast %broadcast_in_dim3A_431 : f32 to vector<16xf32>
      %broadcast_in_dim3A_433 = arith.constant 0.000000e+00 : f32
      %broadcast_in_dim3A_434 = vector.broadcast %broadcast_in_dim3A_433 : f32 to vector<16xf32>
      %broadcast_in_dim3A_435 = arith.constant 0.000000e+00 : f32
      %broadcast_in_dim3A_436 = vector.broadcast %broadcast_in_dim3A_435 : f32 to vector<16xf32>
      %broadcast_in_dim3A_437 = arith.constant 0.000000e+00 : f32
      %broadcast_in_dim3A_438 = vector.broadcast %broadcast_in_dim3A_437 : f32 to vector<16xf32>
      %broadcast_in_dim3A_439 = arith.constant 0.000000e+00 : f32
      %broadcast_in_dim3A_440 = vector.broadcast %broadcast_in_dim3A_439 : f32 to vector<16xf32>
      %broadcast_in_dim3A_441 = arith.constant 0.000000e+00 : f32
      %broadcast_in_dim3A_442 = vector.broadcast %broadcast_in_dim3A_441 : f32 to vector<16xf32>
      %broadcast_in_dim3A_443 = arith.constant 0.000000e+00 : f32
      %broadcast_in_dim3A_444 = vector.broadcast %broadcast_in_dim3A_443 : f32 to vector<16xf32>
      %broadcast_in_dim3A_445 = arith.constant 0.000000e+00 : f32
      %broadcast_in_dim3A_446 = vector.broadcast %broadcast_in_dim3A_445 : f32 to vector<16xf32>
      %scan3A_447 = arith.constant 0 : i32
      %scan3A_448 = arith.constant 39 : i32
      %scan3A_449 = arith.addi %scan3A_447, %scan3A_448 : i32
      %scan3A_450 = arith.constant 1 : i32
      %scan3A_451:8 = scf.for %scan3A_1032 = %scan3A_447 to %scan3A_449 step %scan3A_450 iter_args(%scan3A_1033 = %broadcast_in_dim3A_432, %scan3A_1034 = %broadcast_in_dim3A_434, %scan3A_1035 = %broadcast_in_dim3A_436, %scan3A_1036 = %broadcast_in_dim3A_438, %scan3A_1037 = %broadcast_in_dim3A_440, %scan3A_1038 = %broadcast_in_dim3A_442, %scan3A_1039 = %broadcast_in_dim3A_444, %scan3A_1040 = %broadcast_in_dim3A_446) -> (vector<16xf32>, vector<16xf32>, vector<16xf32>, vector<16xf32>, vector<16xf32>, vector<16xf32>, vector<16xf32>, vector<16xf32>)  : i32 {
        %mul3A_1041 = arith.constant 128 : i32
        %mul3A_1042 = arith.muli %scan3A_1032, %mul3A_1041 : i32
        %add3A_1043 = arith.constant 0 : i32
        %add3A_1044 = arith.addi %mul3A_1042, %add3A_1043 : i32
        %get3A_1045 = arith.constant 2 : i32
        %get3A_1046 = arith.index_cast %get3A_1045 : i32 to index
        %get3A_1047 = arith.index_cast %add3A_1044 : i32 to index
        %get3A_1048 = tpu.vector_load %arg9[%get3A_1046, %get3A_1047] {strides = array<i32>} : memref<4x5000xf32, #tpu.memory_space<vmem>>, vector<16xf32>,
        %add3A_1049 = arith.constant 10000 : i32
        %add3A_1050 = arith.addi %add3A_1049, %mul3A_1042 : i32
        %add3A_1051 = arith.constant 0 : i32
        %add3A_1052 = arith.addi %add3A_1050, %add3A_1051 : i32
        %get3A_1053 = arith.index_cast %add3A_1052 : i32 to index
        %get3A_1054 = tpu.vector_load %arg11[%get3A_1053] {strides = array<i32>} : memref<20016xf32, #tpu.memory_space<vmem>>, vector<16xf32>,
        %mul3A_1055 = arith.constant 1.000000e+01 : f32
        %mul3A_1056 = vector.broadcast %mul3A_1055 : f32 to vector<16xf32>
        %mul3A_1057 = arith.mulf %get3A_1048, %mul3A_1056 : vector<16xf32>
        %exp3A_1058 = math.exp %mul3A_1057 : vector<16xf32>
        %add3A_1059 = arith.addf %scan3A_1033, %exp3A_1058 : vector<16xf32>
        %mul3A_1060 = arith.mulf %get3A_1054, %exp3A_1058 : vector<16xf32>
        %add3A_1061 = arith.addf %scan3A_1037, %mul3A_1060 : vector<16xf32>
        %add3A_1062 = arith.constant 16 : i32
        %add3A_1063 = arith.addi %mul3A_1042, %add3A_1062 : i32
        %get3A_1064 = arith.constant 2 : i32
        %get3A_1065 = arith.index_cast %get3A_1064 : i32 to index
        %get3A_1066 = arith.index_cast %add3A_1063 : i32 to index
        %get3A_1067 = tpu.vector_load %arg9[%get3A_1065, %get3A_1066] {strides = array<i32>} : memref<4x5000xf32, #tpu.memory_space<vmem>>, vector<16xf32>,
        %add3A_1068 = arith.constant 10000 : i32
        %add3A_1069 = arith.addi %add3A_1068, %mul3A_1042 : i32
        %add3A_1070 = arith.constant 16 : i32
        %add3A_1071 = arith.addi %add3A_1069, %add3A_1070 : i32
        %get3A_1072 = arith.index_cast %add3A_1071 : i32 to index
        %get3A_1073 = tpu.vector_load %arg11[%get3A_1072] {strides = array<i32>} : memref<20016xf32, #tpu.memory_space<vmem>>, vector<16xf32>,
        %mul3A_1074 = arith.constant 1.000000e+01 : f32
        %mul3A_1075 = vector.broadcast %mul3A_1074 : f32 to vector<16xf32>
        %mul3A_1076 = arith.mulf %get3A_1067, %mul3A_1075 : vector<16xf32>
        %exp3A_1077 = math.exp %mul3A_1076 : vector<16xf32>
        %add3A_1078 = arith.addf %scan3A_1034, %exp3A_1077 : vector<16xf32>
        %mul3A_1079 = arith.mulf %get3A_1073, %exp3A_1077 : vector<16xf32>
        %add3A_1080 = arith.addf %scan3A_1038, %mul3A_1079 : vector<16xf32>
        %add3A_1081 = arith.constant 32 : i32
        %add3A_1082 = arith.addi %mul3A_1042, %add3A_1081 : i32
        %get3A_1083 = arith.constant 2 : i32
        %get3A_1084 = arith.index_cast %get3A_1083 : i32 to index
        %get3A_1085 = arith.index_cast %add3A_1082 : i32 to index
        %get3A_1086 = tpu.vector_load %arg9[%get3A_1084, %get3A_1085] {strides = array<i32>} : memref<4x5000xf32, #tpu.memory_space<vmem>>, vector<16xf32>,
        %add3A_1087 = arith.constant 10000 : i32
        %add3A_1088 = arith.addi %add3A_1087, %mul3A_1042 : i32
        %add3A_1089 = arith.constant 32 : i32
        %add3A_1090 = arith.addi %add3A_1088, %add3A_1089 : i32
        %get3A_1091 = arith.index_cast %add3A_1090 : i32 to index
        %get3A_1092 = tpu.vector_load %arg11[%get3A_1091] {strides = array<i32>} : memref<20016xf32, #tpu.memory_space<vmem>>, vector<16xf32>,
        %mul3A_1093 = arith.constant 1.000000e+01 : f32
        %mul3A_1094 = vector.broadcast %mul3A_1093 : f32 to vector<16xf32>
        %mul3A_1095 = arith.mulf %get3A_1086, %mul3A_1094 : vector<16xf32>
        %exp3A_1096 = math.exp %mul3A_1095 : vector<16xf32>
        %add3A_1097 = arith.addf %scan3A_1035, %exp3A_1096 : vector<16xf32>
        %mul3A_1098 = arith.mulf %get3A_1092, %exp3A_1096 : vector<16xf32>
        %add3A_1099 = arith.addf %scan3A_1039, %mul3A_1098 : vector<16xf32>
        %add3A_1100 = arith.constant 48 : i32
        %add3A_1101 = arith.addi %mul3A_1042, %add3A_1100 : i32
        %get3A_1102 = arith.constant 2 : i32
        %get3A_1103 = arith.index_cast %get3A_1102 : i32 to index
        %get3A_1104 = arith.index_cast %add3A_1101 : i32 to index
        %get3A_1105 = tpu.vector_load %arg9[%get3A_1103, %get3A_1104] {strides = array<i32>} : memref<4x5000xf32, #tpu.memory_space<vmem>>, vector<16xf32>,
        %add3A_1106 = arith.constant 10000 : i32
        %add3A_1107 = arith.addi %add3A_1106, %mul3A_1042 : i32
        %add3A_1108 = arith.constant 48 : i32
        %add3A_1109 = arith.addi %add3A_1107, %add3A_1108 : i32
        %get3A_1110 = arith.index_cast %add3A_1109 : i32 to index
        %get3A_1111 = tpu.vector_load %arg11[%get3A_1110] {strides = array<i32>} : memref<20016xf32, #tpu.memory_space<vmem>>, vector<16xf32>,
        %mul3A_1112 = arith.constant 1.000000e+01 : f32
        %mul3A_1113 = vector.broadcast %mul3A_1112 : f32 to vector<16xf32>
        %mul3A_1114 = arith.mulf %get3A_1105, %mul3A_1113 : vector<16xf32>
        %exp3A_1115 = math.exp %mul3A_1114 : vector<16xf32>
        %add3A_1116 = arith.addf %scan3A_1036, %exp3A_1115 : vector<16xf32>
        %mul3A_1117 = arith.mulf %get3A_1111, %exp3A_1115 : vector<16xf32>
        %add3A_1118 = arith.addf %scan3A_1040, %mul3A_1117 : vector<16xf32>
        %add3A_1119 = arith.constant 64 : i32
        %add3A_1120 = arith.addi %mul3A_1042, %add3A_1119 : i32
        %get3A_1121 = arith.constant 2 : i32
        %get3A_1122 = arith.index_cast %get3A_1121 : i32 to index
        %get3A_1123 = arith.index_cast %add3A_1120 : i32 to index
        %get3A_1124 = tpu.vector_load %arg9[%get3A_1122, %get3A_1123] {strides = array<i32>} : memref<4x5000xf32, #tpu.memory_space<vmem>>, vector<16xf32>,
        %add3A_1125 = arith.constant 10000 : i32
        %add3A_1126 = arith.addi %add3A_1125, %mul3A_1042 : i32
        %add3A_1127 = arith.constant 64 : i32
        %add3A_1128 = arith.addi %add3A_1126, %add3A_1127 : i32
        %get3A_1129 = arith.index_cast %add3A_1128 : i32 to index
        %get3A_1130 = tpu.vector_load %arg11[%get3A_1129] {strides = array<i32>} : memref<20016xf32, #tpu.memory_space<vmem>>, vector<16xf32>,
        %mul3A_1131 = arith.constant 1.000000e+01 : f32
        %mul3A_1132 = vector.broadcast %mul3A_1131 : f32 to vector<16xf32>
        %mul3A_1133 = arith.mulf %get3A_1124, %mul3A_1132 : vector<16xf32>
        %exp3A_1134 = math.exp %mul3A_1133 : vector<16xf32>
        %add3A_1135 = arith.addf %add3A_1059, %exp3A_1134 : vector<16xf32>
        %mul3A_1136 = arith.mulf %get3A_1130, %exp3A_1134 : vector<16xf32>
        %add3A_1137 = arith.addf %add3A_1061, %mul3A_1136 : vector<16xf32>
        %add3A_1138 = arith.constant 80 : i32
        %add3A_1139 = arith.addi %mul3A_1042, %add3A_1138 : i32
        %get3A_1140 = arith.constant 2 : i32
        %get3A_1141 = arith.index_cast %get3A_1140 : i32 to index
        %get3A_1142 = arith.index_cast %add3A_1139 : i32 to index
        %get3A_1143 = tpu.vector_load %arg9[%get3A_1141, %get3A_1142] {strides = array<i32>} : memref<4x5000xf32, #tpu.memory_space<vmem>>, vector<16xf32>,
        %add3A_1144 = arith.constant 10000 : i32
        %add3A_1145 = arith.addi %add3A_1144, %mul3A_1042 : i32
        %add3A_1146 = arith.constant 80 : i32
        %add3A_1147 = arith.addi %add3A_1145, %add3A_1146 : i32
        %get3A_1148 = arith.index_cast %add3A_1147 : i32 to index
        %get3A_1149 = tpu.vector_load %arg11[%get3A_1148] {strides = array<i32>} : memref<20016xf32, #tpu.memory_space<vmem>>, vector<16xf32>,
        %mul3A_1150 = arith.constant 1.000000e+01 : f32
        %mul3A_1151 = vector.broadcast %mul3A_1150 : f32 to vector<16xf32>
        %mul3A_1152 = arith.mulf %get3A_1143, %mul3A_1151 : vector<16xf32>
        %exp3A_1153 = math.exp %mul3A_1152 : vector<16xf32>
        %add3A_1154 = arith.addf %add3A_1078, %exp3A_1153 : vector<16xf32>
        %mul3A_1155 = arith.mulf %get3A_1149, %exp3A_1153 : vector<16xf32>
        %add3A_1156 = arith.addf %add3A_1080, %mul3A_1155 : vector<16xf32>
        %add3A_1157 = arith.constant 96 : i32
        %add3A_1158 = arith.addi %mul3A_1042, %add3A_1157 : i32
        %get3A_1159 = arith.constant 2 : i32
        %get3A_1160 = arith.index_cast %get3A_1159 : i32 to index
        %get3A_1161 = arith.index_cast %add3A_1158 : i32 to index
        %get3A_1162 = tpu.vector_load %arg9[%get3A_1160, %get3A_1161] {strides = array<i32>} : memref<4x5000xf32, #tpu.memory_space<vmem>>, vector<16xf32>,
        %add3A_1163 = arith.constant 10000 : i32
        %add3A_1164 = arith.addi %add3A_1163, %mul3A_1042 : i32
        %add3A_1165 = arith.constant 96 : i32
        %add3A_1166 = arith.addi %add3A_1164, %add3A_1165 : i32
        %get3A_1167 = arith.index_cast %add3A_1166 : i32 to index
        %get3A_1168 = tpu.vector_load %arg11[%get3A_1167] {strides = array<i32>} : memref<20016xf32, #tpu.memory_space<vmem>>, vector<16xf32>,
        %mul3A_1169 = arith.constant 1.000000e+01 : f32
        %mul3A_1170 = vector.broadcast %mul3A_1169 : f32 to vector<16xf32>
        %mul3A_1171 = arith.mulf %get3A_1162, %mul3A_1170 : vector<16xf32>
        %exp3A_1172 = math.exp %mul3A_1171 : vector<16xf32>
        %add3A_1173 = arith.addf %add3A_1097, %exp3A_1172 : vector<16xf32>
        %mul3A_1174 = arith.mulf %get3A_1168, %exp3A_1172 : vector<16xf32>
        %add3A_1175 = arith.addf %add3A_1099, %mul3A_1174 : vector<16xf32>
        %add3A_1176 = arith.constant 112 : i32
        %add3A_1177 = arith.addi %mul3A_1042, %add3A_1176 : i32
        %get3A_1178 = arith.constant 2 : i32
        %get3A_1179 = arith.index_cast %get3A_1178 : i32 to index
        %get3A_1180 = arith.index_cast %add3A_1177 : i32 to index
        %get3A_1181 = tpu.vector_load %arg9[%get3A_1179, %get3A_1180] {strides = array<i32>} : memref<4x5000xf32, #tpu.memory_space<vmem>>, vector<16xf32>,
        %add3A_1182 = arith.constant 10000 : i32
        %add3A_1183 = arith.addi %add3A_1182, %mul3A_1042 : i32
        %add3A_1184 = arith.constant 112 : i32
        %add3A_1185 = arith.addi %add3A_1183, %add3A_1184 : i32
        %get3A_1186 = arith.index_cast %add3A_1185 : i32 to index
        %get3A_1187 = tpu.vector_load %arg11[%get3A_1186] {strides = array<i32>} : memref<20016xf32, #tpu.memory_space<vmem>>, vector<16xf32>,
        %mul3A_1188 = arith.constant 1.000000e+01 : f32
        %mul3A_1189 = vector.broadcast %mul3A_1188 : f32 to vector<16xf32>
        %mul3A_1190 = arith.mulf %get3A_1181, %mul3A_1189 : vector<16xf32>
        %exp3A_1191 = math.exp %mul3A_1190 : vector<16xf32>
        %add3A_1192 = arith.addf %add3A_1116, %exp3A_1191 : vector<16xf32>
        %mul3A_1193 = arith.mulf %get3A_1187, %exp3A_1191 : vector<16xf32>
        %add3A_1194 = arith.addf %add3A_1118, %mul3A_1193 : vector<16xf32>
        scf.yield %add3A_1135, %add3A_1154, %add3A_1173, %add3A_1192, %add3A_1137, %add3A_1156, %add3A_1175, %add3A_1194 : vector<16xf32>, vector<16xf32>, vector<16xf32>, vector<16xf32>, vector<16xf32>, vector<16xf32>, vector<16xf32>, vector<16xf32>
      }
      %scan3A_452 = arith.constant 39 : i32
      %get3A_453 = arith.constant 2 : i32
      %get3A_454 = arith.index_cast %get3A_453 : i32 to index
      %get3A_455 = arith.constant 4984 : index
      %get3A_456 = tpu.vector_load %arg9[%get3A_454, %get3A_455] {strides = array<i32>} : memref<4x5000xf32, #tpu.memory_space<vmem>>, vector<16xf32>,
      %get3A_457 = arith.constant 14984 : index
      %get3A_458 = tpu.vector_load %arg11[%get3A_457] {strides = array<i32>} : memref<20016xf32, #tpu.memory_space<vmem>>, vector<16xf32>,
      %mul3A_459 = arith.constant 1.000000e+01 : f32
      %mul3A_460 = vector.broadcast %mul3A_459 : f32 to vector<16xf32>
      %mul3A_461 = arith.mulf %get3A_456, %mul3A_460 : vector<16xf32>
      %exp3A_462 = math.exp %mul3A_461 : vector<16xf32>
      %mul3A_463 = arith.mulf %exp3A_462, %select_n3A : vector<16xf32>
      %add3A_464 = arith.addf %scan3A_451#0, %scan3A_451#1 : vector<16xf32>
      %add3A_465 = arith.addf %scan3A_451#2, %scan3A_451#3 : vector<16xf32>
      %add3A_466 = arith.addf %add3A_464, %add3A_465 : vector<16xf32>
      %add3A_467 = arith.addf %add3A_466, %mul3A_463 : vector<16xf32>
      %add3A_468 = arith.addf %scan3A_451#4, %scan3A_451#5 : vector<16xf32>
      %add3A_469 = arith.addf %scan3A_451#6, %scan3A_451#7 : vector<16xf32>
      %add3A_470 = arith.addf %add3A_468, %add3A_469 : vector<16xf32>
      %mul3A_471 = arith.mulf %get3A_458, %mul3A_463 : vector<16xf32>
      %add3A_472 = arith.addf %add3A_470, %mul3A_471 : vector<16xf32>
      %reduce_sum3A_473 = arith.constant true
      %reduce_sum3A_474 = vector.broadcast %reduce_sum3A_473 : i1 to vector<16xi1>
      %reduce_sum3A_475 = tpu.scan <sum>, %add3A_467 masked %reduce_sum3A_474 : vector<16xf32>, vector<16xi1> -> vector<16xf32>
      %reduce_sum3A_476 = vector.extract %reduce_sum3A_475[15] : f32 from vector<16xf32>
      %broadcast_in_dim3A_477 = vector.broadcast %reduce_sum3A_476 : f32 to vector<16xf32>
      %reduce_sum3A_478 = arith.constant true
      %reduce_sum3A_479 = vector.broadcast %reduce_sum3A_478 : i1 to vector<16xi1>
      %reduce_sum3A_480 = tpu.scan <sum>, %add3A_472 masked %reduce_sum3A_479 : vector<16xf32>, vector<16xi1> -> vector<16xf32>
      %reduce_sum3A_481 = vector.extract %reduce_sum3A_480[15] : f32 from vector<16xf32>
      %broadcast_in_dim3A_482 = vector.broadcast %reduce_sum3A_481 : f32 to vector<16xf32>
      %get3A_483 = arith.index_cast %add3A_430 : i32 to index
      %get3A_484 = tpu.vector_load %arg8[%get3A_483] {strides = array<i32>} : memref<224xf32, #tpu.memory_space<vmem>>, vector<16xf32>,
      %slice3A_485 = vector.extract_strided_slice %get3A_484 {offsets = [0], sizes = [1], strides = [1]} : vector<16xf32> to vector<1xf32>
      %squeeze3A_486 = vector.extract %slice3A_485[0] : f32 from vector<1xf32>
      %broadcast_in_dim3A_487 = vector.broadcast %squeeze3A_486 : f32 to vector<16xf32>
      %get3A_488 = arith.index_cast %add3A_430 : i32 to index
      %get3A_489 = tpu.vector_load %arg7[%get3A_488] {strides = array<i32>} : memref<224xi32, #tpu.memory_space<vmem>>, vector<16xi32>,
      %slice3A_490 = vector.extract_strided_slice %get3A_489 {offsets = [0], sizes = [1], strides = [1]} : vector<16xi32> to vector<1xi32>
      %squeeze3A_491 = vector.extract %slice3A_490[0] : i32 from vector<1xi32>
      %add3A_492 = arith.constant 10000 : i32
      %add3A_493 = arith.addi %add3A_492, %squeeze3A_491 : i32
      %get3A_494 = arith.index_cast %add3A_493 : i32 to index
      %get3A_495 = tpu.vector_load %arg11[%get3A_494] {strides = array<i32>} : memref<20016xf32, #tpu.memory_space<vmem>>, vector<16xf32>,
      %slice3A_496 = vector.extract_strided_slice %get3A_495 {offsets = [0], sizes = [1], strides = [1]} : vector<16xf32> to vector<1xf32>
      %squeeze3A_497 = vector.extract %slice3A_496[0] : f32 from vector<1xf32>
      %broadcast_in_dim3A_498 = vector.broadcast %squeeze3A_497 : f32 to vector<16xf32>
      %sub3A_499 = arith.constant 0.000000e+00 : f32
      %sub3A_500 = vector.broadcast %sub3A_499 : f32 to vector<16xf32>
      %sub3A_501 = arith.subf %sub3A_500, %broadcast_in_dim3A_482 : vector<16xf32>
      %mul3A_502 = arith.mulf %broadcast_in_dim3A_487, %sub3A_501 : vector<16xf32>
      %div3A_503 = arith.divf %mul3A_502, %broadcast_in_dim3A_477 : vector<16xf32>
      %mul3A_504 = arith.mulf %broadcast_in_dim3A_487, %broadcast_in_dim3A_498 : vector<16xf32>
      %add3A_505 = arith.addf %add3A_426, %div3A_503 : vector<16xf32>
      %add3A_506 = arith.addf %add3A_427, %mul3A_504 : vector<16xf32>
      %add3A_507 = arith.addf %add3A_428, %broadcast_in_dim3A_487 : vector<16xf32>
      %add3A_508 = arith.constant 3 : i32
      %add3A_509 = arith.addi %mul3A_153, %add3A_508 : i32
      %broadcast_in_dim3A_510 = arith.constant 0.000000e+00 : f32
      %broadcast_in_dim3A_511 = vector.broadcast %broadcast_in_dim3A_510 : f32 to vector<16xf32>
      %broadcast_in_dim3A_512 = arith.constant 0.000000e+00 : f32
      %broadcast_in_dim3A_513 = vector.broadcast %broadcast_in_dim3A_512 : f32 to vector<16xf32>
      %broadcast_in_dim3A_514 = arith.constant 0.000000e+00 : f32
      %broadcast_in_dim3A_515 = vector.broadcast %broadcast_in_dim3A_514 : f32 to vector<16xf32>
      %broadcast_in_dim3A_516 = arith.constant 0.000000e+00 : f32
      %broadcast_in_dim3A_517 = vector.broadcast %broadcast_in_dim3A_516 : f32 to vector<16xf32>
      %broadcast_in_dim3A_518 = arith.constant 0.000000e+00 : f32
      %broadcast_in_dim3A_519 = vector.broadcast %broadcast_in_dim3A_518 : f32 to vector<16xf32>
      %broadcast_in_dim3A_520 = arith.constant 0.000000e+00 : f32
      %broadcast_in_dim3A_521 = vector.broadcast %broadcast_in_dim3A_520 : f32 to vector<16xf32>
      %broadcast_in_dim3A_522 = arith.constant 0.000000e+00 : f32
      %broadcast_in_dim3A_523 = vector.broadcast %broadcast_in_dim3A_522 : f32 to vector<16xf32>
      %broadcast_in_dim3A_524 = arith.constant 0.000000e+00 : f32
      %broadcast_in_dim3A_525 = vector.broadcast %broadcast_in_dim3A_524 : f32 to vector<16xf32>
      %scan3A_526 = arith.constant 0 : i32
      %scan3A_527 = arith.constant 39 : i32
      %scan3A_528 = arith.addi %scan3A_526, %scan3A_527 : i32
      %scan3A_529 = arith.constant 1 : i32
      %scan3A_530:8 = scf.for %scan3A_1032 = %scan3A_526 to %scan3A_528 step %scan3A_529 iter_args(%scan3A_1033 = %broadcast_in_dim3A_511, %scan3A_1034 = %broadcast_in_dim3A_513, %scan3A_1035 = %broadcast_in_dim3A_515, %scan3A_1036 = %broadcast_in_dim3A_517, %scan3A_1037 = %broadcast_in_dim3A_519, %scan3A_1038 = %broadcast_in_dim3A_521, %scan3A_1039 = %broadcast_in_dim3A_523, %scan3A_1040 = %broadcast_in_dim3A_525) -> (vector<16xf32>, vector<16xf32>, vector<16xf32>, vector<16xf32>, vector<16xf32>, vector<16xf32>, vector<16xf32>, vector<16xf32>)  : i32 {
        %mul3A_1041 = arith.constant 128 : i32
        %mul3A_1042 = arith.muli %scan3A_1032, %mul3A_1041 : i32
        %add3A_1043 = arith.constant 0 : i32
        %add3A_1044 = arith.addi %mul3A_1042, %add3A_1043 : i32
        %get3A_1045 = arith.constant 3 : i32
        %get3A_1046 = arith.index_cast %get3A_1045 : i32 to index
        %get3A_1047 = arith.index_cast %add3A_1044 : i32 to index
        %get3A_1048 = tpu.vector_load %arg9[%get3A_1046, %get3A_1047] {strides = array<i32>} : memref<4x5000xf32, #tpu.memory_space<vmem>>, vector<16xf32>,
        %add3A_1049 = arith.constant 15000 : i32
        %add3A_1050 = arith.addi %add3A_1049, %mul3A_1042 : i32
        %add3A_1051 = arith.constant 0 : i32
        %add3A_1052 = arith.addi %add3A_1050, %add3A_1051 : i32
        %get3A_1053 = arith.index_cast %add3A_1052 : i32 to index
        %get3A_1054 = tpu.vector_load %arg11[%get3A_1053] {strides = array<i32>} : memref<20016xf32, #tpu.memory_space<vmem>>, vector<16xf32>,
        %mul3A_1055 = arith.constant 1.000000e+01 : f32
        %mul3A_1056 = vector.broadcast %mul3A_1055 : f32 to vector<16xf32>
        %mul3A_1057 = arith.mulf %get3A_1048, %mul3A_1056 : vector<16xf32>
        %exp3A_1058 = math.exp %mul3A_1057 : vector<16xf32>
        %add3A_1059 = arith.addf %scan3A_1033, %exp3A_1058 : vector<16xf32>
        %mul3A_1060 = arith.mulf %get3A_1054, %exp3A_1058 : vector<16xf32>
        %add3A_1061 = arith.addf %scan3A_1037, %mul3A_1060 : vector<16xf32>
        %add3A_1062 = arith.constant 16 : i32
        %add3A_1063 = arith.addi %mul3A_1042, %add3A_1062 : i32
        %get3A_1064 = arith.constant 3 : i32
        %get3A_1065 = arith.index_cast %get3A_1064 : i32 to index
        %get3A_1066 = arith.index_cast %add3A_1063 : i32 to index
        %get3A_1067 = tpu.vector_load %arg9[%get3A_1065, %get3A_1066] {strides = array<i32>} : memref<4x5000xf32, #tpu.memory_space<vmem>>, vector<16xf32>,
        %add3A_1068 = arith.constant 15000 : i32
        %add3A_1069 = arith.addi %add3A_1068, %mul3A_1042 : i32
        %add3A_1070 = arith.constant 16 : i32
        %add3A_1071 = arith.addi %add3A_1069, %add3A_1070 : i32
        %get3A_1072 = arith.index_cast %add3A_1071 : i32 to index
        %get3A_1073 = tpu.vector_load %arg11[%get3A_1072] {strides = array<i32>} : memref<20016xf32, #tpu.memory_space<vmem>>, vector<16xf32>,
        %mul3A_1074 = arith.constant 1.000000e+01 : f32
        %mul3A_1075 = vector.broadcast %mul3A_1074 : f32 to vector<16xf32>
        %mul3A_1076 = arith.mulf %get3A_1067, %mul3A_1075 : vector<16xf32>
        %exp3A_1077 = math.exp %mul3A_1076 : vector<16xf32>
        %add3A_1078 = arith.addf %scan3A_1034, %exp3A_1077 : vector<16xf32>
        %mul3A_1079 = arith.mulf %get3A_1073, %exp3A_1077 : vector<16xf32>
        %add3A_1080 = arith.addf %scan3A_1038, %mul3A_1079 : vector<16xf32>
        %add3A_1081 = arith.constant 32 : i32
        %add3A_1082 = arith.addi %mul3A_1042, %add3A_1081 : i32
        %get3A_1083 = arith.constant 3 : i32
        %get3A_1084 = arith.index_cast %get3A_1083 : i32 to index
        %get3A_1085 = arith.index_cast %add3A_1082 : i32 to index
        %get3A_1086 = tpu.vector_load %arg9[%get3A_1084, %get3A_1085] {strides = array<i32>} : memref<4x5000xf32, #tpu.memory_space<vmem>>, vector<16xf32>,
        %add3A_1087 = arith.constant 15000 : i32
        %add3A_1088 = arith.addi %add3A_1087, %mul3A_1042 : i32
        %add3A_1089 = arith.constant 32 : i32
        %add3A_1090 = arith.addi %add3A_1088, %add3A_1089 : i32
        %get3A_1091 = arith.index_cast %add3A_1090 : i32 to index
        %get3A_1092 = tpu.vector_load %arg11[%get3A_1091] {strides = array<i32>} : memref<20016xf32, #tpu.memory_space<vmem>>, vector<16xf32>,
        %mul3A_1093 = arith.constant 1.000000e+01 : f32
        %mul3A_1094 = vector.broadcast %mul3A_1093 : f32 to vector<16xf32>
        %mul3A_1095 = arith.mulf %get3A_1086, %mul3A_1094 : vector<16xf32>
        %exp3A_1096 = math.exp %mul3A_1095 : vector<16xf32>
        %add3A_1097 = arith.addf %scan3A_1035, %exp3A_1096 : vector<16xf32>
        %mul3A_1098 = arith.mulf %get3A_1092, %exp3A_1096 : vector<16xf32>
        %add3A_1099 = arith.addf %scan3A_1039, %mul3A_1098 : vector<16xf32>
        %add3A_1100 = arith.constant 48 : i32
        %add3A_1101 = arith.addi %mul3A_1042, %add3A_1100 : i32
        %get3A_1102 = arith.constant 3 : i32
        %get3A_1103 = arith.index_cast %get3A_1102 : i32 to index
        %get3A_1104 = arith.index_cast %add3A_1101 : i32 to index
        %get3A_1105 = tpu.vector_load %arg9[%get3A_1103, %get3A_1104] {strides = array<i32>} : memref<4x5000xf32, #tpu.memory_space<vmem>>, vector<16xf32>,
        %add3A_1106 = arith.constant 15000 : i32
        %add3A_1107 = arith.addi %add3A_1106, %mul3A_1042 : i32
        %add3A_1108 = arith.constant 48 : i32
        %add3A_1109 = arith.addi %add3A_1107, %add3A_1108 : i32
        %get3A_1110 = arith.index_cast %add3A_1109 : i32 to index
        %get3A_1111 = tpu.vector_load %arg11[%get3A_1110] {strides = array<i32>} : memref<20016xf32, #tpu.memory_space<vmem>>, vector<16xf32>,
        %mul3A_1112 = arith.constant 1.000000e+01 : f32
        %mul3A_1113 = vector.broadcast %mul3A_1112 : f32 to vector<16xf32>
        %mul3A_1114 = arith.mulf %get3A_1105, %mul3A_1113 : vector<16xf32>
        %exp3A_1115 = math.exp %mul3A_1114 : vector<16xf32>
        %add3A_1116 = arith.addf %scan3A_1036, %exp3A_1115 : vector<16xf32>
        %mul3A_1117 = arith.mulf %get3A_1111, %exp3A_1115 : vector<16xf32>
        %add3A_1118 = arith.addf %scan3A_1040, %mul3A_1117 : vector<16xf32>
        %add3A_1119 = arith.constant 64 : i32
        %add3A_1120 = arith.addi %mul3A_1042, %add3A_1119 : i32
        %get3A_1121 = arith.constant 3 : i32
        %get3A_1122 = arith.index_cast %get3A_1121 : i32 to index
        %get3A_1123 = arith.index_cast %add3A_1120 : i32 to index
        %get3A_1124 = tpu.vector_load %arg9[%get3A_1122, %get3A_1123] {strides = array<i32>} : memref<4x5000xf32, #tpu.memory_space<vmem>>, vector<16xf32>,
        %add3A_1125 = arith.constant 15000 : i32
        %add3A_1126 = arith.addi %add3A_1125, %mul3A_1042 : i32
        %add3A_1127 = arith.constant 64 : i32
        %add3A_1128 = arith.addi %add3A_1126, %add3A_1127 : i32
        %get3A_1129 = arith.index_cast %add3A_1128 : i32 to index
        %get3A_1130 = tpu.vector_load %arg11[%get3A_1129] {strides = array<i32>} : memref<20016xf32, #tpu.memory_space<vmem>>, vector<16xf32>,
        %mul3A_1131 = arith.constant 1.000000e+01 : f32
        %mul3A_1132 = vector.broadcast %mul3A_1131 : f32 to vector<16xf32>
        %mul3A_1133 = arith.mulf %get3A_1124, %mul3A_1132 : vector<16xf32>
        %exp3A_1134 = math.exp %mul3A_1133 : vector<16xf32>
        %add3A_1135 = arith.addf %add3A_1059, %exp3A_1134 : vector<16xf32>
        %mul3A_1136 = arith.mulf %get3A_1130, %exp3A_1134 : vector<16xf32>
        %add3A_1137 = arith.addf %add3A_1061, %mul3A_1136 : vector<16xf32>
        %add3A_1138 = arith.constant 80 : i32
        %add3A_1139 = arith.addi %mul3A_1042, %add3A_1138 : i32
        %get3A_1140 = arith.constant 3 : i32
        %get3A_1141 = arith.index_cast %get3A_1140 : i32 to index
        %get3A_1142 = arith.index_cast %add3A_1139 : i32 to index
        %get3A_1143 = tpu.vector_load %arg9[%get3A_1141, %get3A_1142] {strides = array<i32>} : memref<4x5000xf32, #tpu.memory_space<vmem>>, vector<16xf32>,
        %add3A_1144 = arith.constant 15000 : i32
        %add3A_1145 = arith.addi %add3A_1144, %mul3A_1042 : i32
        %add3A_1146 = arith.constant 80 : i32
        %add3A_1147 = arith.addi %add3A_1145, %add3A_1146 : i32
        %get3A_1148 = arith.index_cast %add3A_1147 : i32 to index
        %get3A_1149 = tpu.vector_load %arg11[%get3A_1148] {strides = array<i32>} : memref<20016xf32, #tpu.memory_space<vmem>>, vector<16xf32>,
        %mul3A_1150 = arith.constant 1.000000e+01 : f32
        %mul3A_1151 = vector.broadcast %mul3A_1150 : f32 to vector<16xf32>
        %mul3A_1152 = arith.mulf %get3A_1143, %mul3A_1151 : vector<16xf32>
        %exp3A_1153 = math.exp %mul3A_1152 : vector<16xf32>
        %add3A_1154 = arith.addf %add3A_1078, %exp3A_1153 : vector<16xf32>
        %mul3A_1155 = arith.mulf %get3A_1149, %exp3A_1153 : vector<16xf32>
        %add3A_1156 = arith.addf %add3A_1080, %mul3A_1155 : vector<16xf32>
        %add3A_1157 = arith.constant 96 : i32
        %add3A_1158 = arith.addi %mul3A_1042, %add3A_1157 : i32
        %get3A_1159 = arith.constant 3 : i32
        %get3A_1160 = arith.index_cast %get3A_1159 : i32 to index
        %get3A_1161 = arith.index_cast %add3A_1158 : i32 to index
        %get3A_1162 = tpu.vector_load %arg9[%get3A_1160, %get3A_1161] {strides = array<i32>} : memref<4x5000xf32, #tpu.memory_space<vmem>>, vector<16xf32>,
        %add3A_1163 = arith.constant 15000 : i32
        %add3A_1164 = arith.addi %add3A_1163, %mul3A_1042 : i32
        %add3A_1165 = arith.constant 96 : i32
        %add3A_1166 = arith.addi %add3A_1164, %add3A_1165 : i32
        %get3A_1167 = arith.index_cast %add3A_1166 : i32 to index
        %get3A_1168 = tpu.vector_load %arg11[%get3A_1167] {strides = array<i32>} : memref<20016xf32, #tpu.memory_space<vmem>>, vector<16xf32>,
        %mul3A_1169 = arith.constant 1.000000e+01 : f32
        %mul3A_1170 = vector.broadcast %mul3A_1169 : f32 to vector<16xf32>
        %mul3A_1171 = arith.mulf %get3A_1162, %mul3A_1170 : vector<16xf32>
        %exp3A_1172 = math.exp %mul3A_1171 : vector<16xf32>
        %add3A_1173 = arith.addf %add3A_1097, %exp3A_1172 : vector<16xf32>
        %mul3A_1174 = arith.mulf %get3A_1168, %exp3A_1172 : vector<16xf32>
        %add3A_1175 = arith.addf %add3A_1099, %mul3A_1174 : vector<16xf32>
        %add3A_1176 = arith.constant 112 : i32
        %add3A_1177 = arith.addi %mul3A_1042, %add3A_1176 : i32
        %get3A_1178 = arith.constant 3 : i32
        %get3A_1179 = arith.index_cast %get3A_1178 : i32 to index
        %get3A_1180 = arith.index_cast %add3A_1177 : i32 to index
        %get3A_1181 = tpu.vector_load %arg9[%get3A_1179, %get3A_1180] {strides = array<i32>} : memref<4x5000xf32, #tpu.memory_space<vmem>>, vector<16xf32>,
        %add3A_1182 = arith.constant 15000 : i32
        %add3A_1183 = arith.addi %add3A_1182, %mul3A_1042 : i32
        %add3A_1184 = arith.constant 112 : i32
        %add3A_1185 = arith.addi %add3A_1183, %add3A_1184 : i32
        %get3A_1186 = arith.index_cast %add3A_1185 : i32 to index
        %get3A_1187 = tpu.vector_load %arg11[%get3A_1186] {strides = array<i32>} : memref<20016xf32, #tpu.memory_space<vmem>>, vector<16xf32>,
        %mul3A_1188 = arith.constant 1.000000e+01 : f32
        %mul3A_1189 = vector.broadcast %mul3A_1188 : f32 to vector<16xf32>
        %mul3A_1190 = arith.mulf %get3A_1181, %mul3A_1189 : vector<16xf32>
        %exp3A_1191 = math.exp %mul3A_1190 : vector<16xf32>
        %add3A_1192 = arith.addf %add3A_1116, %exp3A_1191 : vector<16xf32>
        %mul3A_1193 = arith.mulf %get3A_1187, %exp3A_1191 : vector<16xf32>
        %add3A_1194 = arith.addf %add3A_1118, %mul3A_1193 : vector<16xf32>
        scf.yield %add3A_1135, %add3A_1154, %add3A_1173, %add3A_1192, %add3A_1137, %add3A_1156, %add3A_1175, %add3A_1194 : vector<16xf32>, vector<16xf32>, vector<16xf32>, vector<16xf32>, vector<16xf32>, vector<16xf32>, vector<16xf32>, vector<16xf32>
      }
      %scan3A_531 = arith.constant 39 : i32
      %get3A_532 = arith.constant 3 : i32
      %get3A_533 = arith.index_cast %get3A_532 : i32 to index
      %get3A_534 = arith.constant 4984 : index
      %get3A_535 = tpu.vector_load %arg9[%get3A_533, %get3A_534] {strides = array<i32>} : memref<4x5000xf32, #tpu.memory_space<vmem>>, vector<16xf32>,
      %get3A_536 = arith.constant 19984 : index
      %get3A_537 = tpu.vector_load %arg11[%get3A_536] {strides = array<i32>} : memref<20016xf32, #tpu.memory_space<vmem>>, vector<16xf32>,
      %mul3A_538 = arith.constant 1.000000e+01 : f32
      %mul3A_539 = vector.broadcast %mul3A_538 : f32 to vector<16xf32>
      %mul3A_540 = arith.mulf %get3A_535, %mul3A_539 : vector<16xf32>
      %exp3A_541 = math.exp %mul3A_540 : vector<16xf32>
      %mul3A_542 = arith.mulf %exp3A_541, %select_n3A : vector<16xf32>
      %add3A_543 = arith.addf %scan3A_530#0, %scan3A_530#1 : vector<16xf32>
      %add3A_544 = arith.addf %scan3A_530#2, %scan3A_530#3 : vector<16xf32>
      %add3A_545 = arith.addf %add3A_543, %add3A_544 : vector<16xf32>
      %add3A_546 = arith.addf %add3A_545, %mul3A_542 : vector<16xf32>
      %add3A_547 = arith.addf %scan3A_530#4, %scan3A_530#5 : vector<16xf32>
      %add3A_548 = arith.addf %scan3A_530#6, %scan3A_530#7 : vector<16xf32>
      %add3A_549 = arith.addf %add3A_547, %add3A_548 : vector<16xf32>
      %mul3A_550 = arith.mulf %get3A_537, %mul3A_542 : vector<16xf32>
      %add3A_551 = arith.addf %add3A_549, %mul3A_550 : vector<16xf32>
      %reduce_sum3A_552 = arith.constant true
      %reduce_sum3A_553 = vector.broadcast %reduce_sum3A_552 : i1 to vector<16xi1>
      %reduce_sum3A_554 = tpu.scan <sum>, %add3A_546 masked %reduce_sum3A_553 : vector<16xf32>, vector<16xi1> -> vector<16xf32>
      %reduce_sum3A_555 = vector.extract %reduce_sum3A_554[15] : f32 from vector<16xf32>
      %broadcast_in_dim3A_556 = vector.broadcast %reduce_sum3A_555 : f32 to vector<16xf32>
      %reduce_sum3A_557 = arith.constant true
      %reduce_sum3A_558 = vector.broadcast %reduce_sum3A_557 : i1 to vector<16xi1>
      %reduce_sum3A_559 = tpu.scan <sum>, %add3A_551 masked %reduce_sum3A_558 : vector<16xf32>, vector<16xi1> -> vector<16xf32>
      %reduce_sum3A_560 = vector.extract %reduce_sum3A_559[15] : f32 from vector<16xf32>
      %broadcast_in_dim3A_561 = vector.broadcast %reduce_sum3A_560 : f32 to vector<16xf32>
      %get3A_562 = arith.index_cast %add3A_509 : i32 to index
      %get3A_563 = tpu.vector_load %arg8[%get3A_562] {strides = array<i32>} : memref<224xf32, #tpu.memory_space<vmem>>, vector<16xf32>,
      %slice3A_564 = vector.extract_strided_slice %get3A_563 {offsets = [0], sizes = [1], strides = [1]} : vector<16xf32> to vector<1xf32>
      %squeeze3A_565 = vector.extract %slice3A_564[0] : f32 from vector<1xf32>
      %broadcast_in_dim3A_566 = vector.broadcast %squeeze3A_565 : f32 to vector<16xf32>
      %get3A_567 = arith.index_cast %add3A_509 : i32 to index
      %get3A_568 = tpu.vector_load %arg7[%get3A_567] {strides = array<i32>} : memref<224xi32, #tpu.memory_space<vmem>>, vector<16xi32>,
      %slice3A_569 = vector.extract_strided_slice %get3A_568 {offsets = [0], sizes = [1], strides = [1]} : vector<16xi32> to vector<1xi32>
      %squeeze3A_570 = vector.extract %slice3A_569[0] : i32 from vector<1xi32>
      %add3A_571 = arith.constant 15000 : i32
      %add3A_572 = arith.addi %add3A_571, %squeeze3A_570 : i32
      %get3A_573 = arith.index_cast %add3A_572 : i32 to index
      %get3A_574 = tpu.vector_load %arg11[%get3A_573] {strides = array<i32>} : memref<20016xf32, #tpu.memory_space<vmem>>, vector<16xf32>,
      %slice3A_575 = vector.extract_strided_slice %get3A_574 {offsets = [0], sizes = [1], strides = [1]} : vector<16xf32> to vector<1xf32>
      %squeeze3A_576 = vector.extract %slice3A_575[0] : f32 from vector<1xf32>
      %broadcast_in_dim3A_577 = vector.broadcast %squeeze3A_576 : f32 to vector<16xf32>
      %sub3A_578 = arith.constant 0.000000e+00 : f32
      %sub3A_579 = vector.broadcast %sub3A_578 : f32 to vector<16xf32>
      %sub3A_580 = arith.subf %sub3A_579, %broadcast_in_dim3A_561 : vector<16xf32>
      %mul3A_581 = arith.mulf %broadcast_in_dim3A_566, %sub3A_580 : vector<16xf32>
      %div3A_582 = arith.divf %mul3A_581, %broadcast_in_dim3A_556 : vector<16xf32>
      %mul3A_583 = arith.mulf %broadcast_in_dim3A_566, %broadcast_in_dim3A_577 : vector<16xf32>
      %add3A_584 = arith.addf %add3A_505, %div3A_582 : vector<16xf32>
      %add3A_585 = arith.addf %add3A_506, %mul3A_583 : vector<16xf32>
      %add3A_586 = arith.addf %add3A_507, %broadcast_in_dim3A_566 : vector<16xf32>
      %add3A_587 = arith.constant 8 : i32
      %add3A_588 = arith.addi %mul3A_153, %add3A_587 : i32
      %min3A_589 = arith.constant 204 : i32
      %min3A_590 = arith.minsi %add3A_588, %min3A_589 : i32
      %get3A_591 = arith.index_cast %min3A_590 : i32 to index
      %get3A_592 = tpu.vector_load %arg7[%get3A_591] {strides = array<i32>} : memref<224xi32, #tpu.memory_space<vmem>>, vector<16xi32>,
      %slice3A_593 = vector.extract_strided_slice %get3A_592 {offsets = [0], sizes = [1], strides = [1]} : vector<16xi32> to vector<1xi32>
      %squeeze3A_594 = vector.extract %slice3A_593[0] : i32 from vector<1xi32>
      %mul3A_595 = arith.constant 5000 : i32
      %mul3A_596 = arith.muli %squeeze3A_594, %mul3A_595 : i32
      %dma_start3A_597 = arith.constant 0 : i32
      %dma_start3A_598 = arith.constant 0 : i32
      %dma_start3A_599 = tpu.memref_slice %arg9[%dma_start3A_597, %dma_start3A_598] : memref<4x5000xf32, #tpu.memory_space<vmem>> -> memref<1x5000xf32, #tpu.memory_space<vmem>>
      %dma_start3A_600 = tpu.memref_squeeze %dma_start3A_599 : memref<1x5000xf32, #tpu.memory_space<vmem>> -> memref<5000xf32, #tpu.memory_space<vmem>>
      %dma_start3A_601 = tpu.memref_slice %arg5[%mul3A_596] : memref<25000000xf32, #tpu.memory_space<hbm>> -> memref<5000xf32, #tpu.memory_space<hbm>>
      %dma_start3A_602 = arith.constant 0 : i32
      %dma_start3A_603 = tpu.memref_slice %arg9[%dma_start3A_597, %dma_start3A_602] : memref<4x5000xf32, #tpu.memory_space<vmem>> -> memref<1x5000xf32, #tpu.memory_space<vmem>>
      %dma_start3A_604 = tpu.memref_squeeze %dma_start3A_603 : memref<1x5000xf32, #tpu.memory_space<vmem>> -> memref<5000xf32, #tpu.memory_space<vmem>>
      %dma_start3A_605 = tpu.memref_slice %arg5[%mul3A_596] : memref<25000000xf32, #tpu.memory_space<hbm>> -> memref<5000xf32, #tpu.memory_space<hbm>>
      tpu.enqueue_dma source(%dma_start3A_605 : memref<5000xf32, #tpu.memory_space<hbm>>) target(%dma_start3A_604 : memref<5000xf32, #tpu.memory_space<vmem>>) target_semaphore(%arg14 : memref<!tpu.dma_semaphore, #tpu.memory_space<semaphore_mem>>)
      %slice3A_606 = vector.extract_strided_slice %get3A_592 {offsets = [1], sizes = [1], strides = [1]} : vector<16xi32> to vector<1xi32>
      %squeeze3A_607 = vector.extract %slice3A_606[0] : i32 from vector<1xi32>
      %mul3A_608 = arith.constant 5000 : i32
      %mul3A_609 = arith.muli %squeeze3A_607, %mul3A_608 : i32
      %dma_start3A_610 = arith.constant 1 : i32
      %dma_start3A_611 = arith.constant 0 : i32
      %dma_start3A_612 = tpu.memref_slice %arg9[%dma_start3A_610, %dma_start3A_611] : memref<4x5000xf32, #tpu.memory_space<vmem>> -> memref<1x5000xf32, #tpu.memory_space<vmem>>
      %dma_start3A_613 = tpu.memref_squeeze %dma_start3A_612 : memref<1x5000xf32, #tpu.memory_space<vmem>> -> memref<5000xf32, #tpu.memory_space<vmem>>
      %dma_start3A_614 = tpu.memref_slice %arg5[%mul3A_609] : memref<25000000xf32, #tpu.memory_space<hbm>> -> memref<5000xf32, #tpu.memory_space<hbm>>
      %dma_start3A_615 = arith.constant 0 : i32
      %dma_start3A_616 = tpu.memref_slice %arg9[%dma_start3A_610, %dma_start3A_615] : memref<4x5000xf32, #tpu.memory_space<vmem>> -> memref<1x5000xf32, #tpu.memory_space<vmem>>
      %dma_start3A_617 = tpu.memref_squeeze %dma_start3A_616 : memref<1x5000xf32, #tpu.memory_space<vmem>> -> memref<5000xf32, #tpu.memory_space<vmem>>
      %dma_start3A_618 = tpu.memref_slice %arg5[%mul3A_609] : memref<25000000xf32, #tpu.memory_space<hbm>> -> memref<5000xf32, #tpu.memory_space<hbm>>
      tpu.enqueue_dma source(%dma_start3A_618 : memref<5000xf32, #tpu.memory_space<hbm>>) target(%dma_start3A_617 : memref<5000xf32, #tpu.memory_space<vmem>>) target_semaphore(%arg14 : memref<!tpu.dma_semaphore, #tpu.memory_space<semaphore_mem>>)
      %slice3A_619 = vector.extract_strided_slice %get3A_592 {offsets = [2], sizes = [1], strides = [1]} : vector<16xi32> to vector<1xi32>
      %squeeze3A_620 = vector.extract %slice3A_619[0] : i32 from vector<1xi32>
      %mul3A_621 = arith.constant 5000 : i32
      %mul3A_622 = arith.muli %squeeze3A_620, %mul3A_621 : i32
      %dma_start3A_623 = arith.constant 2 : i32
      %dma_start3A_624 = arith.constant 0 : i32
      %dma_start3A_625 = tpu.memref_slice %arg9[%dma_start3A_623, %dma_start3A_624] : memref<4x5000xf32, #tpu.memory_space<vmem>> -> memref<1x5000xf32, #tpu.memory_space<vmem>>
      %dma_start3A_626 = tpu.memref_squeeze %dma_start3A_625 : memref<1x5000xf32, #tpu.memory_space<vmem>> -> memref<5000xf32, #tpu.memory_space<vmem>>
      %dma_start3A_627 = tpu.memref_slice %arg5[%mul3A_622] : memref<25000000xf32, #tpu.memory_space<hbm>> -> memref<5000xf32, #tpu.memory_space<hbm>>
      %dma_start3A_628 = arith.constant 0 : i32
      %dma_start3A_629 = tpu.memref_slice %arg9[%dma_start3A_623, %dma_start3A_628] : memref<4x5000xf32, #tpu.memory_space<vmem>> -> memref<1x5000xf32, #tpu.memory_space<vmem>>
      %dma_start3A_630 = tpu.memref_squeeze %dma_start3A_629 : memref<1x5000xf32, #tpu.memory_space<vmem>> -> memref<5000xf32, #tpu.memory_space<vmem>>
      %dma_start3A_631 = tpu.memref_slice %arg5[%mul3A_622] : memref<25000000xf32, #tpu.memory_space<hbm>> -> memref<5000xf32, #tpu.memory_space<hbm>>
      tpu.enqueue_dma source(%dma_start3A_631 : memref<5000xf32, #tpu.memory_space<hbm>>) target(%dma_start3A_630 : memref<5000xf32, #tpu.memory_space<vmem>>) target_semaphore(%arg14 : memref<!tpu.dma_semaphore, #tpu.memory_space<semaphore_mem>>)
      %slice3A_632 = vector.extract_strided_slice %get3A_592 {offsets = [3], sizes = [1], strides = [1]} : vector<16xi32> to vector<1xi32>
      %squeeze3A_633 = vector.extract %slice3A_632[0] : i32 from vector<1xi32>
      %mul3A_634 = arith.constant 5000 : i32
      %mul3A_635 = arith.muli %squeeze3A_633, %mul3A_634 : i32
      %dma_start3A_636 = arith.constant 3 : i32
      %dma_start3A_637 = arith.constant 0 : i32
      %dma_start3A_638 = tpu.memref_slice %arg9[%dma_start3A_636, %dma_start3A_637] : memref<4x5000xf32, #tpu.memory_space<vmem>> -> memref<1x5000xf32, #tpu.memory_space<vmem>>
      %dma_start3A_639 = tpu.memref_squeeze %dma_start3A_638 : memref<1x5000xf32, #tpu.memory_space<vmem>> -> memref<5000xf32, #tpu.memory_space<vmem>>
      %dma_start3A_640 = tpu.memref_slice %arg5[%mul3A_635] : memref<25000000xf32, #tpu.memory_space<hbm>> -> memref<5000xf32, #tpu.memory_space<hbm>>
      %dma_start3A_641 = arith.constant 0 : i32
      %dma_start3A_642 = tpu.memref_slice %arg9[%dma_start3A_636, %dma_start3A_641] : memref<4x5000xf32, #tpu.memory_space<vmem>> -> memref<1x5000xf32, #tpu.memory_space<vmem>>
      %dma_start3A_643 = tpu.memref_squeeze %dma_start3A_642 : memref<1x5000xf32, #tpu.memory_space<vmem>> -> memref<5000xf32, #tpu.memory_space<vmem>>
      %dma_start3A_644 = tpu.memref_slice %arg5[%mul3A_635] : memref<25000000xf32, #tpu.memory_space<hbm>> -> memref<5000xf32, #tpu.memory_space<hbm>>
      tpu.enqueue_dma source(%dma_start3A_644 : memref<5000xf32, #tpu.memory_space<hbm>>) target(%dma_start3A_643 : memref<5000xf32, #tpu.memory_space<vmem>>) target_semaphore(%arg14 : memref<!tpu.dma_semaphore, #tpu.memory_space<semaphore_mem>>)
      %add3A_645 = arith.addi %mul3A_2, %min3A_590 : i32
      %min3A_646 = arith.constant 6396 : i32
      %min3A_647 = arith.minsi %add3A_645, %min3A_646 : i32
      %mul3A_648 = arith.constant 5000 : i32
      %mul3A_649 = arith.muli %min3A_647, %mul3A_648 : i32
      %dma_start3A_650 = arith.constant 0 : i32
      %dma_start3A_651 = tpu.memref_slice %arg11[%dma_start3A_650] : memref<20016xf32, #tpu.memory_space<vmem>> -> memref<20000xf32, #tpu.memory_space<vmem>>
      %dma_start3A_652 = tpu.memref_slice %arg2[%mul3A_649] : memref<32000000xf32, #tpu.memory_space<hbm>> -> memref<20000xf32, #tpu.memory_space<hbm>>
      %dma_start3A_653 = arith.constant 0 : i32
      %dma_start3A_654 = tpu.memref_slice %arg11[%dma_start3A_653] : memref<20016xf32, #tpu.memory_space<vmem>> -> memref<20000xf32, #tpu.memory_space<vmem>>
      %dma_start3A_655 = tpu.memref_slice %arg2[%mul3A_649] : memref<32000000xf32, #tpu.memory_space<hbm>> -> memref<20000xf32, #tpu.memory_space<hbm>>
      tpu.enqueue_dma source(%dma_start3A_655 : memref<20000xf32, #tpu.memory_space<hbm>>) target(%dma_start3A_654 : memref<20000xf32, #tpu.memory_space<vmem>>) target_semaphore(%arg16 : memref<!tpu.dma_semaphore, #tpu.memory_space<semaphore_mem>>)
      %dma_wait3A_656 = arith.constant 0 : i32
      %dma_wait3A_657 = arith.constant 0 : i32
      %dma_wait3A_658 = tpu.memref_slice %arg10[%dma_wait3A_656, %dma_wait3A_657] : memref<4x5000xf32, #tpu.memory_space<vmem>> -> memref<1x5000xf32, #tpu.memory_space<vmem>>
      %dma_wait3A_659 = tpu.memref_squeeze %dma_wait3A_658 : memref<1x5000xf32, #tpu.memory_space<vmem>> -> memref<5000xf32, #tpu.memory_space<vmem>>
      %dma_wait3A_660 = arith.constant 0 : i32
      %dma_wait3A_661 = tpu.memref_slice %arg5[%dma_wait3A_660] : memref<25000000xf32, #tpu.memory_space<hbm>> -> memref<5000xf32, #tpu.memory_space<hbm>>
      %dma_wait3A_662 = arith.constant 0 : i32
      %dma_wait3A_663 = tpu.memref_slice %arg10[%dma_wait3A_656, %dma_wait3A_662] : memref<4x5000xf32, #tpu.memory_space<vmem>> -> memref<1x5000xf32, #tpu.memory_space<vmem>>
      %dma_wait3A_664 = tpu.memref_squeeze %dma_wait3A_663 : memref<1x5000xf32, #tpu.memory_space<vmem>> -> memref<5000xf32, #tpu.memory_space<vmem>>
      %dma_wait3A_665 = arith.constant 0 : i32
      %dma_wait3A_666 = tpu.memref_slice %arg5[%dma_wait3A_665] : memref<25000000xf32, #tpu.memory_space<hbm>> -> memref<5000xf32, #tpu.memory_space<hbm>>
      tpu.wait_dma2 semaphore(%arg15 : memref<!tpu.dma_semaphore, #tpu.memory_space<semaphore_mem>>) src(%dma_wait3A_666 : memref<5000xf32, #tpu.memory_space<hbm>>) dst(%dma_wait3A_664 : memref<5000xf32, #tpu.memory_space<vmem>>)
      %dma_wait3A_667 = arith.constant 1 : i32
      %dma_wait3A_668 = arith.constant 0 : i32
      %dma_wait3A_669 = tpu.memref_slice %arg10[%dma_wait3A_667, %dma_wait3A_668] : memref<4x5000xf32, #tpu.memory_space<vmem>> -> memref<1x5000xf32, #tpu.memory_space<vmem>>
      %dma_wait3A_670 = tpu.memref_squeeze %dma_wait3A_669 : memref<1x5000xf32, #tpu.memory_space<vmem>> -> memref<5000xf32, #tpu.memory_space<vmem>>
      %dma_wait3A_671 = arith.constant 0 : i32
      %dma_wait3A_672 = tpu.memref_slice %arg5[%dma_wait3A_671] : memref<25000000xf32, #tpu.memory_space<hbm>> -> memref<5000xf32, #tpu.memory_space<hbm>>
      %dma_wait3A_673 = arith.constant 0 : i32
      %dma_wait3A_674 = tpu.memref_slice %arg10[%dma_wait3A_667, %dma_wait3A_673] : memref<4x5000xf32, #tpu.memory_space<vmem>> -> memref<1x5000xf32, #tpu.memory_space<vmem>>
      %dma_wait3A_675 = tpu.memref_squeeze %dma_wait3A_674 : memref<1x5000xf32, #tpu.memory_space<vmem>> -> memref<5000xf32, #tpu.memory_space<vmem>>
      %dma_wait3A_676 = arith.constant 0 : i32
      %dma_wait3A_677 = tpu.memref_slice %arg5[%dma_wait3A_676] : memref<25000000xf32, #tpu.memory_space<hbm>> -> memref<5000xf32, #tpu.memory_space<hbm>>
      tpu.wait_dma2 semaphore(%arg15 : memref<!tpu.dma_semaphore, #tpu.memory_space<semaphore_mem>>) src(%dma_wait3A_677 : memref<5000xf32, #tpu.memory_space<hbm>>) dst(%dma_wait3A_675 : memref<5000xf32, #tpu.memory_space<vmem>>)
      %dma_wait3A_678 = arith.constant 2 : i32
      %dma_wait3A_679 = arith.constant 0 : i32
      %dma_wait3A_680 = tpu.memref_slice %arg10[%dma_wait3A_678, %dma_wait3A_679] : memref<4x5000xf32, #tpu.memory_space<vmem>> -> memref<1x5000xf32, #tpu.memory_space<vmem>>
      %dma_wait3A_681 = tpu.memref_squeeze %dma_wait3A_680 : memref<1x5000xf32, #tpu.memory_space<vmem>> -> memref<5000xf32, #tpu.memory_space<vmem>>
      %dma_wait3A_682 = arith.constant 0 : i32
      %dma_wait3A_683 = tpu.memref_slice %arg5[%dma_wait3A_682] : memref<25000000xf32, #tpu.memory_space<hbm>> -> memref<5000xf32, #tpu.memory_space<hbm>>
      %dma_wait3A_684 = arith.constant 0 : i32
      %dma_wait3A_685 = tpu.memref_slice %arg10[%dma_wait3A_678, %dma_wait3A_684] : memref<4x5000xf32, #tpu.memory_space<vmem>> -> memref<1x5000xf32, #tpu.memory_space<vmem>>
      %dma_wait3A_686 = tpu.memref_squeeze %dma_wait3A_685 : memref<1x5000xf32, #tpu.memory_space<vmem>> -> memref<5000xf32, #tpu.memory_space<vmem>>
      %dma_wait3A_687 = arith.constant 0 : i32
      %dma_wait3A_688 = tpu.memref_slice %arg5[%dma_wait3A_687] : memref<25000000xf32, #tpu.memory_space<hbm>> -> memref<5000xf32, #tpu.memory_space<hbm>>
      tpu.wait_dma2 semaphore(%arg15 : memref<!tpu.dma_semaphore, #tpu.memory_space<semaphore_mem>>) src(%dma_wait3A_688 : memref<5000xf32, #tpu.memory_space<hbm>>) dst(%dma_wait3A_686 : memref<5000xf32, #tpu.memory_space<vmem>>)
      %dma_wait3A_689 = arith.constant 3 : i32
      %dma_wait3A_690 = arith.constant 0 : i32
      %dma_wait3A_691 = tpu.memref_slice %arg10[%dma_wait3A_689, %dma_wait3A_690] : memref<4x5000xf32, #tpu.memory_space<vmem>> -> memref<1x5000xf32, #tpu.memory_space<vmem>>
      %dma_wait3A_692 = tpu.memref_squeeze %dma_wait3A_691 : memref<1x5000xf32, #tpu.memory_space<vmem>> -> memref<5000xf32, #tpu.memory_space<vmem>>
      %dma_wait3A_693 = arith.constant 0 : i32
      %dma_wait3A_694 = tpu.memref_slice %arg5[%dma_wait3A_693] : memref<25000000xf32, #tpu.memory_space<hbm>> -> memref<5000xf32, #tpu.memory_space<hbm>>
      %dma_wait3A_695 = arith.constant 0 : i32
      %dma_wait3A_696 = tpu.memref_slice %arg10[%dma_wait3A_689, %dma_wait3A_695] : memref<4x5000xf32, #tpu.memory_space<vmem>> -> memref<1x5000xf32, #tpu.memory_space<vmem>>
      %dma_wait3A_697 = tpu.memref_squeeze %dma_wait3A_696 : memref<1x5000xf32, #tpu.memory_space<vmem>> -> memref<5000xf32, #tpu.memory_space<vmem>>
      %dma_wait3A_698 = arith.constant 0 : i32
      %dma_wait3A_699 = tpu.memref_slice %arg5[%dma_wait3A_698] : memref<25000000xf32, #tpu.memory_space<hbm>> -> memref<5000xf32, #tpu.memory_space<hbm>>
      tpu.wait_dma2 semaphore(%arg15 : memref<!tpu.dma_semaphore, #tpu.memory_space<semaphore_mem>>) src(%dma_wait3A_699 : memref<5000xf32, #tpu.memory_space<hbm>>) dst(%dma_wait3A_697 : memref<5000xf32, #tpu.memory_space<vmem>>)
      %dma_wait3A_700 = arith.constant 0 : i32
      %dma_wait3A_701 = tpu.memref_slice %arg12[%dma_wait3A_700] : memref<20016xf32, #tpu.memory_space<vmem>> -> memref<20000xf32, #tpu.memory_space<vmem>>
      %dma_wait3A_702 = arith.constant 0 : i32
      %dma_wait3A_703 = tpu.memref_slice %arg2[%dma_wait3A_702] : memref<32000000xf32, #tpu.memory_space<hbm>> -> memref<20000xf32, #tpu.memory_space<hbm>>
      %dma_wait3A_704 = arith.constant 0 : i32
      %dma_wait3A_705 = tpu.memref_slice %arg12[%dma_wait3A_704] : memref<20016xf32, #tpu.memory_space<vmem>> -> memref<20000xf32, #tpu.memory_space<vmem>>
      %dma_wait3A_706 = arith.constant 0 : i32
      %dma_wait3A_707 = tpu.memref_slice %arg2[%dma_wait3A_706] : memref<32000000xf32, #tpu.memory_space<hbm>> -> memref<20000xf32, #tpu.memory_space<hbm>>
      tpu.wait_dma2 semaphore(%arg17 : memref<!tpu.dma_semaphore, #tpu.memory_space<semaphore_mem>>) src(%dma_wait3A_707 : memref<20000xf32, #tpu.memory_space<hbm>>) dst(%dma_wait3A_705 : memref<20000xf32, #tpu.memory_space<vmem>>)
      %add3A_708 = arith.constant 4 : i32
      %add3A_709 = arith.addi %mul3A_153, %add3A_708 : i32
      %add3A_710 = arith.constant 0 : i32
      %add3A_711 = arith.addi %add3A_709, %add3A_710 : i32
      %broadcast_in_dim3A_712 = arith.constant 0.000000e+00 : f32
      %broadcast_in_dim3A_713 = vector.broadcast %broadcast_in_dim3A_712 : f32 to vector<16xf32>
      %broadcast_in_dim3A_714 = arith.constant 0.000000e+00 : f32
      %broadcast_in_dim3A_715 = vector.broadcast %broadcast_in_dim3A_714 : f32 to vector<16xf32>
      %broadcast_in_dim3A_716 = arith.constant 0.000000e+00 : f32
      %broadcast_in_dim3A_717 = vector.broadcast %broadcast_in_dim3A_716 : f32 to vector<16xf32>
      %broadcast_in_dim3A_718 = arith.constant 0.000000e+00 : f32
      %broadcast_in_dim3A_719 = vector.broadcast %broadcast_in_dim3A_718 : f32 to vector<16xf32>
      %broadcast_in_dim3A_720 = arith.constant 0.000000e+00 : f32
      %broadcast_in_dim3A_721 = vector.broadcast %broadcast_in_dim3A_720 : f32 to vector<16xf32>
      %broadcast_in_dim3A_722 = arith.constant 0.000000e+00 : f32
      %broadcast_in_dim3A_723 = vector.broadcast %broadcast_in_dim3A_722 : f32 to vector<16xf32>
      %broadcast_in_dim3A_724 = arith.constant 0.000000e+00 : f32
      %broadcast_in_dim3A_725 = vector.broadcast %broadcast_in_dim3A_724 : f32 to vector<16xf32>
      %broadcast_in_dim3A_726 = arith.constant 0.000000e+00 : f32
      %broadcast_in_dim3A_727 = vector.broadcast %broadcast_in_dim3A_726 : f32 to vector<16xf32>
      %scan3A_728 = arith.constant 0 : i32
      %scan3A_729 = arith.constant 39 : i32
      %scan3A_730 = arith.addi %scan3A_728, %scan3A_729 : i32
      %scan3A_731 = arith.constant 1 : i32
      %scan3A_732:8 = scf.for %scan3A_1032 = %scan3A_728 to %scan3A_730 step %scan3A_731 iter_args(%scan3A_1033 = %broadcast_in_dim3A_713, %scan3A_1034 = %broadcast_in_dim3A_715, %scan3A_1035 = %broadcast_in_dim3A_717, %scan3A_1036 = %broadcast_in_dim3A_719, %scan3A_1037 = %broadcast_in_dim3A_721, %scan3A_1038 = %broadcast_in_dim3A_723, %scan3A_1039 = %broadcast_in_dim3A_725, %scan3A_1040 = %broadcast_in_dim3A_727) -> (vector<16xf32>, vector<16xf32>, vector<16xf32>, vector<16xf32>, vector<16xf32>, vector<16xf32>, vector<16xf32>, vector<16xf32>)  : i32 {
        %mul3A_1041 = arith.constant 128 : i32
        %mul3A_1042 = arith.muli %scan3A_1032, %mul3A_1041 : i32
        %add3A_1043 = arith.constant 0 : i32
        %add3A_1044 = arith.addi %mul3A_1042, %add3A_1043 : i32
        %get3A_1045 = arith.constant 0 : i32
        %get3A_1046 = arith.index_cast %get3A_1045 : i32 to index
        %get3A_1047 = arith.index_cast %add3A_1044 : i32 to index
        %get3A_1048 = tpu.vector_load %arg10[%get3A_1046, %get3A_1047] {strides = array<i32>} : memref<4x5000xf32, #tpu.memory_space<vmem>>, vector<16xf32>,
        %add3A_1049 = arith.constant 0 : i32
        %add3A_1050 = arith.addi %add3A_1049, %mul3A_1042 : i32
        %add3A_1051 = arith.constant 0 : i32
        %add3A_1052 = arith.addi %add3A_1050, %add3A_1051 : i32
        %get3A_1053 = arith.index_cast %add3A_1052 : i32 to index
        %get3A_1054 = tpu.vector_load %arg12[%get3A_1053] {strides = array<i32>} : memref<20016xf32, #tpu.memory_space<vmem>>, vector<16xf32>,
        %mul3A_1055 = arith.constant 1.000000e+01 : f32
        %mul3A_1056 = vector.broadcast %mul3A_1055 : f32 to vector<16xf32>
        %mul3A_1057 = arith.mulf %get3A_1048, %mul3A_1056 : vector<16xf32>
        %exp3A_1058 = math.exp %mul3A_1057 : vector<16xf32>
        %add3A_1059 = arith.addf %scan3A_1033, %exp3A_1058 : vector<16xf32>
        %mul3A_1060 = arith.mulf %get3A_1054, %exp3A_1058 : vector<16xf32>
        %add3A_1061 = arith.addf %scan3A_1037, %mul3A_1060 : vector<16xf32>
        %add3A_1062 = arith.constant 16 : i32
        %add3A_1063 = arith.addi %mul3A_1042, %add3A_1062 : i32
        %get3A_1064 = arith.constant 0 : i32
        %get3A_1065 = arith.index_cast %get3A_1064 : i32 to index
        %get3A_1066 = arith.index_cast %add3A_1063 : i32 to index
        %get3A_1067 = tpu.vector_load %arg10[%get3A_1065, %get3A_1066] {strides = array<i32>} : memref<4x5000xf32, #tpu.memory_space<vmem>>, vector<16xf32>,
        %add3A_1068 = arith.constant 0 : i32
        %add3A_1069 = arith.addi %add3A_1068, %mul3A_1042 : i32
        %add3A_1070 = arith.constant 16 : i32
        %add3A_1071 = arith.addi %add3A_1069, %add3A_1070 : i32
        %get3A_1072 = arith.index_cast %add3A_1071 : i32 to index
        %get3A_1073 = tpu.vector_load %arg12[%get3A_1072] {strides = array<i32>} : memref<20016xf32, #tpu.memory_space<vmem>>, vector<16xf32>,
        %mul3A_1074 = arith.constant 1.000000e+01 : f32
        %mul3A_1075 = vector.broadcast %mul3A_1074 : f32 to vector<16xf32>
        %mul3A_1076 = arith.mulf %get3A_1067, %mul3A_1075 : vector<16xf32>
        %exp3A_1077 = math.exp %mul3A_1076 : vector<16xf32>
        %add3A_1078 = arith.addf %scan3A_1034, %exp3A_1077 : vector<16xf32>
        %mul3A_1079 = arith.mulf %get3A_1073, %exp3A_1077 : vector<16xf32>
        %add3A_1080 = arith.addf %scan3A_1038, %mul3A_1079 : vector<16xf32>
        %add3A_1081 = arith.constant 32 : i32
        %add3A_1082 = arith.addi %mul3A_1042, %add3A_1081 : i32
        %get3A_1083 = arith.constant 0 : i32
        %get3A_1084 = arith.index_cast %get3A_1083 : i32 to index
        %get3A_1085 = arith.index_cast %add3A_1082 : i32 to index
        %get3A_1086 = tpu.vector_load %arg10[%get3A_1084, %get3A_1085] {strides = array<i32>} : memref<4x5000xf32, #tpu.memory_space<vmem>>, vector<16xf32>,
        %add3A_1087 = arith.constant 0 : i32
        %add3A_1088 = arith.addi %add3A_1087, %mul3A_1042 : i32
        %add3A_1089 = arith.constant 32 : i32
        %add3A_1090 = arith.addi %add3A_1088, %add3A_1089 : i32
        %get3A_1091 = arith.index_cast %add3A_1090 : i32 to index
        %get3A_1092 = tpu.vector_load %arg12[%get3A_1091] {strides = array<i32>} : memref<20016xf32, #tpu.memory_space<vmem>>, vector<16xf32>,
        %mul3A_1093 = arith.constant 1.000000e+01 : f32
        %mul3A_1094 = vector.broadcast %mul3A_1093 : f32 to vector<16xf32>
        %mul3A_1095 = arith.mulf %get3A_1086, %mul3A_1094 : vector<16xf32>
        %exp3A_1096 = math.exp %mul3A_1095 : vector<16xf32>
        %add3A_1097 = arith.addf %scan3A_1035, %exp3A_1096 : vector<16xf32>
        %mul3A_1098 = arith.mulf %get3A_1092, %exp3A_1096 : vector<16xf32>
        %add3A_1099 = arith.addf %scan3A_1039, %mul3A_1098 : vector<16xf32>
        %add3A_1100 = arith.constant 48 : i32
        %add3A_1101 = arith.addi %mul3A_1042, %add3A_1100 : i32
        %get3A_1102 = arith.constant 0 : i32
        %get3A_1103 = arith.index_cast %get3A_1102 : i32 to index
        %get3A_1104 = arith.index_cast %add3A_1101 : i32 to index
        %get3A_1105 = tpu.vector_load %arg10[%get3A_1103, %get3A_1104] {strides = array<i32>} : memref<4x5000xf32, #tpu.memory_space<vmem>>, vector<16xf32>,
        %add3A_1106 = arith.constant 0 : i32
        %add3A_1107 = arith.addi %add3A_1106, %mul3A_1042 : i32
        %add3A_1108 = arith.constant 48 : i32
        %add3A_1109 = arith.addi %add3A_1107, %add3A_1108 : i32
        %get3A_1110 = arith.index_cast %add3A_1109 : i32 to index
        %get3A_1111 = tpu.vector_load %arg12[%get3A_1110] {strides = array<i32>} : memref<20016xf32, #tpu.memory_space<vmem>>, vector<16xf32>,
        %mul3A_1112 = arith.constant 1.000000e+01 : f32
        %mul3A_1113 = vector.broadcast %mul3A_1112 : f32 to vector<16xf32>
        %mul3A_1114 = arith.mulf %get3A_1105, %mul3A_1113 : vector<16xf32>
        %exp3A_1115 = math.exp %mul3A_1114 : vector<16xf32>
        %add3A_1116 = arith.addf %scan3A_1036, %exp3A_1115 : vector<16xf32>
        %mul3A_1117 = arith.mulf %get3A_1111, %exp3A_1115 : vector<16xf32>
        %add3A_1118 = arith.addf %scan3A_1040, %mul3A_1117 : vector<16xf32>
        %add3A_1119 = arith.constant 64 : i32
        %add3A_1120 = arith.addi %mul3A_1042, %add3A_1119 : i32
        %get3A_1121 = arith.constant 0 : i32
        %get3A_1122 = arith.index_cast %get3A_1121 : i32 to index
        %get3A_1123 = arith.index_cast %add3A_1120 : i32 to index
        %get3A_1124 = tpu.vector_load %arg10[%get3A_1122, %get3A_1123] {strides = array<i32>} : memref<4x5000xf32, #tpu.memory_space<vmem>>, vector<16xf32>,
        %add3A_1125 = arith.constant 0 : i32
        %add3A_1126 = arith.addi %add3A_1125, %mul3A_1042 : i32
        %add3A_1127 = arith.constant 64 : i32
        %add3A_1128 = arith.addi %add3A_1126, %add3A_1127 : i32
        %get3A_1129 = arith.index_cast %add3A_1128 : i32 to index
        %get3A_1130 = tpu.vector_load %arg12[%get3A_1129] {strides = array<i32>} : memref<20016xf32, #tpu.memory_space<vmem>>, vector<16xf32>,
        %mul3A_1131 = arith.constant 1.000000e+01 : f32
        %mul3A_1132 = vector.broadcast %mul3A_1131 : f32 to vector<16xf32>
        %mul3A_1133 = arith.mulf %get3A_1124, %mul3A_1132 : vector<16xf32>
        %exp3A_1134 = math.exp %mul3A_1133 : vector<16xf32>
        %add3A_1135 = arith.addf %add3A_1059, %exp3A_1134 : vector<16xf32>
        %mul3A_1136 = arith.mulf %get3A_1130, %exp3A_1134 : vector<16xf32>
        %add3A_1137 = arith.addf %add3A_1061, %mul3A_1136 : vector<16xf32>
        %add3A_1138 = arith.constant 80 : i32
        %add3A_1139 = arith.addi %mul3A_1042, %add3A_1138 : i32
        %get3A_1140 = arith.constant 0 : i32
        %get3A_1141 = arith.index_cast %get3A_1140 : i32 to index
        %get3A_1142 = arith.index_cast %add3A_1139 : i32 to index
        %get3A_1143 = tpu.vector_load %arg10[%get3A_1141, %get3A_1142] {strides = array<i32>} : memref<4x5000xf32, #tpu.memory_space<vmem>>, vector<16xf32>,
        %add3A_1144 = arith.constant 0 : i32
        %add3A_1145 = arith.addi %add3A_1144, %mul3A_1042 : i32
        %add3A_1146 = arith.constant 80 : i32
        %add3A_1147 = arith.addi %add3A_1145, %add3A_1146 : i32
        %get3A_1148 = arith.index_cast %add3A_1147 : i32 to index
        %get3A_1149 = tpu.vector_load %arg12[%get3A_1148] {strides = array<i32>} : memref<20016xf32, #tpu.memory_space<vmem>>, vector<16xf32>,
        %mul3A_1150 = arith.constant 1.000000e+01 : f32
        %mul3A_1151 = vector.broadcast %mul3A_1150 : f32 to vector<16xf32>
        %mul3A_1152 = arith.mulf %get3A_1143, %mul3A_1151 : vector<16xf32>
        %exp3A_1153 = math.exp %mul3A_1152 : vector<16xf32>
        %add3A_1154 = arith.addf %add3A_1078, %exp3A_1153 : vector<16xf32>
        %mul3A_1155 = arith.mulf %get3A_1149, %exp3A_1153 : vector<16xf32>
        %add3A_1156 = arith.addf %add3A_1080, %mul3A_1155 : vector<16xf32>
        %add3A_1157 = arith.constant 96 : i32
        %add3A_1158 = arith.addi %mul3A_1042, %add3A_1157 : i32
        %get3A_1159 = arith.constant 0 : i32
        %get3A_1160 = arith.index_cast %get3A_1159 : i32 to index
        %get3A_1161 = arith.index_cast %add3A_1158 : i32 to index
        %get3A_1162 = tpu.vector_load %arg10[%get3A_1160, %get3A_1161] {strides = array<i32>} : memref<4x5000xf32, #tpu.memory_space<vmem>>, vector<16xf32>,
        %add3A_1163 = arith.constant 0 : i32
        %add3A_1164 = arith.addi %add3A_1163, %mul3A_1042 : i32
        %add3A_1165 = arith.constant 96 : i32
        %add3A_1166 = arith.addi %add3A_1164, %add3A_1165 : i32
        %get3A_1167 = arith.index_cast %add3A_1166 : i32 to index
        %get3A_1168 = tpu.vector_load %arg12[%get3A_1167] {strides = array<i32>} : memref<20016xf32, #tpu.memory_space<vmem>>, vector<16xf32>,
        %mul3A_1169 = arith.constant 1.000000e+01 : f32
        %mul3A_1170 = vector.broadcast %mul3A_1169 : f32 to vector<16xf32>
        %mul3A_1171 = arith.mulf %get3A_1162, %mul3A_1170 : vector<16xf32>
        %exp3A_1172 = math.exp %mul3A_1171 : vector<16xf32>
        %add3A_1173 = arith.addf %add3A_1097, %exp3A_1172 : vector<16xf32>
        %mul3A_1174 = arith.mulf %get3A_1168, %exp3A_1172 : vector<16xf32>
        %add3A_1175 = arith.addf %add3A_1099, %mul3A_1174 : vector<16xf32>
        %add3A_1176 = arith.constant 112 : i32
        %add3A_1177 = arith.addi %mul3A_1042, %add3A_1176 : i32
        %get3A_1178 = arith.constant 0 : i32
        %get3A_1179 = arith.index_cast %get3A_1178 : i32 to index
        %get3A_1180 = arith.index_cast %add3A_1177 : i32 to index
        %get3A_1181 = tpu.vector_load %arg10[%get3A_1179, %get3A_1180] {strides = array<i32>} : memref<4x5000xf32, #tpu.memory_space<vmem>>, vector<16xf32>,
        %add3A_1182 = arith.constant 0 : i32
        %add3A_1183 = arith.addi %add3A_1182, %mul3A_1042 : i32
        %add3A_1184 = arith.constant 112 : i32
        %add3A_1185 = arith.addi %add3A_1183, %add3A_1184 : i32
        %get3A_1186 = arith.index_cast %add3A_1185 : i32 to index
        %get3A_1187 = tpu.vector_load %arg12[%get3A_1186] {strides = array<i32>} : memref<20016xf32, #tpu.memory_space<vmem>>, vector<16xf32>,
        %mul3A_1188 = arith.constant 1.000000e+01 : f32
        %mul3A_1189 = vector.broadcast %mul3A_1188 : f32 to vector<16xf32>
        %mul3A_1190 = arith.mulf %get3A_1181, %mul3A_1189 : vector<16xf32>
        %exp3A_1191 = math.exp %mul3A_1190 : vector<16xf32>
        %add3A_1192 = arith.addf %add3A_1116, %exp3A_1191 : vector<16xf32>
        %mul3A_1193 = arith.mulf %get3A_1187, %exp3A_1191 : vector<16xf32>
        %add3A_1194 = arith.addf %add3A_1118, %mul3A_1193 : vector<16xf32>
        scf.yield %add3A_1135, %add3A_1154, %add3A_1173, %add3A_1192, %add3A_1137, %add3A_1156, %add3A_1175, %add3A_1194 : vector<16xf32>, vector<16xf32>, vector<16xf32>, vector<16xf32>, vector<16xf32>, vector<16xf32>, vector<16xf32>, vector<16xf32>
      }
      %scan3A_733 = arith.constant 39 : i32
      %get3A_734 = arith.constant 0 : i32
      %get3A_735 = arith.index_cast %get3A_734 : i32 to index
      %get3A_736 = arith.constant 4984 : index
      %get3A_737 = tpu.vector_load %arg10[%get3A_735, %get3A_736] {strides = array<i32>} : memref<4x5000xf32, #tpu.memory_space<vmem>>, vector<16xf32>,
      %get3A_738 = arith.constant 4984 : index
      %get3A_739 = tpu.vector_load %arg12[%get3A_738] {strides = array<i32>} : memref<20016xf32, #tpu.memory_space<vmem>>, vector<16xf32>,
      %mul3A_740 = arith.constant 1.000000e+01 : f32
      %mul3A_741 = vector.broadcast %mul3A_740 : f32 to vector<16xf32>
      %mul3A_742 = arith.mulf %get3A_737, %mul3A_741 : vector<16xf32>
      %exp3A_743 = math.exp %mul3A_742 : vector<16xf32>
      %mul3A_744 = arith.mulf %exp3A_743, %select_n3A : vector<16xf32>
      %add3A_745 = arith.addf %scan3A_732#0, %scan3A_732#1 : vector<16xf32>
      %add3A_746 = arith.addf %scan3A_732#2, %scan3A_732#3 : vector<16xf32>
      %add3A_747 = arith.addf %add3A_745, %add3A_746 : vector<16xf32>
      %add3A_748 = arith.addf %add3A_747, %mul3A_744 : vector<16xf32>
      %add3A_749 = arith.addf %scan3A_732#4, %scan3A_732#5 : vector<16xf32>
      %add3A_750 = arith.addf %scan3A_732#6, %scan3A_732#7 : vector<16xf32>
      %add3A_751 = arith.addf %add3A_749, %add3A_750 : vector<16xf32>
      %mul3A_752 = arith.mulf %get3A_739, %mul3A_744 : vector<16xf32>
      %add3A_753 = arith.addf %add3A_751, %mul3A_752 : vector<16xf32>
      %reduce_sum3A_754 = arith.constant true
      %reduce_sum3A_755 = vector.broadcast %reduce_sum3A_754 : i1 to vector<16xi1>
      %reduce_sum3A_756 = tpu.scan <sum>, %add3A_748 masked %reduce_sum3A_755 : vector<16xf32>, vector<16xi1> -> vector<16xf32>
      %reduce_sum3A_757 = vector.extract %reduce_sum3A_756[15] : f32 from vector<16xf32>
      %broadcast_in_dim3A_758 = vector.broadcast %reduce_sum3A_757 : f32 to vector<16xf32>
      %reduce_sum3A_759 = arith.constant true
      %reduce_sum3A_760 = vector.broadcast %reduce_sum3A_759 : i1 to vector<16xi1>
      %reduce_sum3A_761 = tpu.scan <sum>, %add3A_753 masked %reduce_sum3A_760 : vector<16xf32>, vector<16xi1> -> vector<16xf32>
      %reduce_sum3A_762 = vector.extract %reduce_sum3A_761[15] : f32 from vector<16xf32>
      %broadcast_in_dim3A_763 = vector.broadcast %reduce_sum3A_762 : f32 to vector<16xf32>
      %get3A_764 = arith.index_cast %add3A_711 : i32 to index
      %get3A_765 = tpu.vector_load %arg8[%get3A_764] {strides = array<i32>} : memref<224xf32, #tpu.memory_space<vmem>>, vector<16xf32>,
      %slice3A_766 = vector.extract_strided_slice %get3A_765 {offsets = [0], sizes = [1], strides = [1]} : vector<16xf32> to vector<1xf32>
      %squeeze3A_767 = vector.extract %slice3A_766[0] : f32 from vector<1xf32>
      %broadcast_in_dim3A_768 = vector.broadcast %squeeze3A_767 : f32 to vector<16xf32>
      %get3A_769 = arith.index_cast %add3A_711 : i32 to index
      %get3A_770 = tpu.vector_load %arg7[%get3A_769] {strides = array<i32>} : memref<224xi32, #tpu.memory_space<vmem>>, vector<16xi32>,
      %slice3A_771 = vector.extract_strided_slice %get3A_770 {offsets = [0], sizes = [1], strides = [1]} : vector<16xi32> to vector<1xi32>
      %squeeze3A_772 = vector.extract %slice3A_771[0] : i32 from vector<1xi32>
      %add3A_773 = arith.constant 0 : i32
      %add3A_774 = arith.addi %add3A_773, %squeeze3A_772 : i32
      %get3A_775 = arith.index_cast %add3A_774 : i32 to index
      %get3A_776 = tpu.vector_load %arg12[%get3A_775] {strides = array<i32>} : memref<20016xf32, #tpu.memory_space<vmem>>, vector<16xf32>,
      %slice3A_777 = vector.extract_strided_slice %get3A_776 {offsets = [0], sizes = [1], strides = [1]} : vector<16xf32> to vector<1xf32>
      %squeeze3A_778 = vector.extract %slice3A_777[0] : f32 from vector<1xf32>
      %broadcast_in_dim3A_779 = vector.broadcast %squeeze3A_778 : f32 to vector<16xf32>
      %sub3A_780 = arith.constant 0.000000e+00 : f32
      %sub3A_781 = vector.broadcast %sub3A_780 : f32 to vector<16xf32>
      %sub3A_782 = arith.subf %sub3A_781, %broadcast_in_dim3A_763 : vector<16xf32>
      %mul3A_783 = arith.mulf %broadcast_in_dim3A_768, %sub3A_782 : vector<16xf32>
      %div3A_784 = arith.divf %mul3A_783, %broadcast_in_dim3A_758 : vector<16xf32>
      %mul3A_785 = arith.mulf %broadcast_in_dim3A_768, %broadcast_in_dim3A_779 : vector<16xf32>
      %add3A_786 = arith.addf %add3A_584, %div3A_784 : vector<16xf32>
      %add3A_787 = arith.addf %add3A_585, %mul3A_785 : vector<16xf32>
      %add3A_788 = arith.addf %add3A_586, %broadcast_in_dim3A_768 : vector<16xf32>
      %add3A_789 = arith.constant 4 : i32
      %add3A_790 = arith.addi %mul3A_153, %add3A_789 : i32
      %add3A_791 = arith.constant 1 : i32
      %add3A_792 = arith.addi %add3A_790, %add3A_791 : i32
      %broadcast_in_dim3A_793 = arith.constant 0.000000e+00 : f32
      %broadcast_in_dim3A_794 = vector.broadcast %broadcast_in_dim3A_793 : f32 to vector<16xf32>
      %broadcast_in_dim3A_795 = arith.constant 0.000000e+00 : f32
      %broadcast_in_dim3A_796 = vector.broadcast %broadcast_in_dim3A_795 : f32 to vector<16xf32>
      %broadcast_in_dim3A_797 = arith.constant 0.000000e+00 : f32
      %broadcast_in_dim3A_798 = vector.broadcast %broadcast_in_dim3A_797 : f32 to vector<16xf32>
      %broadcast_in_dim3A_799 = arith.constant 0.000000e+00 : f32
      %broadcast_in_dim3A_800 = vector.broadcast %broadcast_in_dim3A_799 : f32 to vector<16xf32>
      %broadcast_in_dim3A_801 = arith.constant 0.000000e+00 : f32
      %broadcast_in_dim3A_802 = vector.broadcast %broadcast_in_dim3A_801 : f32 to vector<16xf32>
      %broadcast_in_dim3A_803 = arith.constant 0.000000e+00 : f32
      %broadcast_in_dim3A_804 = vector.broadcast %broadcast_in_dim3A_803 : f32 to vector<16xf32>
      %broadcast_in_dim3A_805 = arith.constant 0.000000e+00 : f32
      %broadcast_in_dim3A_806 = vector.broadcast %broadcast_in_dim3A_805 : f32 to vector<16xf32>
      %broadcast_in_dim3A_807 = arith.constant 0.000000e+00 : f32
      %broadcast_in_dim3A_808 = vector.broadcast %broadcast_in_dim3A_807 : f32 to vector<16xf32>
      %scan3A_809 = arith.constant 0 : i32
      %scan3A_810 = arith.constant 39 : i32
      %scan3A_811 = arith.addi %scan3A_809, %scan3A_810 : i32
      %scan3A_812 = arith.constant 1 : i32
      %scan3A_813:8 = scf.for %scan3A_1032 = %scan3A_809 to %scan3A_811 step %scan3A_812 iter_args(%scan3A_1033 = %broadcast_in_dim3A_794, %scan3A_1034 = %broadcast_in_dim3A_796, %scan3A_1035 = %broadcast_in_dim3A_798, %scan3A_1036 = %broadcast_in_dim3A_800, %scan3A_1037 = %broadcast_in_dim3A_802, %scan3A_1038 = %broadcast_in_dim3A_804, %scan3A_1039 = %broadcast_in_dim3A_806, %scan3A_1040 = %broadcast_in_dim3A_808) -> (vector<16xf32>, vector<16xf32>, vector<16xf32>, vector<16xf32>, vector<16xf32>, vector<16xf32>, vector<16xf32>, vector<16xf32>)  : i32 {
        %mul3A_1041 = arith.constant 128 : i32
        %mul3A_1042 = arith.muli %scan3A_1032, %mul3A_1041 : i32
        %add3A_1043 = arith.constant 0 : i32
        %add3A_1044 = arith.addi %mul3A_1042, %add3A_1043 : i32
        %get3A_1045 = arith.constant 1 : i32
        %get3A_1046 = arith.index_cast %get3A_1045 : i32 to index
        %get3A_1047 = arith.index_cast %add3A_1044 : i32 to index
        %get3A_1048 = tpu.vector_load %arg10[%get3A_1046, %get3A_1047] {strides = array<i32>} : memref<4x5000xf32, #tpu.memory_space<vmem>>, vector<16xf32>,
        %add3A_1049 = arith.constant 5000 : i32
        %add3A_1050 = arith.addi %add3A_1049, %mul3A_1042 : i32
        %add3A_1051 = arith.constant 0 : i32
        %add3A_1052 = arith.addi %add3A_1050, %add3A_1051 : i32
        %get3A_1053 = arith.index_cast %add3A_1052 : i32 to index
        %get3A_1054 = tpu.vector_load %arg12[%get3A_1053] {strides = array<i32>} : memref<20016xf32, #tpu.memory_space<vmem>>, vector<16xf32>,
        %mul3A_1055 = arith.constant 1.000000e+01 : f32
        %mul3A_1056 = vector.broadcast %mul3A_1055 : f32 to vector<16xf32>
        %mul3A_1057 = arith.mulf %get3A_1048, %mul3A_1056 : vector<16xf32>
        %exp3A_1058 = math.exp %mul3A_1057 : vector<16xf32>
        %add3A_1059 = arith.addf %scan3A_1033, %exp3A_1058 : vector<16xf32>
        %mul3A_1060 = arith.mulf %get3A_1054, %exp3A_1058 : vector<16xf32>
        %add3A_1061 = arith.addf %scan3A_1037, %mul3A_1060 : vector<16xf32>
        %add3A_1062 = arith.constant 16 : i32
        %add3A_1063 = arith.addi %mul3A_1042, %add3A_1062 : i32
        %get3A_1064 = arith.constant 1 : i32
        %get3A_1065 = arith.index_cast %get3A_1064 : i32 to index
        %get3A_1066 = arith.index_cast %add3A_1063 : i32 to index
        %get3A_1067 = tpu.vector_load %arg10[%get3A_1065, %get3A_1066] {strides = array<i32>} : memref<4x5000xf32, #tpu.memory_space<vmem>>, vector<16xf32>,
        %add3A_1068 = arith.constant 5000 : i32
        %add3A_1069 = arith.addi %add3A_1068, %mul3A_1042 : i32
        %add3A_1070 = arith.constant 16 : i32
        %add3A_1071 = arith.addi %add3A_1069, %add3A_1070 : i32
        %get3A_1072 = arith.index_cast %add3A_1071 : i32 to index
        %get3A_1073 = tpu.vector_load %arg12[%get3A_1072] {strides = array<i32>} : memref<20016xf32, #tpu.memory_space<vmem>>, vector<16xf32>,
        %mul3A_1074 = arith.constant 1.000000e+01 : f32
        %mul3A_1075 = vector.broadcast %mul3A_1074 : f32 to vector<16xf32>
        %mul3A_1076 = arith.mulf %get3A_1067, %mul3A_1075 : vector<16xf32>
        %exp3A_1077 = math.exp %mul3A_1076 : vector<16xf32>
        %add3A_1078 = arith.addf %scan3A_1034, %exp3A_1077 : vector<16xf32>
        %mul3A_1079 = arith.mulf %get3A_1073, %exp3A_1077 : vector<16xf32>
        %add3A_1080 = arith.addf %scan3A_1038, %mul3A_1079 : vector<16xf32>
        %add3A_1081 = arith.constant 32 : i32
        %add3A_1082 = arith.addi %mul3A_1042, %add3A_1081 : i32
        %get3A_1083 = arith.constant 1 : i32
        %get3A_1084 = arith.index_cast %get3A_1083 : i32 to index
        %get3A_1085 = arith.index_cast %add3A_1082 : i32 to index
        %get3A_1086 = tpu.vector_load %arg10[%get3A_1084, %get3A_1085] {strides = array<i32>} : memref<4x5000xf32, #tpu.memory_space<vmem>>, vector<16xf32>,
        %add3A_1087 = arith.constant 5000 : i32
        %add3A_1088 = arith.addi %add3A_1087, %mul3A_1042 : i32
        %add3A_1089 = arith.constant 32 : i32
        %add3A_1090 = arith.addi %add3A_1088, %add3A_1089 : i32
        %get3A_1091 = arith.index_cast %add3A_1090 : i32 to index
        %get3A_1092 = tpu.vector_load %arg12[%get3A_1091] {strides = array<i32>} : memref<20016xf32, #tpu.memory_space<vmem>>, vector<16xf32>,
        %mul3A_1093 = arith.constant 1.000000e+01 : f32
        %mul3A_1094 = vector.broadcast %mul3A_1093 : f32 to vector<16xf32>
        %mul3A_1095 = arith.mulf %get3A_1086, %mul3A_1094 : vector<16xf32>
        %exp3A_1096 = math.exp %mul3A_1095 : vector<16xf32>
        %add3A_1097 = arith.addf %scan3A_1035, %exp3A_1096 : vector<16xf32>
        %mul3A_1098 = arith.mulf %get3A_1092, %exp3A_1096 : vector<16xf32>
        %add3A_1099 = arith.addf %scan3A_1039, %mul3A_1098 : vector<16xf32>
        %add3A_1100 = arith.constant 48 : i32
        %add3A_1101 = arith.addi %mul3A_1042, %add3A_1100 : i32
        %get3A_1102 = arith.constant 1 : i32
        %get3A_1103 = arith.index_cast %get3A_1102 : i32 to index
        %get3A_1104 = arith.index_cast %add3A_1101 : i32 to index
        %get3A_1105 = tpu.vector_load %arg10[%get3A_1103, %get3A_1104] {strides = array<i32>} : memref<4x5000xf32, #tpu.memory_space<vmem>>, vector<16xf32>,
        %add3A_1106 = arith.constant 5000 : i32
        %add3A_1107 = arith.addi %add3A_1106, %mul3A_1042 : i32
        %add3A_1108 = arith.constant 48 : i32
        %add3A_1109 = arith.addi %add3A_1107, %add3A_1108 : i32
        %get3A_1110 = arith.index_cast %add3A_1109 : i32 to index
        %get3A_1111 = tpu.vector_load %arg12[%get3A_1110] {strides = array<i32>} : memref<20016xf32, #tpu.memory_space<vmem>>, vector<16xf32>,
        %mul3A_1112 = arith.constant 1.000000e+01 : f32
        %mul3A_1113 = vector.broadcast %mul3A_1112 : f32 to vector<16xf32>
        %mul3A_1114 = arith.mulf %get3A_1105, %mul3A_1113 : vector<16xf32>
        %exp3A_1115 = math.exp %mul3A_1114 : vector<16xf32>
        %add3A_1116 = arith.addf %scan3A_1036, %exp3A_1115 : vector<16xf32>
        %mul3A_1117 = arith.mulf %get3A_1111, %exp3A_1115 : vector<16xf32>
        %add3A_1118 = arith.addf %scan3A_1040, %mul3A_1117 : vector<16xf32>
        %add3A_1119 = arith.constant 64 : i32
        %add3A_1120 = arith.addi %mul3A_1042, %add3A_1119 : i32
        %get3A_1121 = arith.constant 1 : i32
        %get3A_1122 = arith.index_cast %get3A_1121 : i32 to index
        %get3A_1123 = arith.index_cast %add3A_1120 : i32 to index
        %get3A_1124 = tpu.vector_load %arg10[%get3A_1122, %get3A_1123] {strides = array<i32>} : memref<4x5000xf32, #tpu.memory_space<vmem>>, vector<16xf32>,
        %add3A_1125 = arith.constant 5000 : i32
        %add3A_1126 = arith.addi %add3A_1125, %mul3A_1042 : i32
        %add3A_1127 = arith.constant 64 : i32
        %add3A_1128 = arith.addi %add3A_1126, %add3A_1127 : i32
        %get3A_1129 = arith.index_cast %add3A_1128 : i32 to index
        %get3A_1130 = tpu.vector_load %arg12[%get3A_1129] {strides = array<i32>} : memref<20016xf32, #tpu.memory_space<vmem>>, vector<16xf32>,
        %mul3A_1131 = arith.constant 1.000000e+01 : f32
        %mul3A_1132 = vector.broadcast %mul3A_1131 : f32 to vector<16xf32>
        %mul3A_1133 = arith.mulf %get3A_1124, %mul3A_1132 : vector<16xf32>
        %exp3A_1134 = math.exp %mul3A_1133 : vector<16xf32>
        %add3A_1135 = arith.addf %add3A_1059, %exp3A_1134 : vector<16xf32>
        %mul3A_1136 = arith.mulf %get3A_1130, %exp3A_1134 : vector<16xf32>
        %add3A_1137 = arith.addf %add3A_1061, %mul3A_1136 : vector<16xf32>
        %add3A_1138 = arith.constant 80 : i32
        %add3A_1139 = arith.addi %mul3A_1042, %add3A_1138 : i32
        %get3A_1140 = arith.constant 1 : i32
        %get3A_1141 = arith.index_cast %get3A_1140 : i32 to index
        %get3A_1142 = arith.index_cast %add3A_1139 : i32 to index
        %get3A_1143 = tpu.vector_load %arg10[%get3A_1141, %get3A_1142] {strides = array<i32>} : memref<4x5000xf32, #tpu.memory_space<vmem>>, vector<16xf32>,
        %add3A_1144 = arith.constant 5000 : i32
        %add3A_1145 = arith.addi %add3A_1144, %mul3A_1042 : i32
        %add3A_1146 = arith.constant 80 : i32
        %add3A_1147 = arith.addi %add3A_1145, %add3A_1146 : i32
        %get3A_1148 = arith.index_cast %add3A_1147 : i32 to index
        %get3A_1149 = tpu.vector_load %arg12[%get3A_1148] {strides = array<i32>} : memref<20016xf32, #tpu.memory_space<vmem>>, vector<16xf32>,
        %mul3A_1150 = arith.constant 1.000000e+01 : f32
        %mul3A_1151 = vector.broadcast %mul3A_1150 : f32 to vector<16xf32>
        %mul3A_1152 = arith.mulf %get3A_1143, %mul3A_1151 : vector<16xf32>
        %exp3A_1153 = math.exp %mul3A_1152 : vector<16xf32>
        %add3A_1154 = arith.addf %add3A_1078, %exp3A_1153 : vector<16xf32>
        %mul3A_1155 = arith.mulf %get3A_1149, %exp3A_1153 : vector<16xf32>
        %add3A_1156 = arith.addf %add3A_1080, %mul3A_1155 : vector<16xf32>
        %add3A_1157 = arith.constant 96 : i32
        %add3A_1158 = arith.addi %mul3A_1042, %add3A_1157 : i32
        %get3A_1159 = arith.constant 1 : i32
        %get3A_1160 = arith.index_cast %get3A_1159 : i32 to index
        %get3A_1161 = arith.index_cast %add3A_1158 : i32 to index
        %get3A_1162 = tpu.vector_load %arg10[%get3A_1160, %get3A_1161] {strides = array<i32>} : memref<4x5000xf32, #tpu.memory_space<vmem>>, vector<16xf32>,
        %add3A_1163 = arith.constant 5000 : i32
        %add3A_1164 = arith.addi %add3A_1163, %mul3A_1042 : i32
        %add3A_1165 = arith.constant 96 : i32
        %add3A_1166 = arith.addi %add3A_1164, %add3A_1165 : i32
        %get3A_1167 = arith.index_cast %add3A_1166 : i32 to index
        %get3A_1168 = tpu.vector_load %arg12[%get3A_1167] {strides = array<i32>} : memref<20016xf32, #tpu.memory_space<vmem>>, vector<16xf32>,
        %mul3A_1169 = arith.constant 1.000000e+01 : f32
        %mul3A_1170 = vector.broadcast %mul3A_1169 : f32 to vector<16xf32>
        %mul3A_1171 = arith.mulf %get3A_1162, %mul3A_1170 : vector<16xf32>
        %exp3A_1172 = math.exp %mul3A_1171 : vector<16xf32>
        %add3A_1173 = arith.addf %add3A_1097, %exp3A_1172 : vector<16xf32>
        %mul3A_1174 = arith.mulf %get3A_1168, %exp3A_1172 : vector<16xf32>
        %add3A_1175 = arith.addf %add3A_1099, %mul3A_1174 : vector<16xf32>
        %add3A_1176 = arith.constant 112 : i32
        %add3A_1177 = arith.addi %mul3A_1042, %add3A_1176 : i32
        %get3A_1178 = arith.constant 1 : i32
        %get3A_1179 = arith.index_cast %get3A_1178 : i32 to index
        %get3A_1180 = arith.index_cast %add3A_1177 : i32 to index
        %get3A_1181 = tpu.vector_load %arg10[%get3A_1179, %get3A_1180] {strides = array<i32>} : memref<4x5000xf32, #tpu.memory_space<vmem>>, vector<16xf32>,
        %add3A_1182 = arith.constant 5000 : i32
        %add3A_1183 = arith.addi %add3A_1182, %mul3A_1042 : i32
        %add3A_1184 = arith.constant 112 : i32
        %add3A_1185 = arith.addi %add3A_1183, %add3A_1184 : i32
        %get3A_1186 = arith.index_cast %add3A_1185 : i32 to index
        %get3A_1187 = tpu.vector_load %arg12[%get3A_1186] {strides = array<i32>} : memref<20016xf32, #tpu.memory_space<vmem>>, vector<16xf32>,
        %mul3A_1188 = arith.constant 1.000000e+01 : f32
        %mul3A_1189 = vector.broadcast %mul3A_1188 : f32 to vector<16xf32>
        %mul3A_1190 = arith.mulf %get3A_1181, %mul3A_1189 : vector<16xf32>
        %exp3A_1191 = math.exp %mul3A_1190 : vector<16xf32>
        %add3A_1192 = arith.addf %add3A_1116, %exp3A_1191 : vector<16xf32>
        %mul3A_1193 = arith.mulf %get3A_1187, %exp3A_1191 : vector<16xf32>
        %add3A_1194 = arith.addf %add3A_1118, %mul3A_1193 : vector<16xf32>
        scf.yield %add3A_1135, %add3A_1154, %add3A_1173, %add3A_1192, %add3A_1137, %add3A_1156, %add3A_1175, %add3A_1194 : vector<16xf32>, vector<16xf32>, vector<16xf32>, vector<16xf32>, vector<16xf32>, vector<16xf32>, vector<16xf32>, vector<16xf32>
      }
      %scan3A_814 = arith.constant 39 : i32
      %get3A_815 = arith.constant 1 : i32
      %get3A_816 = arith.index_cast %get3A_815 : i32 to index
      %get3A_817 = arith.constant 4984 : index
      %get3A_818 = tpu.vector_load %arg10[%get3A_816, %get3A_817] {strides = array<i32>} : memref<4x5000xf32, #tpu.memory_space<vmem>>, vector<16xf32>,
      %get3A_819 = arith.constant 9984 : index
      %get3A_820 = tpu.vector_load %arg12[%get3A_819] {strides = array<i32>} : memref<20016xf32, #tpu.memory_space<vmem>>, vector<16xf32>,
      %mul3A_821 = arith.constant 1.000000e+01 : f32
      %mul3A_822 = vector.broadcast %mul3A_821 : f32 to vector<16xf32>
      %mul3A_823 = arith.mulf %get3A_818, %mul3A_822 : vector<16xf32>
      %exp3A_824 = math.exp %mul3A_823 : vector<16xf32>
      %mul3A_825 = arith.mulf %exp3A_824, %select_n3A : vector<16xf32>
      %add3A_826 = arith.addf %scan3A_813#0, %scan3A_813#1 : vector<16xf32>
      %add3A_827 = arith.addf %scan3A_813#2, %scan3A_813#3 : vector<16xf32>
      %add3A_828 = arith.addf %add3A_826, %add3A_827 : vector<16xf32>
      %add3A_829 = arith.addf %add3A_828, %mul3A_825 : vector<16xf32>
      %add3A_830 = arith.addf %scan3A_813#4, %scan3A_813#5 : vector<16xf32>
      %add3A_831 = arith.addf %scan3A_813#6, %scan3A_813#7 : vector<16xf32>
      %add3A_832 = arith.addf %add3A_830, %add3A_831 : vector<16xf32>
      %mul3A_833 = arith.mulf %get3A_820, %mul3A_825 : vector<16xf32>
      %add3A_834 = arith.addf %add3A_832, %mul3A_833 : vector<16xf32>
      %reduce_sum3A_835 = arith.constant true
      %reduce_sum3A_836 = vector.broadcast %reduce_sum3A_835 : i1 to vector<16xi1>
      %reduce_sum3A_837 = tpu.scan <sum>, %add3A_829 masked %reduce_sum3A_836 : vector<16xf32>, vector<16xi1> -> vector<16xf32>
      %reduce_sum3A_838 = vector.extract %reduce_sum3A_837[15] : f32 from vector<16xf32>
      %broadcast_in_dim3A_839 = vector.broadcast %reduce_sum3A_838 : f32 to vector<16xf32>
      %reduce_sum3A_840 = arith.constant true
      %reduce_sum3A_841 = vector.broadcast %reduce_sum3A_840 : i1 to vector<16xi1>
      %reduce_sum3A_842 = tpu.scan <sum>, %add3A_834 masked %reduce_sum3A_841 : vector<16xf32>, vector<16xi1> -> vector<16xf32>
      %reduce_sum3A_843 = vector.extract %reduce_sum3A_842[15] : f32 from vector<16xf32>
      %broadcast_in_dim3A_844 = vector.broadcast %reduce_sum3A_843 : f32 to vector<16xf32>
      %get3A_845 = arith.index_cast %add3A_792 : i32 to index
      %get3A_846 = tpu.vector_load %arg8[%get3A_845] {strides = array<i32>} : memref<224xf32, #tpu.memory_space<vmem>>, vector<16xf32>,
      %slice3A_847 = vector.extract_strided_slice %get3A_846 {offsets = [0], sizes = [1], strides = [1]} : vector<16xf32> to vector<1xf32>
      %squeeze3A_848 = vector.extract %slice3A_847[0] : f32 from vector<1xf32>
      %broadcast_in_dim3A_849 = vector.broadcast %squeeze3A_848 : f32 to vector<16xf32>
      %get3A_850 = arith.index_cast %add3A_792 : i32 to index
      %get3A_851 = tpu.vector_load %arg7[%get3A_850] {strides = array<i32>} : memref<224xi32, #tpu.memory_space<vmem>>, vector<16xi32>,
      %slice3A_852 = vector.extract_strided_slice %get3A_851 {offsets = [0], sizes = [1], strides = [1]} : vector<16xi32> to vector<1xi32>
      %squeeze3A_853 = vector.extract %slice3A_852[0] : i32 from vector<1xi32>
      %add3A_854 = arith.constant 5000 : i32
      %add3A_855 = arith.addi %add3A_854, %squeeze3A_853 : i32
      %get3A_856 = arith.index_cast %add3A_855 : i32 to index
      %get3A_857 = tpu.vector_load %arg12[%get3A_856] {strides = array<i32>} : memref<20016xf32, #tpu.memory_space<vmem>>, vector<16xf32>,
      %slice3A_858 = vector.extract_strided_slice %get3A_857 {offsets = [0], sizes = [1], strides = [1]} : vector<16xf32> to vector<1xf32>
      %squeeze3A_859 = vector.extract %slice3A_858[0] : f32 from vector<1xf32>
      %broadcast_in_dim3A_860 = vector.broadcast %squeeze3A_859 : f32 to vector<16xf32>
      %sub3A_861 = arith.constant 0.000000e+00 : f32
      %sub3A_862 = vector.broadcast %sub3A_861 : f32 to vector<16xf32>
      %sub3A_863 = arith.subf %sub3A_862, %broadcast_in_dim3A_844 : vector<16xf32>
      %mul3A_864 = arith.mulf %broadcast_in_dim3A_849, %sub3A_863 : vector<16xf32>
      %div3A_865 = arith.divf %mul3A_864, %broadcast_in_dim3A_839 : vector<16xf32>
      %mul3A_866 = arith.mulf %broadcast_in_dim3A_849, %broadcast_in_dim3A_860 : vector<16xf32>
      %add3A_867 = arith.addf %add3A_786, %div3A_865 : vector<16xf32>
      %add3A_868 = arith.addf %add3A_787, %mul3A_866 : vector<16xf32>
      %add3A_869 = arith.addf %add3A_788, %broadcast_in_dim3A_849 : vector<16xf32>
      %add3A_870 = arith.constant 4 : i32
      %add3A_871 = arith.addi %mul3A_153, %add3A_870 : i32
      %add3A_872 = arith.constant 2 : i32
      %add3A_873 = arith.addi %add3A_871, %add3A_872 : i32
      %broadcast_in_dim3A_874 = arith.constant 0.000000e+00 : f32
      %broadcast_in_dim3A_875 = vector.broadcast %broadcast_in_dim3A_874 : f32 to vector<16xf32>
      %broadcast_in_dim3A_876 = arith.constant 0.000000e+00 : f32
      %broadcast_in_dim3A_877 = vector.broadcast %broadcast_in_dim3A_876 : f32 to vector<16xf32>
      %broadcast_in_dim3A_878 = arith.constant 0.000000e+00 : f32
      %broadcast_in_dim3A_879 = vector.broadcast %broadcast_in_dim3A_878 : f32 to vector<16xf32>
      %broadcast_in_dim3A_880 = arith.constant 0.000000e+00 : f32
      %broadcast_in_dim3A_881 = vector.broadcast %broadcast_in_dim3A_880 : f32 to vector<16xf32>
      %broadcast_in_dim3A_882 = arith.constant 0.000000e+00 : f32
      %broadcast_in_dim3A_883 = vector.broadcast %broadcast_in_dim3A_882 : f32 to vector<16xf32>
      %broadcast_in_dim3A_884 = arith.constant 0.000000e+00 : f32
      %broadcast_in_dim3A_885 = vector.broadcast %broadcast_in_dim3A_884 : f32 to vector<16xf32>
      %broadcast_in_dim3A_886 = arith.constant 0.000000e+00 : f32
      %broadcast_in_dim3A_887 = vector.broadcast %broadcast_in_dim3A_886 : f32 to vector<16xf32>
      %broadcast_in_dim3A_888 = arith.constant 0.000000e+00 : f32
      %broadcast_in_dim3A_889 = vector.broadcast %broadcast_in_dim3A_888 : f32 to vector<16xf32>
      %scan3A_890 = arith.constant 0 : i32
      %scan3A_891 = arith.constant 39 : i32
      %scan3A_892 = arith.addi %scan3A_890, %scan3A_891 : i32
      %scan3A_893 = arith.constant 1 : i32
      %scan3A_894:8 = scf.for %scan3A_1032 = %scan3A_890 to %scan3A_892 step %scan3A_893 iter_args(%scan3A_1033 = %broadcast_in_dim3A_875, %scan3A_1034 = %broadcast_in_dim3A_877, %scan3A_1035 = %broadcast_in_dim3A_879, %scan3A_1036 = %broadcast_in_dim3A_881, %scan3A_1037 = %broadcast_in_dim3A_883, %scan3A_1038 = %broadcast_in_dim3A_885, %scan3A_1039 = %broadcast_in_dim3A_887, %scan3A_1040 = %broadcast_in_dim3A_889) -> (vector<16xf32>, vector<16xf32>, vector<16xf32>, vector<16xf32>, vector<16xf32>, vector<16xf32>, vector<16xf32>, vector<16xf32>)  : i32 {
        %mul3A_1041 = arith.constant 128 : i32
        %mul3A_1042 = arith.muli %scan3A_1032, %mul3A_1041 : i32
        %add3A_1043 = arith.constant 0 : i32
        %add3A_1044 = arith.addi %mul3A_1042, %add3A_1043 : i32
        %get3A_1045 = arith.constant 2 : i32
        %get3A_1046 = arith.index_cast %get3A_1045 : i32 to index
        %get3A_1047 = arith.index_cast %add3A_1044 : i32 to index
        %get3A_1048 = tpu.vector_load %arg10[%get3A_1046, %get3A_1047] {strides = array<i32>} : memref<4x5000xf32, #tpu.memory_space<vmem>>, vector<16xf32>,
        %add3A_1049 = arith.constant 10000 : i32
        %add3A_1050 = arith.addi %add3A_1049, %mul3A_1042 : i32
        %add3A_1051 = arith.constant 0 : i32
        %add3A_1052 = arith.addi %add3A_1050, %add3A_1051 : i32
        %get3A_1053 = arith.index_cast %add3A_1052 : i32 to index
        %get3A_1054 = tpu.vector_load %arg12[%get3A_1053] {strides = array<i32>} : memref<20016xf32, #tpu.memory_space<vmem>>, vector<16xf32>,
        %mul3A_1055 = arith.constant 1.000000e+01 : f32
        %mul3A_1056 = vector.broadcast %mul3A_1055 : f32 to vector<16xf32>
        %mul3A_1057 = arith.mulf %get3A_1048, %mul3A_1056 : vector<16xf32>
        %exp3A_1058 = math.exp %mul3A_1057 : vector<16xf32>
        %add3A_1059 = arith.addf %scan3A_1033, %exp3A_1058 : vector<16xf32>
        %mul3A_1060 = arith.mulf %get3A_1054, %exp3A_1058 : vector<16xf32>
        %add3A_1061 = arith.addf %scan3A_1037, %mul3A_1060 : vector<16xf32>
        %add3A_1062 = arith.constant 16 : i32
        %add3A_1063 = arith.addi %mul3A_1042, %add3A_1062 : i32
        %get3A_1064 = arith.constant 2 : i32
        %get3A_1065 = arith.index_cast %get3A_1064 : i32 to index
        %get3A_1066 = arith.index_cast %add3A_1063 : i32 to index
        %get3A_1067 = tpu.vector_load %arg10[%get3A_1065, %get3A_1066] {strides = array<i32>} : memref<4x5000xf32, #tpu.memory_space<vmem>>, vector<16xf32>,
        %add3A_1068 = arith.constant 10000 : i32
        %add3A_1069 = arith.addi %add3A_1068, %mul3A_1042 : i32
        %add3A_1070 = arith.constant 16 : i32
        %add3A_1071 = arith.addi %add3A_1069, %add3A_1070 : i32
        %get3A_1072 = arith.index_cast %add3A_1071 : i32 to index
        %get3A_1073 = tpu.vector_load %arg12[%get3A_1072] {strides = array<i32>} : memref<20016xf32, #tpu.memory_space<vmem>>, vector<16xf32>,
        %mul3A_1074 = arith.constant 1.000000e+01 : f32
        %mul3A_1075 = vector.broadcast %mul3A_1074 : f32 to vector<16xf32>
        %mul3A_1076 = arith.mulf %get3A_1067, %mul3A_1075 : vector<16xf32>
        %exp3A_1077 = math.exp %mul3A_1076 : vector<16xf32>
        %add3A_1078 = arith.addf %scan3A_1034, %exp3A_1077 : vector<16xf32>
        %mul3A_1079 = arith.mulf %get3A_1073, %exp3A_1077 : vector<16xf32>
        %add3A_1080 = arith.addf %scan3A_1038, %mul3A_1079 : vector<16xf32>
        %add3A_1081 = arith.constant 32 : i32
        %add3A_1082 = arith.addi %mul3A_1042, %add3A_1081 : i32
        %get3A_1083 = arith.constant 2 : i32
        %get3A_1084 = arith.index_cast %get3A_1083 : i32 to index
        %get3A_1085 = arith.index_cast %add3A_1082 : i32 to index
        %get3A_1086 = tpu.vector_load %arg10[%get3A_1084, %get3A_1085] {strides = array<i32>} : memref<4x5000xf32, #tpu.memory_space<vmem>>, vector<16xf32>,
        %add3A_1087 = arith.constant 10000 : i32
        %add3A_1088 = arith.addi %add3A_1087, %mul3A_1042 : i32
        %add3A_1089 = arith.constant 32 : i32
        %add3A_1090 = arith.addi %add3A_1088, %add3A_1089 : i32
        %get3A_1091 = arith.index_cast %add3A_1090 : i32 to index
        %get3A_1092 = tpu.vector_load %arg12[%get3A_1091] {strides = array<i32>} : memref<20016xf32, #tpu.memory_space<vmem>>, vector<16xf32>,
        %mul3A_1093 = arith.constant 1.000000e+01 : f32
        %mul3A_1094 = vector.broadcast %mul3A_1093 : f32 to vector<16xf32>
        %mul3A_1095 = arith.mulf %get3A_1086, %mul3A_1094 : vector<16xf32>
        %exp3A_1096 = math.exp %mul3A_1095 : vector<16xf32>
        %add3A_1097 = arith.addf %scan3A_1035, %exp3A_1096 : vector<16xf32>
        %mul3A_1098 = arith.mulf %get3A_1092, %exp3A_1096 : vector<16xf32>
        %add3A_1099 = arith.addf %scan3A_1039, %mul3A_1098 : vector<16xf32>
        %add3A_1100 = arith.constant 48 : i32
        %add3A_1101 = arith.addi %mul3A_1042, %add3A_1100 : i32
        %get3A_1102 = arith.constant 2 : i32
        %get3A_1103 = arith.index_cast %get3A_1102 : i32 to index
        %get3A_1104 = arith.index_cast %add3A_1101 : i32 to index
        %get3A_1105 = tpu.vector_load %arg10[%get3A_1103, %get3A_1104] {strides = array<i32>} : memref<4x5000xf32, #tpu.memory_space<vmem>>, vector<16xf32>,
        %add3A_1106 = arith.constant 10000 : i32
        %add3A_1107 = arith.addi %add3A_1106, %mul3A_1042 : i32
        %add3A_1108 = arith.constant 48 : i32
        %add3A_1109 = arith.addi %add3A_1107, %add3A_1108 : i32
        %get3A_1110 = arith.index_cast %add3A_1109 : i32 to index
        %get3A_1111 = tpu.vector_load %arg12[%get3A_1110] {strides = array<i32>} : memref<20016xf32, #tpu.memory_space<vmem>>, vector<16xf32>,
        %mul3A_1112 = arith.constant 1.000000e+01 : f32
        %mul3A_1113 = vector.broadcast %mul3A_1112 : f32 to vector<16xf32>
        %mul3A_1114 = arith.mulf %get3A_1105, %mul3A_1113 : vector<16xf32>
        %exp3A_1115 = math.exp %mul3A_1114 : vector<16xf32>
        %add3A_1116 = arith.addf %scan3A_1036, %exp3A_1115 : vector<16xf32>
        %mul3A_1117 = arith.mulf %get3A_1111, %exp3A_1115 : vector<16xf32>
        %add3A_1118 = arith.addf %scan3A_1040, %mul3A_1117 : vector<16xf32>
        %add3A_1119 = arith.constant 64 : i32
        %add3A_1120 = arith.addi %mul3A_1042, %add3A_1119 : i32
        %get3A_1121 = arith.constant 2 : i32
        %get3A_1122 = arith.index_cast %get3A_1121 : i32 to index
        %get3A_1123 = arith.index_cast %add3A_1120 : i32 to index
        %get3A_1124 = tpu.vector_load %arg10[%get3A_1122, %get3A_1123] {strides = array<i32>} : memref<4x5000xf32, #tpu.memory_space<vmem>>, vector<16xf32>,
        %add3A_1125 = arith.constant 10000 : i32
        %add3A_1126 = arith.addi %add3A_1125, %mul3A_1042 : i32
        %add3A_1127 = arith.constant 64 : i32
        %add3A_1128 = arith.addi %add3A_1126, %add3A_1127 : i32
        %get3A_1129 = arith.index_cast %add3A_1128 : i32 to index
        %get3A_1130 = tpu.vector_load %arg12[%get3A_1129] {strides = array<i32>} : memref<20016xf32, #tpu.memory_space<vmem>>, vector<16xf32>,
        %mul3A_1131 = arith.constant 1.000000e+01 : f32
        %mul3A_1132 = vector.broadcast %mul3A_1131 : f32 to vector<16xf32>
        %mul3A_1133 = arith.mulf %get3A_1124, %mul3A_1132 : vector<16xf32>
        %exp3A_1134 = math.exp %mul3A_1133 : vector<16xf32>
        %add3A_1135 = arith.addf %add3A_1059, %exp3A_1134 : vector<16xf32>
        %mul3A_1136 = arith.mulf %get3A_1130, %exp3A_1134 : vector<16xf32>
        %add3A_1137 = arith.addf %add3A_1061, %mul3A_1136 : vector<16xf32>
        %add3A_1138 = arith.constant 80 : i32
        %add3A_1139 = arith.addi %mul3A_1042, %add3A_1138 : i32
        %get3A_1140 = arith.constant 2 : i32
        %get3A_1141 = arith.index_cast %get3A_1140 : i32 to index
        %get3A_1142 = arith.index_cast %add3A_1139 : i32 to index
        %get3A_1143 = tpu.vector_load %arg10[%get3A_1141, %get3A_1142] {strides = array<i32>} : memref<4x5000xf32, #tpu.memory_space<vmem>>, vector<16xf32>,
        %add3A_1144 = arith.constant 10000 : i32
        %add3A_1145 = arith.addi %add3A_1144, %mul3A_1042 : i32
        %add3A_1146 = arith.constant 80 : i32
        %add3A_1147 = arith.addi %add3A_1145, %add3A_1146 : i32
        %get3A_1148 = arith.index_cast %add3A_1147 : i32 to index
        %get3A_1149 = tpu.vector_load %arg12[%get3A_1148] {strides = array<i32>} : memref<20016xf32, #tpu.memory_space<vmem>>, vector<16xf32>,
        %mul3A_1150 = arith.constant 1.000000e+01 : f32
        %mul3A_1151 = vector.broadcast %mul3A_1150 : f32 to vector<16xf32>
        %mul3A_1152 = arith.mulf %get3A_1143, %mul3A_1151 : vector<16xf32>
        %exp3A_1153 = math.exp %mul3A_1152 : vector<16xf32>
        %add3A_1154 = arith.addf %add3A_1078, %exp3A_1153 : vector<16xf32>
        %mul3A_1155 = arith.mulf %get3A_1149, %exp3A_1153 : vector<16xf32>
        %add3A_1156 = arith.addf %add3A_1080, %mul3A_1155 : vector<16xf32>
        %add3A_1157 = arith.constant 96 : i32
        %add3A_1158 = arith.addi %mul3A_1042, %add3A_1157 : i32
        %get3A_1159 = arith.constant 2 : i32
        %get3A_1160 = arith.index_cast %get3A_1159 : i32 to index
        %get3A_1161 = arith.index_cast %add3A_1158 : i32 to index
        %get3A_1162 = tpu.vector_load %arg10[%get3A_1160, %get3A_1161] {strides = array<i32>} : memref<4x5000xf32, #tpu.memory_space<vmem>>, vector<16xf32>,
        %add3A_1163 = arith.constant 10000 : i32
        %add3A_1164 = arith.addi %add3A_1163, %mul3A_1042 : i32
        %add3A_1165 = arith.constant 96 : i32
        %add3A_1166 = arith.addi %add3A_1164, %add3A_1165 : i32
        %get3A_1167 = arith.index_cast %add3A_1166 : i32 to index
        %get3A_1168 = tpu.vector_load %arg12[%get3A_1167] {strides = array<i32>} : memref<20016xf32, #tpu.memory_space<vmem>>, vector<16xf32>,
        %mul3A_1169 = arith.constant 1.000000e+01 : f32
        %mul3A_1170 = vector.broadcast %mul3A_1169 : f32 to vector<16xf32>
        %mul3A_1171 = arith.mulf %get3A_1162, %mul3A_1170 : vector<16xf32>
        %exp3A_1172 = math.exp %mul3A_1171 : vector<16xf32>
        %add3A_1173 = arith.addf %add3A_1097, %exp3A_1172 : vector<16xf32>
        %mul3A_1174 = arith.mulf %get3A_1168, %exp3A_1172 : vector<16xf32>
        %add3A_1175 = arith.addf %add3A_1099, %mul3A_1174 : vector<16xf32>
        %add3A_1176 = arith.constant 112 : i32
        %add3A_1177 = arith.addi %mul3A_1042, %add3A_1176 : i32
        %get3A_1178 = arith.constant 2 : i32
        %get3A_1179 = arith.index_cast %get3A_1178 : i32 to index
        %get3A_1180 = arith.index_cast %add3A_1177 : i32 to index
        %get3A_1181 = tpu.vector_load %arg10[%get3A_1179, %get3A_1180] {strides = array<i32>} : memref<4x5000xf32, #tpu.memory_space<vmem>>, vector<16xf32>,
        %add3A_1182 = arith.constant 10000 : i32
        %add3A_1183 = arith.addi %add3A_1182, %mul3A_1042 : i32
        %add3A_1184 = arith.constant 112 : i32
        %add3A_1185 = arith.addi %add3A_1183, %add3A_1184 : i32
        %get3A_1186 = arith.index_cast %add3A_1185 : i32 to index
        %get3A_1187 = tpu.vector_load %arg12[%get3A_1186] {strides = array<i32>} : memref<20016xf32, #tpu.memory_space<vmem>>, vector<16xf32>,
        %mul3A_1188 = arith.constant 1.000000e+01 : f32
        %mul3A_1189 = vector.broadcast %mul3A_1188 : f32 to vector<16xf32>
        %mul3A_1190 = arith.mulf %get3A_1181, %mul3A_1189 : vector<16xf32>
        %exp3A_1191 = math.exp %mul3A_1190 : vector<16xf32>
        %add3A_1192 = arith.addf %add3A_1116, %exp3A_1191 : vector<16xf32>
        %mul3A_1193 = arith.mulf %get3A_1187, %exp3A_1191 : vector<16xf32>
        %add3A_1194 = arith.addf %add3A_1118, %mul3A_1193 : vector<16xf32>
        scf.yield %add3A_1135, %add3A_1154, %add3A_1173, %add3A_1192, %add3A_1137, %add3A_1156, %add3A_1175, %add3A_1194 : vector<16xf32>, vector<16xf32>, vector<16xf32>, vector<16xf32>, vector<16xf32>, vector<16xf32>, vector<16xf32>, vector<16xf32>
      }
      %scan3A_895 = arith.constant 39 : i32
      %get3A_896 = arith.constant 2 : i32
      %get3A_897 = arith.index_cast %get3A_896 : i32 to index
      %get3A_898 = arith.constant 4984 : index
      %get3A_899 = tpu.vector_load %arg10[%get3A_897, %get3A_898] {strides = array<i32>} : memref<4x5000xf32, #tpu.memory_space<vmem>>, vector<16xf32>,
      %get3A_900 = arith.constant 14984 : index
      %get3A_901 = tpu.vector_load %arg12[%get3A_900] {strides = array<i32>} : memref<20016xf32, #tpu.memory_space<vmem>>, vector<16xf32>,
      %mul3A_902 = arith.constant 1.000000e+01 : f32
      %mul3A_903 = vector.broadcast %mul3A_902 : f32 to vector<16xf32>
      %mul3A_904 = arith.mulf %get3A_899, %mul3A_903 : vector<16xf32>
      %exp3A_905 = math.exp %mul3A_904 : vector<16xf32>
      %mul3A_906 = arith.mulf %exp3A_905, %select_n3A : vector<16xf32>
      %add3A_907 = arith.addf %scan3A_894#0, %scan3A_894#1 : vector<16xf32>
      %add3A_908 = arith.addf %scan3A_894#2, %scan3A_894#3 : vector<16xf32>
      %add3A_909 = arith.addf %add3A_907, %add3A_908 : vector<16xf32>
      %add3A_910 = arith.addf %add3A_909, %mul3A_906 : vector<16xf32>
      %add3A_911 = arith.addf %scan3A_894#4, %scan3A_894#5 : vector<16xf32>
      %add3A_912 = arith.addf %scan3A_894#6, %scan3A_894#7 : vector<16xf32>
      %add3A_913 = arith.addf %add3A_911, %add3A_912 : vector<16xf32>
      %mul3A_914 = arith.mulf %get3A_901, %mul3A_906 : vector<16xf32>
      %add3A_915 = arith.addf %add3A_913, %mul3A_914 : vector<16xf32>
      %reduce_sum3A_916 = arith.constant true
      %reduce_sum3A_917 = vector.broadcast %reduce_sum3A_916 : i1 to vector<16xi1>
      %reduce_sum3A_918 = tpu.scan <sum>, %add3A_910 masked %reduce_sum3A_917 : vector<16xf32>, vector<16xi1> -> vector<16xf32>
      %reduce_sum3A_919 = vector.extract %reduce_sum3A_918[15] : f32 from vector<16xf32>
      %broadcast_in_dim3A_920 = vector.broadcast %reduce_sum3A_919 : f32 to vector<16xf32>
      %reduce_sum3A_921 = arith.constant true
      %reduce_sum3A_922 = vector.broadcast %reduce_sum3A_921 : i1 to vector<16xi1>
      %reduce_sum3A_923 = tpu.scan <sum>, %add3A_915 masked %reduce_sum3A_922 : vector<16xf32>, vector<16xi1> -> vector<16xf32>
      %reduce_sum3A_924 = vector.extract %reduce_sum3A_923[15] : f32 from vector<16xf32>
      %broadcast_in_dim3A_925 = vector.broadcast %reduce_sum3A_924 : f32 to vector<16xf32>
      %get3A_926 = arith.index_cast %add3A_873 : i32 to index
      %get3A_927 = tpu.vector_load %arg8[%get3A_926] {strides = array<i32>} : memref<224xf32, #tpu.memory_space<vmem>>, vector<16xf32>,
      %slice3A_928 = vector.extract_strided_slice %get3A_927 {offsets = [0], sizes = [1], strides = [1]} : vector<16xf32> to vector<1xf32>
      %squeeze3A_929 = vector.extract %slice3A_928[0] : f32 from vector<1xf32>
      %broadcast_in_dim3A_930 = vector.broadcast %squeeze3A_929 : f32 to vector<16xf32>
      %get3A_931 = arith.index_cast %add3A_873 : i32 to index
      %get3A_932 = tpu.vector_load %arg7[%get3A_931] {strides = array<i32>} : memref<224xi32, #tpu.memory_space<vmem>>, vector<16xi32>,
      %slice3A_933 = vector.extract_strided_slice %get3A_932 {offsets = [0], sizes = [1], strides = [1]} : vector<16xi32> to vector<1xi32>
      %squeeze3A_934 = vector.extract %slice3A_933[0] : i32 from vector<1xi32>
      %add3A_935 = arith.constant 10000 : i32
      %add3A_936 = arith.addi %add3A_935, %squeeze3A_934 : i32
      %get3A_937 = arith.index_cast %add3A_936 : i32 to index
      %get3A_938 = tpu.vector_load %arg12[%get3A_937] {strides = array<i32>} : memref<20016xf32, #tpu.memory_space<vmem>>, vector<16xf32>,
      %slice3A_939 = vector.extract_strided_slice %get3A_938 {offsets = [0], sizes = [1], strides = [1]} : vector<16xf32> to vector<1xf32>
      %squeeze3A_940 = vector.extract %slice3A_939[0] : f32 from vector<1xf32>
      %broadcast_in_dim3A_941 = vector.broadcast %squeeze3A_940 : f32 to vector<16xf32>
      %sub3A_942 = arith.constant 0.000000e+00 : f32
      %sub3A_943 = vector.broadcast %sub3A_942 : f32 to vector<16xf32>
      %sub3A_944 = arith.subf %sub3A_943, %broadcast_in_dim3A_925 : vector<16xf32>
      %mul3A_945 = arith.mulf %broadcast_in_dim3A_930, %sub3A_944 : vector<16xf32>
      %div3A_946 = arith.divf %mul3A_945, %broadcast_in_dim3A_920 : vector<16xf32>
      %mul3A_947 = arith.mulf %broadcast_in_dim3A_930, %broadcast_in_dim3A_941 : vector<16xf32>
      %add3A_948 = arith.addf %add3A_867, %div3A_946 : vector<16xf32>
      %add3A_949 = arith.addf %add3A_868, %mul3A_947 : vector<16xf32>
      %add3A_950 = arith.addf %add3A_869, %broadcast_in_dim3A_930 : vector<16xf32>
      %add3A_951 = arith.constant 4 : i32
      %add3A_952 = arith.addi %mul3A_153, %add3A_951 : i32
      %add3A_953 = arith.constant 3 : i32
      %add3A_954 = arith.addi %add3A_952, %add3A_953 : i32
      %broadcast_in_dim3A_955 = arith.constant 0.000000e+00 : f32
      %broadcast_in_dim3A_956 = vector.broadcast %broadcast_in_dim3A_955 : f32 to vector<16xf32>
      %broadcast_in_dim3A_957 = arith.constant 0.000000e+00 : f32
      %broadcast_in_dim3A_958 = vector.broadcast %broadcast_in_dim3A_957 : f32 to vector<16xf32>
      %broadcast_in_dim3A_959 = arith.constant 0.000000e+00 : f32
      %broadcast_in_dim3A_960 = vector.broadcast %broadcast_in_dim3A_959 : f32 to vector<16xf32>
      %broadcast_in_dim3A_961 = arith.constant 0.000000e+00 : f32
      %broadcast_in_dim3A_962 = vector.broadcast %broadcast_in_dim3A_961 : f32 to vector<16xf32>
      %broadcast_in_dim3A_963 = arith.constant 0.000000e+00 : f32
      %broadcast_in_dim3A_964 = vector.broadcast %broadcast_in_dim3A_963 : f32 to vector<16xf32>
      %broadcast_in_dim3A_965 = arith.constant 0.000000e+00 : f32
      %broadcast_in_dim3A_966 = vector.broadcast %broadcast_in_dim3A_965 : f32 to vector<16xf32>
      %broadcast_in_dim3A_967 = arith.constant 0.000000e+00 : f32
      %broadcast_in_dim3A_968 = vector.broadcast %broadcast_in_dim3A_967 : f32 to vector<16xf32>
      %broadcast_in_dim3A_969 = arith.constant 0.000000e+00 : f32
      %broadcast_in_dim3A_970 = vector.broadcast %broadcast_in_dim3A_969 : f32 to vector<16xf32>
      %scan3A_971 = arith.constant 0 : i32
      %scan3A_972 = arith.constant 39 : i32
      %scan3A_973 = arith.addi %scan3A_971, %scan3A_972 : i32
      %scan3A_974 = arith.constant 1 : i32
      %scan3A_975:8 = scf.for %scan3A_1032 = %scan3A_971 to %scan3A_973 step %scan3A_974 iter_args(%scan3A_1033 = %broadcast_in_dim3A_956, %scan3A_1034 = %broadcast_in_dim3A_958, %scan3A_1035 = %broadcast_in_dim3A_960, %scan3A_1036 = %broadcast_in_dim3A_962, %scan3A_1037 = %broadcast_in_dim3A_964, %scan3A_1038 = %broadcast_in_dim3A_966, %scan3A_1039 = %broadcast_in_dim3A_968, %scan3A_1040 = %broadcast_in_dim3A_970) -> (vector<16xf32>, vector<16xf32>, vector<16xf32>, vector<16xf32>, vector<16xf32>, vector<16xf32>, vector<16xf32>, vector<16xf32>)  : i32 {
        %mul3A_1041 = arith.constant 128 : i32
        %mul3A_1042 = arith.muli %scan3A_1032, %mul3A_1041 : i32
        %add3A_1043 = arith.constant 0 : i32
        %add3A_1044 = arith.addi %mul3A_1042, %add3A_1043 : i32
        %get3A_1045 = arith.constant 3 : i32
        %get3A_1046 = arith.index_cast %get3A_1045 : i32 to index
        %get3A_1047 = arith.index_cast %add3A_1044 : i32 to index
        %get3A_1048 = tpu.vector_load %arg10[%get3A_1046, %get3A_1047] {strides = array<i32>} : memref<4x5000xf32, #tpu.memory_space<vmem>>, vector<16xf32>,
        %add3A_1049 = arith.constant 15000 : i32
        %add3A_1050 = arith.addi %add3A_1049, %mul3A_1042 : i32
        %add3A_1051 = arith.constant 0 : i32
        %add3A_1052 = arith.addi %add3A_1050, %add3A_1051 : i32
        %get3A_1053 = arith.index_cast %add3A_1052 : i32 to index
        %get3A_1054 = tpu.vector_load %arg12[%get3A_1053] {strides = array<i32>} : memref<20016xf32, #tpu.memory_space<vmem>>, vector<16xf32>,
        %mul3A_1055 = arith.constant 1.000000e+01 : f32
        %mul3A_1056 = vector.broadcast %mul3A_1055 : f32 to vector<16xf32>
        %mul3A_1057 = arith.mulf %get3A_1048, %mul3A_1056 : vector<16xf32>
        %exp3A_1058 = math.exp %mul3A_1057 : vector<16xf32>
        %add3A_1059 = arith.addf %scan3A_1033, %exp3A_1058 : vector<16xf32>
        %mul3A_1060 = arith.mulf %get3A_1054, %exp3A_1058 : vector<16xf32>
        %add3A_1061 = arith.addf %scan3A_1037, %mul3A_1060 : vector<16xf32>
        %add3A_1062 = arith.constant 16 : i32
        %add3A_1063 = arith.addi %mul3A_1042, %add3A_1062 : i32
        %get3A_1064 = arith.constant 3 : i32
        %get3A_1065 = arith.index_cast %get3A_1064 : i32 to index
        %get3A_1066 = arith.index_cast %add3A_1063 : i32 to index
        %get3A_1067 = tpu.vector_load %arg10[%get3A_1065, %get3A_1066] {strides = array<i32>} : memref<4x5000xf32, #tpu.memory_space<vmem>>, vector<16xf32>,
        %add3A_1068 = arith.constant 15000 : i32
        %add3A_1069 = arith.addi %add3A_1068, %mul3A_1042 : i32
        %add3A_1070 = arith.constant 16 : i32
        %add3A_1071 = arith.addi %add3A_1069, %add3A_1070 : i32
        %get3A_1072 = arith.index_cast %add3A_1071 : i32 to index
        %get3A_1073 = tpu.vector_load %arg12[%get3A_1072] {strides = array<i32>} : memref<20016xf32, #tpu.memory_space<vmem>>, vector<16xf32>,
        %mul3A_1074 = arith.constant 1.000000e+01 : f32
        %mul3A_1075 = vector.broadcast %mul3A_1074 : f32 to vector<16xf32>
        %mul3A_1076 = arith.mulf %get3A_1067, %mul3A_1075 : vector<16xf32>
        %exp3A_1077 = math.exp %mul3A_1076 : vector<16xf32>
        %add3A_1078 = arith.addf %scan3A_1034, %exp3A_1077 : vector<16xf32>
        %mul3A_1079 = arith.mulf %get3A_1073, %exp3A_1077 : vector<16xf32>
        %add3A_1080 = arith.addf %scan3A_1038, %mul3A_1079 : vector<16xf32>
        %add3A_1081 = arith.constant 32 : i32
        %add3A_1082 = arith.addi %mul3A_1042, %add3A_1081 : i32
        %get3A_1083 = arith.constant 3 : i32
        %get3A_1084 = arith.index_cast %get3A_1083 : i32 to index
        %get3A_1085 = arith.index_cast %add3A_1082 : i32 to index
        %get3A_1086 = tpu.vector_load %arg10[%get3A_1084, %get3A_1085] {strides = array<i32>} : memref<4x5000xf32, #tpu.memory_space<vmem>>, vector<16xf32>,
        %add3A_1087 = arith.constant 15000 : i32
        %add3A_1088 = arith.addi %add3A_1087, %mul3A_1042 : i32
        %add3A_1089 = arith.constant 32 : i32
        %add3A_1090 = arith.addi %add3A_1088, %add3A_1089 : i32
        %get3A_1091 = arith.index_cast %add3A_1090 : i32 to index
        %get3A_1092 = tpu.vector_load %arg12[%get3A_1091] {strides = array<i32>} : memref<20016xf32, #tpu.memory_space<vmem>>, vector<16xf32>,
        %mul3A_1093 = arith.constant 1.000000e+01 : f32
        %mul3A_1094 = vector.broadcast %mul3A_1093 : f32 to vector<16xf32>
        %mul3A_1095 = arith.mulf %get3A_1086, %mul3A_1094 : vector<16xf32>
        %exp3A_1096 = math.exp %mul3A_1095 : vector<16xf32>
        %add3A_1097 = arith.addf %scan3A_1035, %exp3A_1096 : vector<16xf32>
        %mul3A_1098 = arith.mulf %get3A_1092, %exp3A_1096 : vector<16xf32>
        %add3A_1099 = arith.addf %scan3A_1039, %mul3A_1098 : vector<16xf32>
        %add3A_1100 = arith.constant 48 : i32
        %add3A_1101 = arith.addi %mul3A_1042, %add3A_1100 : i32
        %get3A_1102 = arith.constant 3 : i32
        %get3A_1103 = arith.index_cast %get3A_1102 : i32 to index
        %get3A_1104 = arith.index_cast %add3A_1101 : i32 to index
        %get3A_1105 = tpu.vector_load %arg10[%get3A_1103, %get3A_1104] {strides = array<i32>} : memref<4x5000xf32, #tpu.memory_space<vmem>>, vector<16xf32>,
        %add3A_1106 = arith.constant 15000 : i32
        %add3A_1107 = arith.addi %add3A_1106, %mul3A_1042 : i32
        %add3A_1108 = arith.constant 48 : i32
        %add3A_1109 = arith.addi %add3A_1107, %add3A_1108 : i32
        %get3A_1110 = arith.index_cast %add3A_1109 : i32 to index
        %get3A_1111 = tpu.vector_load %arg12[%get3A_1110] {strides = array<i32>} : memref<20016xf32, #tpu.memory_space<vmem>>, vector<16xf32>,
        %mul3A_1112 = arith.constant 1.000000e+01 : f32
        %mul3A_1113 = vector.broadcast %mul3A_1112 : f32 to vector<16xf32>
        %mul3A_1114 = arith.mulf %get3A_1105, %mul3A_1113 : vector<16xf32>
        %exp3A_1115 = math.exp %mul3A_1114 : vector<16xf32>
        %add3A_1116 = arith.addf %scan3A_1036, %exp3A_1115 : vector<16xf32>
        %mul3A_1117 = arith.mulf %get3A_1111, %exp3A_1115 : vector<16xf32>
        %add3A_1118 = arith.addf %scan3A_1040, %mul3A_1117 : vector<16xf32>
        %add3A_1119 = arith.constant 64 : i32
        %add3A_1120 = arith.addi %mul3A_1042, %add3A_1119 : i32
        %get3A_1121 = arith.constant 3 : i32
        %get3A_1122 = arith.index_cast %get3A_1121 : i32 to index
        %get3A_1123 = arith.index_cast %add3A_1120 : i32 to index
        %get3A_1124 = tpu.vector_load %arg10[%get3A_1122, %get3A_1123] {strides = array<i32>} : memref<4x5000xf32, #tpu.memory_space<vmem>>, vector<16xf32>,
        %add3A_1125 = arith.constant 15000 : i32
        %add3A_1126 = arith.addi %add3A_1125, %mul3A_1042 : i32
        %add3A_1127 = arith.constant 64 : i32
        %add3A_1128 = arith.addi %add3A_1126, %add3A_1127 : i32
        %get3A_1129 = arith.index_cast %add3A_1128 : i32 to index
        %get3A_1130 = tpu.vector_load %arg12[%get3A_1129] {strides = array<i32>} : memref<20016xf32, #tpu.memory_space<vmem>>, vector<16xf32>,
        %mul3A_1131 = arith.constant 1.000000e+01 : f32
        %mul3A_1132 = vector.broadcast %mul3A_1131 : f32 to vector<16xf32>
        %mul3A_1133 = arith.mulf %get3A_1124, %mul3A_1132 : vector<16xf32>
        %exp3A_1134 = math.exp %mul3A_1133 : vector<16xf32>
        %add3A_1135 = arith.addf %add3A_1059, %exp3A_1134 : vector<16xf32>
        %mul3A_1136 = arith.mulf %get3A_1130, %exp3A_1134 : vector<16xf32>
        %add3A_1137 = arith.addf %add3A_1061, %mul3A_1136 : vector<16xf32>
        %add3A_1138 = arith.constant 80 : i32
        %add3A_1139 = arith.addi %mul3A_1042, %add3A_1138 : i32
        %get3A_1140 = arith.constant 3 : i32
        %get3A_1141 = arith.index_cast %get3A_1140 : i32 to index
        %get3A_1142 = arith.index_cast %add3A_1139 : i32 to index
        %get3A_1143 = tpu.vector_load %arg10[%get3A_1141, %get3A_1142] {strides = array<i32>} : memref<4x5000xf32, #tpu.memory_space<vmem>>, vector<16xf32>,
        %add3A_1144 = arith.constant 15000 : i32
        %add3A_1145 = arith.addi %add3A_1144, %mul3A_1042 : i32
        %add3A_1146 = arith.constant 80 : i32
        %add3A_1147 = arith.addi %add3A_1145, %add3A_1146 : i32
        %get3A_1148 = arith.index_cast %add3A_1147 : i32 to index
        %get3A_1149 = tpu.vector_load %arg12[%get3A_1148] {strides = array<i32>} : memref<20016xf32, #tpu.memory_space<vmem>>, vector<16xf32>,
        %mul3A_1150 = arith.constant 1.000000e+01 : f32
        %mul3A_1151 = vector.broadcast %mul3A_1150 : f32 to vector<16xf32>
        %mul3A_1152 = arith.mulf %get3A_1143, %mul3A_1151 : vector<16xf32>
        %exp3A_1153 = math.exp %mul3A_1152 : vector<16xf32>
        %add3A_1154 = arith.addf %add3A_1078, %exp3A_1153 : vector<16xf32>
        %mul3A_1155 = arith.mulf %get3A_1149, %exp3A_1153 : vector<16xf32>
        %add3A_1156 = arith.addf %add3A_1080, %mul3A_1155 : vector<16xf32>
        %add3A_1157 = arith.constant 96 : i32
        %add3A_1158 = arith.addi %mul3A_1042, %add3A_1157 : i32
        %get3A_1159 = arith.constant 3 : i32
        %get3A_1160 = arith.index_cast %get3A_1159 : i32 to index
        %get3A_1161 = arith.index_cast %add3A_1158 : i32 to index
        %get3A_1162 = tpu.vector_load %arg10[%get3A_1160, %get3A_1161] {strides = array<i32>} : memref<4x5000xf32, #tpu.memory_space<vmem>>, vector<16xf32>,
        %add3A_1163 = arith.constant 15000 : i32
        %add3A_1164 = arith.addi %add3A_1163, %mul3A_1042 : i32
        %add3A_1165 = arith.constant 96 : i32
        %add3A_1166 = arith.addi %add3A_1164, %add3A_1165 : i32
        %get3A_1167 = arith.index_cast %add3A_1166 : i32 to index
        %get3A_1168 = tpu.vector_load %arg12[%get3A_1167] {strides = array<i32>} : memref<20016xf32, #tpu.memory_space<vmem>>, vector<16xf32>,
        %mul3A_1169 = arith.constant 1.000000e+01 : f32
        %mul3A_1170 = vector.broadcast %mul3A_1169 : f32 to vector<16xf32>
        %mul3A_1171 = arith.mulf %get3A_1162, %mul3A_1170 : vector<16xf32>
        %exp3A_1172 = math.exp %mul3A_1171 : vector<16xf32>
        %add3A_1173 = arith.addf %add3A_1097, %exp3A_1172 : vector<16xf32>
        %mul3A_1174 = arith.mulf %get3A_1168, %exp3A_1172 : vector<16xf32>
        %add3A_1175 = arith.addf %add3A_1099, %mul3A_1174 : vector<16xf32>
        %add3A_1176 = arith.constant 112 : i32
        %add3A_1177 = arith.addi %mul3A_1042, %add3A_1176 : i32
        %get3A_1178 = arith.constant 3 : i32
        %get3A_1179 = arith.index_cast %get3A_1178 : i32 to index
        %get3A_1180 = arith.index_cast %add3A_1177 : i32 to index
        %get3A_1181 = tpu.vector_load %arg10[%get3A_1179, %get3A_1180] {strides = array<i32>} : memref<4x5000xf32, #tpu.memory_space<vmem>>, vector<16xf32>,
        %add3A_1182 = arith.constant 15000 : i32
        %add3A_1183 = arith.addi %add3A_1182, %mul3A_1042 : i32
        %add3A_1184 = arith.constant 112 : i32
        %add3A_1185 = arith.addi %add3A_1183, %add3A_1184 : i32
        %get3A_1186 = arith.index_cast %add3A_1185 : i32 to index
        %get3A_1187 = tpu.vector_load %arg12[%get3A_1186] {strides = array<i32>} : memref<20016xf32, #tpu.memory_space<vmem>>, vector<16xf32>,
        %mul3A_1188 = arith.constant 1.000000e+01 : f32
        %mul3A_1189 = vector.broadcast %mul3A_1188 : f32 to vector<16xf32>
        %mul3A_1190 = arith.mulf %get3A_1181, %mul3A_1189 : vector<16xf32>
        %exp3A_1191 = math.exp %mul3A_1190 : vector<16xf32>
        %add3A_1192 = arith.addf %add3A_1116, %exp3A_1191 : vector<16xf32>
        %mul3A_1193 = arith.mulf %get3A_1187, %exp3A_1191 : vector<16xf32>
        %add3A_1194 = arith.addf %add3A_1118, %mul3A_1193 : vector<16xf32>
        scf.yield %add3A_1135, %add3A_1154, %add3A_1173, %add3A_1192, %add3A_1137, %add3A_1156, %add3A_1175, %add3A_1194 : vector<16xf32>, vector<16xf32>, vector<16xf32>, vector<16xf32>, vector<16xf32>, vector<16xf32>, vector<16xf32>, vector<16xf32>
      }
      %scan3A_976 = arith.constant 39 : i32
      %get3A_977 = arith.constant 3 : i32
      %get3A_978 = arith.index_cast %get3A_977 : i32 to index
      %get3A_979 = arith.constant 4984 : index
      %get3A_980 = tpu.vector_load %arg10[%get3A_978, %get3A_979] {strides = array<i32>} : memref<4x5000xf32, #tpu.memory_space<vmem>>, vector<16xf32>,
      %get3A_981 = arith.constant 19984 : index
      %get3A_982 = tpu.vector_load %arg12[%get3A_981] {strides = array<i32>} : memref<20016xf32, #tpu.memory_space<vmem>>, vector<16xf32>,
      %mul3A_983 = arith.constant 1.000000e+01 : f32
      %mul3A_984 = vector.broadcast %mul3A_983 : f32 to vector<16xf32>
      %mul3A_985 = arith.mulf %get3A_980, %mul3A_984 : vector<16xf32>
      %exp3A_986 = math.exp %mul3A_985 : vector<16xf32>
      %mul3A_987 = arith.mulf %exp3A_986, %select_n3A : vector<16xf32>
      %add3A_988 = arith.addf %scan3A_975#0, %scan3A_975#1 : vector<16xf32>
      %add3A_989 = arith.addf %scan3A_975#2, %scan3A_975#3 : vector<16xf32>
      %add3A_990 = arith.addf %add3A_988, %add3A_989 : vector<16xf32>
      %add3A_991 = arith.addf %add3A_990, %mul3A_987 : vector<16xf32>
      %add3A_992 = arith.addf %scan3A_975#4, %scan3A_975#5 : vector<16xf32>
      %add3A_993 = arith.addf %scan3A_975#6, %scan3A_975#7 : vector<16xf32>
      %add3A_994 = arith.addf %add3A_992, %add3A_993 : vector<16xf32>
      %mul3A_995 = arith.mulf %get3A_982, %mul3A_987 : vector<16xf32>
      %add3A_996 = arith.addf %add3A_994, %mul3A_995 : vector<16xf32>
      %reduce_sum3A_997 = arith.constant true
      %reduce_sum3A_998 = vector.broadcast %reduce_sum3A_997 : i1 to vector<16xi1>
      %reduce_sum3A_999 = tpu.scan <sum>, %add3A_991 masked %reduce_sum3A_998 : vector<16xf32>, vector<16xi1> -> vector<16xf32>
      %reduce_sum3A_1000 = vector.extract %reduce_sum3A_999[15] : f32 from vector<16xf32>
      %broadcast_in_dim3A_1001 = vector.broadcast %reduce_sum3A_1000 : f32 to vector<16xf32>
      %reduce_sum3A_1002 = arith.constant true
      %reduce_sum3A_1003 = vector.broadcast %reduce_sum3A_1002 : i1 to vector<16xi1>
      %reduce_sum3A_1004 = tpu.scan <sum>, %add3A_996 masked %reduce_sum3A_1003 : vector<16xf32>, vector<16xi1> -> vector<16xf32>
      %reduce_sum3A_1005 = vector.extract %reduce_sum3A_1004[15] : f32 from vector<16xf32>
      %broadcast_in_dim3A_1006 = vector.broadcast %reduce_sum3A_1005 : f32 to vector<16xf32>
      %get3A_1007 = arith.index_cast %add3A_954 : i32 to index
      %get3A_1008 = tpu.vector_load %arg8[%get3A_1007] {strides = array<i32>} : memref<224xf32, #tpu.memory_space<vmem>>, vector<16xf32>,
      %slice3A_1009 = vector.extract_strided_slice %get3A_1008 {offsets = [0], sizes = [1], strides = [1]} : vector<16xf32> to vector<1xf32>
      %squeeze3A_1010 = vector.extract %slice3A_1009[0] : f32 from vector<1xf32>
      %broadcast_in_dim3A_1011 = vector.broadcast %squeeze3A_1010 : f32 to vector<16xf32>
      %get3A_1012 = arith.index_cast %add3A_954 : i32 to index
      %get3A_1013 = tpu.vector_load %arg7[%get3A_1012] {strides = array<i32>} : memref<224xi32, #tpu.memory_space<vmem>>, vector<16xi32>,
      %slice3A_1014 = vector.extract_strided_slice %get3A_1013 {offsets = [0], sizes = [1], strides = [1]} : vector<16xi32> to vector<1xi32>
      %squeeze3A_1015 = vector.extract %slice3A_1014[0] : i32 from vector<1xi32>
      %add3A_1016 = arith.constant 15000 : i32
      %add3A_1017 = arith.addi %add3A_1016, %squeeze3A_1015 : i32
      %get3A_1018 = arith.index_cast %add3A_1017 : i32 to index
      %get3A_1019 = tpu.vector_load %arg12[%get3A_1018] {strides = array<i32>} : memref<20016xf32, #tpu.memory_space<vmem>>, vector<16xf32>,
      %slice3A_1020 = vector.extract_strided_slice %get3A_1019 {offsets = [0], sizes = [1], strides = [1]} : vector<16xf32> to vector<1xf32>
      %squeeze3A_1021 = vector.extract %slice3A_1020[0] : f32 from vector<1xf32>
      %broadcast_in_dim3A_1022 = vector.broadcast %squeeze3A_1021 : f32 to vector<16xf32>
      %sub3A_1023 = arith.constant 0.000000e+00 : f32
      %sub3A_1024 = vector.broadcast %sub3A_1023 : f32 to vector<16xf32>
      %sub3A_1025 = arith.subf %sub3A_1024, %broadcast_in_dim3A_1006 : vector<16xf32>
      %mul3A_1026 = arith.mulf %broadcast_in_dim3A_1011, %sub3A_1025 : vector<16xf32>
      %div3A_1027 = arith.divf %mul3A_1026, %broadcast_in_dim3A_1001 : vector<16xf32>
      %mul3A_1028 = arith.mulf %broadcast_in_dim3A_1011, %broadcast_in_dim3A_1022 : vector<16xf32>
      %add3A_1029 = arith.addf %add3A_948, %div3A_1027 : vector<16xf32>
      %add3A_1030 = arith.addf %add3A_949, %mul3A_1028 : vector<16xf32>
      %add3A_1031 = arith.addf %add3A_950, %broadcast_in_dim3A_1011 : vector<16xf32>
      scf.yield %add3A_1029, %add3A_1030, %add3A_1031 : vector<16xf32>, vector<16xf32>, vector<16xf32>
    }
    %scan3A_76 = arith.constant 26 : i32
    %dma_wait3A = arith.constant 0 : i32
    %dma_wait3A_77 = arith.constant 0 : i32
    %dma_wait3A_78 = tpu.memref_slice %arg9[%dma_wait3A, %dma_wait3A_77] : memref<4x5000xf32, #tpu.memory_space<vmem>> -> memref<1x5000xf32, #tpu.memory_space<vmem>>
    %dma_wait3A_79 = tpu.memref_squeeze %dma_wait3A_78 : memref<1x5000xf32, #tpu.memory_space<vmem>> -> memref<5000xf32, #tpu.memory_space<vmem>>
    %dma_wait3A_80 = arith.constant 0 : i32
    %dma_wait3A_81 = tpu.memref_slice %arg5[%dma_wait3A_80] : memref<25000000xf32, #tpu.memory_space<hbm>> -> memref<5000xf32, #tpu.memory_space<hbm>>
    %dma_wait3A_82 = arith.constant 0 : i32
    %dma_wait3A_83 = tpu.memref_slice %arg9[%dma_wait3A, %dma_wait3A_82] : memref<4x5000xf32, #tpu.memory_space<vmem>> -> memref<1x5000xf32, #tpu.memory_space<vmem>>
    %dma_wait3A_84 = tpu.memref_squeeze %dma_wait3A_83 : memref<1x5000xf32, #tpu.memory_space<vmem>> -> memref<5000xf32, #tpu.memory_space<vmem>>
    %dma_wait3A_85 = arith.constant 0 : i32
    %dma_wait3A_86 = tpu.memref_slice %arg5[%dma_wait3A_85] : memref<25000000xf32, #tpu.memory_space<hbm>> -> memref<5000xf32, #tpu.memory_space<hbm>>
    tpu.wait_dma2 semaphore(%arg14 : memref<!tpu.dma_semaphore, #tpu.memory_space<semaphore_mem>>) src(%dma_wait3A_86 : memref<5000xf32, #tpu.memory_space<hbm>>) dst(%dma_wait3A_84 : memref<5000xf32, #tpu.memory_space<vmem>>)
    %dma_wait3A_87 = arith.constant 1 : i32
    %dma_wait3A_88 = arith.constant 0 : i32
    %dma_wait3A_89 = tpu.memref_slice %arg9[%dma_wait3A_87, %dma_wait3A_88] : memref<4x5000xf32, #tpu.memory_space<vmem>> -> memref<1x5000xf32, #tpu.memory_space<vmem>>
    %dma_wait3A_90 = tpu.memref_squeeze %dma_wait3A_89 : memref<1x5000xf32, #tpu.memory_space<vmem>> -> memref<5000xf32, #tpu.memory_space<vmem>>
    %dma_wait3A_91 = arith.constant 0 : i32
    %dma_wait3A_92 = tpu.memref_slice %arg5[%dma_wait3A_91] : memref<25000000xf32, #tpu.memory_space<hbm>> -> memref<5000xf32, #tpu.memory_space<hbm>>
    %dma_wait3A_93 = arith.constant 0 : i32
    %dma_wait3A_94 = tpu.memref_slice %arg9[%dma_wait3A_87, %dma_wait3A_93] : memref<4x5000xf32, #tpu.memory_space<vmem>> -> memref<1x5000xf32, #tpu.memory_space<vmem>>
    %dma_wait3A_95 = tpu.memref_squeeze %dma_wait3A_94 : memref<1x5000xf32, #tpu.memory_space<vmem>> -> memref<5000xf32, #tpu.memory_space<vmem>>
    %dma_wait3A_96 = arith.constant 0 : i32
    %dma_wait3A_97 = tpu.memref_slice %arg5[%dma_wait3A_96] : memref<25000000xf32, #tpu.memory_space<hbm>> -> memref<5000xf32, #tpu.memory_space<hbm>>
    tpu.wait_dma2 semaphore(%arg14 : memref<!tpu.dma_semaphore, #tpu.memory_space<semaphore_mem>>) src(%dma_wait3A_97 : memref<5000xf32, #tpu.memory_space<hbm>>) dst(%dma_wait3A_95 : memref<5000xf32, #tpu.memory_space<vmem>>)
    %dma_wait3A_98 = arith.constant 2 : i32
    %dma_wait3A_99 = arith.constant 0 : i32
    %dma_wait3A_100 = tpu.memref_slice %arg9[%dma_wait3A_98, %dma_wait3A_99] : memref<4x5000xf32, #tpu.memory_space<vmem>> -> memref<1x5000xf32, #tpu.memory_space<vmem>>
    %dma_wait3A_101 = tpu.memref_squeeze %dma_wait3A_100 : memref<1x5000xf32, #tpu.memory_space<vmem>> -> memref<5000xf32, #tpu.memory_space<vmem>>
    %dma_wait3A_102 = arith.constant 0 : i32
    %dma_wait3A_103 = tpu.memref_slice %arg5[%dma_wait3A_102] : memref<25000000xf32, #tpu.memory_space<hbm>> -> memref<5000xf32, #tpu.memory_space<hbm>>
    %dma_wait3A_104 = arith.constant 0 : i32
    %dma_wait3A_105 = tpu.memref_slice %arg9[%dma_wait3A_98, %dma_wait3A_104] : memref<4x5000xf32, #tpu.memory_space<vmem>> -> memref<1x5000xf32, #tpu.memory_space<vmem>>
    %dma_wait3A_106 = tpu.memref_squeeze %dma_wait3A_105 : memref<1x5000xf32, #tpu.memory_space<vmem>> -> memref<5000xf32, #tpu.memory_space<vmem>>
    %dma_wait3A_107 = arith.constant 0 : i32
    %dma_wait3A_108 = tpu.memref_slice %arg5[%dma_wait3A_107] : memref<25000000xf32, #tpu.memory_space<hbm>> -> memref<5000xf32, #tpu.memory_space<hbm>>
    tpu.wait_dma2 semaphore(%arg14 : memref<!tpu.dma_semaphore, #tpu.memory_space<semaphore_mem>>) src(%dma_wait3A_108 : memref<5000xf32, #tpu.memory_space<hbm>>) dst(%dma_wait3A_106 : memref<5000xf32, #tpu.memory_space<vmem>>)
    %dma_wait3A_109 = arith.constant 3 : i32
    %dma_wait3A_110 = arith.constant 0 : i32
    %dma_wait3A_111 = tpu.memref_slice %arg9[%dma_wait3A_109, %dma_wait3A_110] : memref<4x5000xf32, #tpu.memory_space<vmem>> -> memref<1x5000xf32, #tpu.memory_space<vmem>>
    %dma_wait3A_112 = tpu.memref_squeeze %dma_wait3A_111 : memref<1x5000xf32, #tpu.memory_space<vmem>> -> memref<5000xf32, #tpu.memory_space<vmem>>
    %dma_wait3A_113 = arith.constant 0 : i32
    %dma_wait3A_114 = tpu.memref_slice %arg5[%dma_wait3A_113] : memref<25000000xf32, #tpu.memory_space<hbm>> -> memref<5000xf32, #tpu.memory_space<hbm>>
    %dma_wait3A_115 = arith.constant 0 : i32
    %dma_wait3A_116 = tpu.memref_slice %arg9[%dma_wait3A_109, %dma_wait3A_115] : memref<4x5000xf32, #tpu.memory_space<vmem>> -> memref<1x5000xf32, #tpu.memory_space<vmem>>
    %dma_wait3A_117 = tpu.memref_squeeze %dma_wait3A_116 : memref<1x5000xf32, #tpu.memory_space<vmem>> -> memref<5000xf32, #tpu.memory_space<vmem>>
    %dma_wait3A_118 = arith.constant 0 : i32
    %dma_wait3A_119 = tpu.memref_slice %arg5[%dma_wait3A_118] : memref<25000000xf32, #tpu.memory_space<hbm>> -> memref<5000xf32, #tpu.memory_space<hbm>>
    tpu.wait_dma2 semaphore(%arg14 : memref<!tpu.dma_semaphore, #tpu.memory_space<semaphore_mem>>) src(%dma_wait3A_119 : memref<5000xf32, #tpu.memory_space<hbm>>) dst(%dma_wait3A_117 : memref<5000xf32, #tpu.memory_space<vmem>>)
    %dma_wait3A_120 = arith.constant 0 : i32
    %dma_wait3A_121 = tpu.memref_slice %arg11[%dma_wait3A_120] : memref<20016xf32, #tpu.memory_space<vmem>> -> memref<20000xf32, #tpu.memory_space<vmem>>
    %dma_wait3A_122 = arith.constant 0 : i32
    %dma_wait3A_123 = tpu.memref_slice %arg2[%dma_wait3A_122] : memref<32000000xf32, #tpu.memory_space<hbm>> -> memref<20000xf32, #tpu.memory_space<hbm>>
    %dma_wait3A_124 = arith.constant 0 : i32
    %dma_wait3A_125 = tpu.memref_slice %arg11[%dma_wait3A_124] : memref<20016xf32, #tpu.memory_space<vmem>> -> memref<20000xf32, #tpu.memory_space<vmem>>
    %dma_wait3A_126 = arith.constant 0 : i32
    %dma_wait3A_127 = tpu.memref_slice %arg2[%dma_wait3A_126] : memref<32000000xf32, #tpu.memory_space<hbm>> -> memref<20000xf32, #tpu.memory_space<hbm>>
    tpu.wait_dma2 semaphore(%arg16 : memref<!tpu.dma_semaphore, #tpu.memory_space<semaphore_mem>>) src(%dma_wait3A_127 : memref<20000xf32, #tpu.memory_space<hbm>>) dst(%dma_wait3A_125 : memref<20000xf32, #tpu.memory_space<vmem>>)
    %mul3A_128 = arith.constant 6.250000e-02 : f32
    %mul3A_129 = vector.broadcast %mul3A_128 : f32 to vector<16xf32>
    %mul3A_130 = arith.mulf %scan3A_75#0, %mul3A_129 : vector<16xf32>
    %swap3A = arith.constant 0 : i32
    %swap3A_131 = arith.index_cast %swap3A : i32 to index
    %swap3A_132 = arith.constant 0 : index
    %swap3A_133 = tpu.vector_load %arg13[%swap3A_131, %swap3A_132] {strides = array<i32>} : memref<3x16xf32, #tpu.memory_space<vmem>>, vector<16xf32>,
    tpu.vector_store %arg13[%swap3A_131, %swap3A_132], %mul3A_130 {strides = array<i32>} : memref<3x16xf32, #tpu.memory_space<vmem>>, vector<16xf32>,
    %mul3A_134 = arith.constant 6.250000e-02 : f32
    %mul3A_135 = vector.broadcast %mul3A_134 : f32 to vector<16xf32>
    %mul3A_136 = arith.mulf %scan3A_75#1, %mul3A_135 : vector<16xf32>
    %swap3A_137 = arith.constant 1 : i32
    %swap3A_138 = arith.index_cast %swap3A_137 : i32 to index
    %swap3A_139 = arith.constant 0 : index
    %swap3A_140 = tpu.vector_load %arg13[%swap3A_138, %swap3A_139] {strides = array<i32>} : memref<3x16xf32, #tpu.memory_space<vmem>>, vector<16xf32>,
    tpu.vector_store %arg13[%swap3A_138, %swap3A_139], %mul3A_136 {strides = array<i32>} : memref<3x16xf32, #tpu.memory_space<vmem>>, vector<16xf32>,
    %mul3A_141 = arith.constant 6.250000e-02 : f32
    %mul3A_142 = vector.broadcast %mul3A_141 : f32 to vector<16xf32>
    %mul3A_143 = arith.mulf %scan3A_75#2, %mul3A_142 : vector<16xf32>
    %swap3A_144 = arith.constant 2 : i32
    %swap3A_145 = arith.index_cast %swap3A_144 : i32 to index
    %swap3A_146 = arith.constant 0 : index
    %swap3A_147 = tpu.vector_load %arg13[%swap3A_145, %swap3A_146] {strides = array<i32>} : memref<3x16xf32, #tpu.memory_space<vmem>>, vector<16xf32>,
    tpu.vector_store %arg13[%swap3A_145, %swap3A_146], %mul3A_143 {strides = array<i32>} : memref<3x16xf32, #tpu.memory_space<vmem>>, vector<16xf32>,
    "tpu.region"() ({
      %run_scoped3A = tpu.sem_alloc : memref<!tpu.dma_semaphore, #tpu.memory_space<semaphore_mem>>
      %dma_start3A_148 = arith.constant 0 : i32
      %dma_start3A_149 = arith.constant 0 : i32
      %dma_start3A_150 = tpu.memref_slice %arg6[%add3A, %dma_start3A_148, %dma_start3A_149] : memref<32x3x16xf32, #tpu.memory_space<hbm>> -> memref<1x3x16xf32, #tpu.memory_space<hbm>>
      %dma_start3A_151 = tpu.memref_squeeze %dma_start3A_150 : memref<1x3x16xf32, #tpu.memory_space<hbm>> -> memref<3x16xf32, #tpu.memory_space<hbm>>
      %dma_start3A_152 = arith.constant 0 : i32
      %dma_start3A_153 = arith.constant 0 : i32
      %dma_start3A_154 = tpu.memref_slice %arg6[%add3A, %dma_start3A_152, %dma_start3A_153] : memref<32x3x16xf32, #tpu.memory_space<hbm>> -> memref<1x3x16xf32, #tpu.memory_space<hbm>>
      %dma_start3A_155 = tpu.memref_squeeze %dma_start3A_154 : memref<1x3x16xf32, #tpu.memory_space<hbm>> -> memref<3x16xf32, #tpu.memory_space<hbm>>
      tpu.enqueue_dma source(%arg13 : memref<3x16xf32, #tpu.memory_space<vmem>>) target(%dma_start3A_155 : memref<3x16xf32, #tpu.memory_space<hbm>>) target_semaphore(%run_scoped3A : memref<!tpu.dma_semaphore, #tpu.memory_space<semaphore_mem>>)
      %dma_wait3A_156 = arith.constant 0 : i32
      %dma_wait3A_157 = arith.constant 0 : i32
      %dma_wait3A_158 = tpu.memref_slice %arg6[%add3A, %dma_wait3A_156, %dma_wait3A_157] : memref<32x3x16xf32, #tpu.memory_space<hbm>> -> memref<1x3x16xf32, #tpu.memory_space<hbm>>
      %dma_wait3A_159 = tpu.memref_squeeze %dma_wait3A_158 : memref<1x3x16xf32, #tpu.memory_space<hbm>> -> memref<3x16xf32, #tpu.memory_space<hbm>>
      %dma_wait3A_160 = arith.constant 0 : i32
      %dma_wait3A_161 = arith.constant 0 : i32
      %dma_wait3A_162 = tpu.memref_slice %arg6[%add3A, %dma_wait3A_160, %dma_wait3A_161] : memref<32x3x16xf32, #tpu.memory_space<hbm>> -> memref<1x3x16xf32, #tpu.memory_space<hbm>>
      %dma_wait3A_163 = tpu.memref_squeeze %dma_wait3A_162 : memref<1x3x16xf32, #tpu.memory_space<hbm>> -> memref<3x16xf32, #tpu.memory_space<hbm>>
      tpu.wait_dma2 semaphore(%run_scoped3A : memref<!tpu.dma_semaphore, #tpu.memory_space<semaphore_mem>>) src(%arg13 : memref<3x16xf32, #tpu.memory_space<vmem>>) dst(%dma_wait3A_163 : memref<3x16xf32, #tpu.memory_space<hbm>>)
      tpu.yield
    }) : () -> ()
    return
  }
}

module attributes {stable_mosaic.version = 14 : i64} {
  func.func @body(%arg0: i32, %arg1: memref<1x5000x128xf32, #tpu.memory_space<vmem>>, %arg2: memref<1x128x5000xf32, #tpu.memory_space<vmem>>) attributes {dimension_semantics = [#tpu.dimension_semantics<arbitrary>], iteration_bounds = array<i64: 50>, scalar_prefetch = 0 : i64, scratch_operands = 0 : i64, tpu.core_type = #tpu.core_type<tc>, window_params = [{transform_indices = @transform_0, window_bounds = array<i64: 1, 5000, 128>}, {transform_indices = @transform_1, window_bounds = array<i64: 1, 128, 5000>}]} {
    %get3A = arith.constant 0 : index
    %get3A_0 = arith.constant 0 : index
    %get3A_1 = arith.constant 0 : index
    %get3A_2 = vector.load %arg1[%get3A, %get3A_0, %get3A_1] : memref<1x5000x128xf32, #tpu.memory_space<vmem>>, vector<1x5000x128xf32>
    %get3A_3 = vector.shape_cast %get3A_2 : vector<1x5000x128xf32> to vector<5000x128xf32>
    %transpose3A = tpu.transpose %get3A_3, [1, 0] : vector<5000x128xf32> -> vector<128x5000xf32>
    %swap3A = arith.constant 0 : index
    %swap3A_4 = arith.constant 0 : index
    %swap3A_5 = arith.constant 0 : index
    %swap3A_6 = vector.load %arg2[%swap3A, %swap3A_4, %swap3A_5] : memref<1x128x5000xf32, #tpu.memory_space<vmem>>, vector<1x128x5000xf32>
    %swap3A_7 = vector.shape_cast %swap3A_6 : vector<1x128x5000xf32> to vector<128x5000xf32>
    %swap3A_8 = vector.shape_cast %transpose3A : vector<128x5000xf32> to vector<1x128x5000xf32>
    tpu.vector_store %arg2[%swap3A, %swap3A_4, %swap3A_5], %swap3A_8 {strides = array<i32>} : memref<1x128x5000xf32, #tpu.memory_space<vmem>>, vector<1x128x5000xf32>,
    return
  }
  func.func @transform_0(%arg0: i32) -> (i32, i32, i32) {
    %c0_i32 = arith.constant 0 : i32
    %c0_i32_0 = arith.constant 0 : i32
    %c0_i32_1 = arith.constant 0 : i32
    return %arg0, %c0_i32, %c0_i32_0 : i32, i32, i32
  }
  func.func @transform_1(%arg0: i32) -> (i32, i32, i32) {
    %c0_i32 = arith.constant 0 : i32
    %c0_i32_0 = arith.constant 0 : i32
    %c0_i32_1 = arith.constant 0 : i32
    return %arg0, %c0_i32, %c0_i32_0 : i32, i32, i32
  }
}

</mosaic_0001>

<sc_bundles>
// kernel: kernel.4.cloned.1.call-start
scs
__scs_entry_jumppad:
0x0: {  	(pc) =	sbr.rel $0x88, $3  }
0x1: {  	(tag) =	ssettag $0x0;
	lr =	simm.s32 $0x1  }
0x2: {  	[smem:$0x3F9D] =	sst lr;
	_ =	strace $0xD0000000  }
0x3: {  	_ = 	snop  }
0x4: {  	_ = 	snop  }
0x5: {  	_ = 	snop  }
0x6: {  	_ = 	snop  }
0x7: {  	_ = 	snop  }
__scs_overlays_trampoline_lowered:
0x8: {  	[smem:$0x3FAC] =	sst s0  }
0x9: {  	[smem:$0x3FAD] =	sst s1  }
0xa: {  	[smem:$0x3FAE] =	sst s2  }
0xb: {  	[smem:$0x3FAF] =	sst s3  }
0xc: {  	[smem:$0x3FB0] =	sst s4  }
0xd: {  	[smem:$0x3FB1] =	sst s5  }
0xe: {  	[smem:$0x3FB2] =	sst s6  }
0xf: {  	[smem:$0x3FB3] =	sst s7  }
0x10: {  	[smem:$0x3FB4] =	sst s8  }
0x11: {  	[smem:$0x3FB5] =	sst s9;
	s0 =	simm.s32 @!p0 $0x0  }
0x12: {  	s1 =	sld [smem:$0x3F9B];
	s0 =	simm.s32 @p0 $0x1  }
0x13: {  	[smem:$0x3FB6] =	sst s0;
	s0 =	simm.s32 @!p1 $0x0  }
0x14: {  	s2 =	sld [smem:$0x3F9A];
	s0 =	simm.s32 @p1 $0x1  }
0x15: {  	[smem:$0x3FB7] =	sst s0;
	s0 =	simm.s32 @!p2 $0x0  }
0x16: {  	s3 =	sld [smem:$0x3FDB];
	s0 =	simm.s32 @p2 $0x1  }
0x17: {  	s4 =	simm.s32 $0x1BF5;
	[smem:$0x3FB9] =	sst s0  }
0x18: {  	s0 =	sld [smem:$0x3F9C];
	_ =	swait.ge [sflag:s4], $0x0  }
0x19: {  	s7 =	sld [smem:$0x3F9D]  }
0x1a: {  	s8 =	sadd.s32 $0xFFFFE003, lr  }
0x1b: {  	s9 =	sadd.s32 $0xFFFFFEF7, lr;
	s5 =	simm.s32 $0xFFFFFFFF;
	p2 =	slt.u32 s8, $0xFFFFF086  }
0x1c: {  	p1 =	slt.u32 s9, $0xF7A;
	s5 =	simm.s32 @!p2 $0x0  }
0x1d: {  	s5 =	simm.s32 @p1 $0x1;
	p0 =	seq.s32 s7, s2  }
0x1e: {  	s7 =	smul.u32 @!p0 $0xF7A, s2;
	p2 =	seq.s32 @!p0 s5, $0x0  }
0x1f: {  	s9 =	smul.u32 $0xF7A, s1;
	s8 =	simm.s32 @!p0 $0x1BF5;
	p2 =	por !p2, p0  }
0x20: {  	[sflag:s8] =	ssyncset.s32 @!p0 $0xFFFFF086;
	s6 =	sadd.s32 @!p0 s3, s7;
	s7 =	simm.s32 @!p0 $0x108  }
0x21: {  	s3 =	sadd.s32 s3, s9;
	s6 =	sadd.s32 @!p0 $0x88, s6;
	s7 =	simm.s32 @p2 $0x1082  }
0x22: {  	[simem:s7], [sflag:s8] =	dma.local @!p0 [hbm:s6], $0xF7A  }
0x23: {  	s9 =	sor.u32 $0xD0000000, s2;
	s6 =	simm.s32 $0x108;
	_ =	swait.ge @!p0 [sflag:s8], $0x0  }
0x24: {  	s3 =	sadd.s32 $0x88, s3;
	s6 =	simm.s32 @!p1 $0x1082;
	[sflag:s4] =	ssyncset.s32 $0xFFFFF086  }
0x25: {  	[simem:s6], [sflag:s4] =	dma.local [hbm:s3], $0xF7A  }
0x26: {  	[smem:$0x3F9D] =	sst s1;
	(tag) =	ssettag s2;
	_ =	strace s9  }
0x27: {  	s1 =	sld [smem:$0x3FAD]  }
0x28: {  	s2 =	sld [smem:$0x3FAE]  }
0x29: {  	s4 =	sld [smem:$0x3FB0]  }
0x2a: {  	p0 =	seq.s32 s5, $0x0;
	s5 =	sld [smem:$0x3FB1]  }
0x2b: {  	s6 =	sld [smem:$0x3FB2]  }
0x2c: {  	s7 =	sld [smem:$0x3FB3]  }
0x2d: {  	s3 =	simm.s32 $0x108;
	s8 =	sld [smem:$0x3FB4]  }
0x2e: {  	s3 =	simm.s32 @!p0 $0x1082;
	s9 =	sld [smem:$0x3FB5]  }
0x2f: {  	lr =	sadd.s32 s0, s3;
	s0 =	sld [smem:$0x3FAC]  }
0x30: {  	s3 =	sld [smem:$0x3FAF]  }
0x31: {  	[smem:$0x3FB8] =	sst s10  }
0x32: {  	s10 =	sld [smem:$0x3FB6];
	_ =	sdelay $0x3  }
0x33: {  	p0 =	seq.s32 s10, $0x1;
	s10 =	sld [smem:$0x3FB8];
	_ =	sdelay $0x3  }
0x34: {  	[smem:$0x3FB8] =	sst s10  }
0x35: {  	s10 =	sld [smem:$0x3FB7];
	_ =	sdelay $0x3  }
0x36: {  	p1 =	seq.s32 s10, $0x1;
	s10 =	sld [smem:$0x3FB8];
	_ =	sdelay $0x3  }
0x37: {  	[smem:$0x3FB8] =	sst s10  }
0x38: {  	s10 =	sld [smem:$0x3FB9]  }
0x39: {  	_ = 	snop;
	(pc) =	sbr.ind lr, $3  }
0x3a: {  	_ = 	snop  }
0x3b: {  	_ = 	snop  }
0x3c: {  	p2 =	seq.s32 s10, $0x1;
	s10 =	sld [smem:$0x3FB8]  }
0x3d: {  	_ =	shalt  }
0x3e: {  	_ =	shalt  }
0x3f: {  	_ =	shalt  }
0x40: {  	_ =	shalt  }
0x41: {  	_ =	shalt  }
0x42: {  	_ =	shalt  }
0x43: {  	_ =	shalt  }
0x44: {  	_ =	shalt  }
0x45: {  	_ =	shalt  }
0x46: {  	_ =	shalt  }
0x47: {  	_ =	shalt  }
0x48: {  	_ =	shalt  }
0x49: {  	_ =	shalt  }
0x4a: {  	_ =	shalt  }
0x4b: {  	_ =	shalt  }
0x4c: {  	_ =	shalt  }
0x4d: {  	_ =	shalt  }
0x4e: {  	_ =	shalt  }
0x4f: {  	_ =	shalt  }
0x50: {  	_ =	shalt  }
0x51: {  	_ =	shalt  }
0x52: {  	_ =	shalt  }
0x53: {  	_ =	shalt  }
0x54: {  	_ =	shalt  }
0x55: {  	_ =	shalt  }
0x56: {  	_ =	shalt  }
0x57: {  	_ =	shalt  }
0x58: {  	_ =	shalt  }
0x59: {  	_ =	shalt  }
0x5a: {  	_ =	shalt  }
0x5b: {  	_ =	shalt  }
0x5c: {  	_ =	shalt  }
0x5d: {  	_ =	shalt  }
0x5e: {  	_ =	shalt  }
0x5f: {  	_ =	shalt  }
0x60: {  	_ =	shalt  }
0x61: {  	_ =	shalt  }
0x62: {  	_ =	shalt  }
0x63: {  	_ =	shalt  }
0x64: {  	_ =	shalt  }
0x65: {  	_ =	shalt  }
0x66: {  	_ =	shalt  }
0x67: {  	_ =	shalt  }
0x68: {  	_ =	shalt  }
0x69: {  	_ =	shalt  }
0x6a: {  	_ =	shalt  }
0x6b: {  	_ =	shalt  }
0x6c: {  	_ =	shalt  }
0x6d: {  	_ =	shalt  }
0x6e: {  	_ =	shalt  }
0x6f: {  	_ =	shalt  }
0x70: {  	_ =	shalt  }
0x71: {  	_ =	shalt  }
0x72: {  	_ =	shalt  }
0x73: {  	_ =	shalt  }
0x74: {  	_ =	shalt  }
0x75: {  	_ =	shalt  }
0x76: {  	_ =	shalt  }
0x77: {  	_ =	shalt  }
0x78: {  	_ =	shalt  }
0x79: {  	_ =	shalt  }
0x7a: {  	_ =	shalt  }
0x7b: {  	_ =	shalt  }
0x7c: {  	_ =	shalt  }
0x7d: {  	_ =	shalt  }
0x7e: {  	_ =	shalt  }
0x7f: {  	_ =	shalt  }
0x80: {  	_ =	shalt  }
0x81: {  	_ =	shalt  }
0x82: {  	_ =	shalt  }
0x83: {  	_ =	shalt  }
0x84: {  	_ =	shalt  }
0x85: {  	_ =	shalt  }
0x86: {  	_ =	shalt  }
0x87: {  	_ =	shalt  }
.Lfunc_end0:
.L_simem_size_0:
called_computation_lowered:
.L_overlay_start_0:
0x88: {  	s2 =	sld [smem:$0x3FD9]  }
0x89: {  	s3 =	sld [smem:$0x3FFE];
	_ =	sdelay $0x1  }
0x8a: {  	s1 =	srdreg.scid  }
0x8b: {  	s0 =	sand.u32 $0x1, s1  }
0x8c: {  	s16 =	sshll.u32 s0, $0xA;
	s2 =	sadd.s32 s3, s2  }
0x8d: {  	s2 =	sadd.s32 s2, s16  }
0x8e: {  	[smem:$0x3FC4] =	sst s2  }
0x8f: {  	_ = 	snop  }
0x90: {  	(tm) =	ssettm $0x1  }
0x91: {  	s17 =	sld [smem:$0x3FFB];
	_ =	sdelay $0x3  }
0x92: {  	_ =	strace s17  }
0x93: {  	s2 =	sld [smem:$0x3FFC];
	_ =	sdelay $0x3  }
0x94: {  	_ =	strace s2  }
0x95: {  	s2 =	sld [smem:$0x3FFD];
	_ =	sdelay $0x3  }
0x96: {  	_ =	strace s2  }
0x97: {  	_ =	strace $0x8FFFFFFF  }
0x98: {  	s18 =	sld [smem:$0x3FDB];
	_ =	sdelay $0x1  }
0x99: {  	s19 =	simm.s32 $_scs_section_size  }
0x9a: {  	s4 =	simm.s32 $_size__tile_overlayer_lowered;
	s5 =	simm.s32 $_tile_overlayer_lowered  }
0x9b: {  	s22 =	simm.s32 $0x1BFF;
	s21 =	sshll.u32 s5, $0x1;
	s2 =	sadd.s32 s19, s18  }
0x9c: {  	s6 =	simm.s32 $0x0;
	s20 =	sshll.u32 s4, $0x1;
	s4 =	sadd.s32 s21, s2  }
0x9d: {  	[timem:s6], [sflag:s22] =	dma.local [hbm:s4], s20  }
0x9e: {  	_ =	swait.ge [sflag:s22], s20  }
0x9f: {  	s3 =	ssub.s32 $0x0, s20;
	[sflag:s22] =	ssyncset.done $0x0  }
0xa0: {  	[sflag:s22] =	ssyncadd.s32 s3;
	_ =	sdelay $0x1  }
0xa1: {  	s23 =	simm.s32 $0x1B8B  }
0xa2: {  	_ =	swait.ge [sflag:s23], $0x1  }
0xa3: {  	[sflag:s23] =	ssyncset.done $0x0  }
0xa4: {  	s25 =	simm.s32 $0x1B8E;
	s24 =	sld [smem:$0x3FFE];
	[sflag:s23] =	ssyncadd.s32 $0xFFFFFFFF  }
0xa5: {  	s26 =	simm.s32 $execute0_lowered;
	[smem:$0x3FD2] =	sst s25  }
0xa6: {  	s4 =	sshll.u32 s26, $0x1;
	_ =	strace $0x80000046;
	[dreg:$0x1] =	wrdreg $0xFFFFFFFF  }
0xa7: {  	s28 =	simm.s32 $_size_execute0_lowered;
	s2 =	sadd.s32 s2, s4;
	[dreg:$0x0] =	wrdreg $0x0  }
0xa8: {  	s4 =	sshll.u32 s28, $0x1;
	[dreg:$0x2] =	wrdreg s2  }
0xa9: {  	[dreg:$0x3] =	wrdreg s4  }
0xaa: {  	[dreg:$0x4] =	wrdreg $0xC0  }
0xab: {  	_ =	task [dreg:s6], $0x5FFFF  }
0xac: {  	[dreg:$0x1] =	wrdreg $0xFFFFFFFF  }
0xad: {  	[dreg:$0x0] =	wrdreg $0x60  }
0xae: {  	[dreg:$0x2] =	wrdreg s24  }
0xaf: {  	[dreg:$0x3] =	wrdreg $0x9  }
0xb0: {  	_ =	task.clear_ibuf [dreg:s6], $0x4FFFF;
	_ =	strace $0x90000046  }
0xb1: {  	s29 =	simm.s32 $0x9;
	_ =	strace $0x80000048  }
0xb2: {  	_ =	swait.ge [sflag:s29], $0x1  }
0xb3: {  	[sflag:s29] =	ssyncadd.s32 $0xFFFFFFFF  }
0xb4: {  	_ =	strace $0x90000048  }
0xb5: {  	_ =	sfence  }
0xb6: {  	s30 =	sld [smem:$0x0];
	_ =	sdelay $0x2  }
0xb7: {  	s31 =	sshll.u32 s1, $0xD;
	s1 =	sshrl.u32 s1, $0x2  }
0xb8: {  	s3 =	sand.u32 $0x4000, s31;
	s1 =	sadd.s32 s1, s30  }
0xb9: {  	s0 =	sor.u32 s3, s0;
	s1 =	sshll.u32 s1, $0x11  }
0xba: {  	s0 =	sor.u32 s1, s0  }
0xbb: {  	s0 =	sadd.s32 $0x8F2B, s0  }
0xbc: {  	[sflag:s0] =	ssyncadd.remote.s32 $0x1  }
0xbd: {  	_ =	sfence.sel $0xFFFF  }
0xbe: {  	[dreg:$0x0] =	wrdreg $0xFFFFFFFF;
	(pc) =	sbr.abs _section_cstart, $3  }
0xbf: {  	[dreg:$0x1] =	wrdreg $0xFFFFFFFF  }
0xc0: {  	_ =	task.clear_ibuf [dreg:s6], $0x2FFFF;
	_ =	strace $0x9FFFFFFF  }
0xc1: {  	(tm) =	ssettm $0x7FFFFFFF  }
tec
execute0_lowered:
.L_overlay_start_1:
0x0: {  	(tag) =	ssettag $0x1  }
0x1: {  	s0 =	srdreg.scid  }
0x2: {  	s1 =	stileid.u32;
	s6 =	rddreg [dreg:$0x0]  }
0x3: {  	s2 =	simm.s32 $0x0;
	s11 =	simm.s32 $0x5;
	s13 =	simm.s32 $0x1C0  }
0x4: {  	s14 =	simm.s32 $0x1548;
	s15 =	simm.s32 $0x28D0;
	s16 =	simm.s32 $0x3C58  }
0x5: {  	s17 =	simm.s32 $0x9E00;
	s18 =	simm.s32 $0x4FE0;
	s19 =	simm.s32 $0x6368  }
0x6: {  	s20 =	simm.s32 $0x76F0;
	s21 =	simm.s32 $0x8A78;
	s22 =	simm.s32 $0xEC30  }
0x7: {  	s23 =	simm.s32 $0x1;
	s24 =	simm.s32 $0x3;
	s25 =	simm.s32 $0x2  }
0x8: {  	s26 =	simm.s32 $0x4;
	s0 =	sand.u32 $0x1, s0;
	s1 =	sshll.u32 s1, $0x1  }
0x9: {  	s29 =	simm.s32 $0x0;
	[smem:$0x7FF] =	sst s2;
	s1 =	sor.u32 s0, s1  }
0xa: {  	s4 =	sadd.s32 $0x3E8600, s6;
	s0 =	ssub.s32 $0x2, s0;
	s3 =	smul.u32 $0xD0, s1  }
0xb: {  	_ =	strace $0x80000047;
	s1 =	smul.u32 $0x6, s1;
	s31 =	sshrl.u32 s0, $0x1  }
0xc: {  	s0 =	ssub.s32 s0, s31;
	s5 =	sshrl.u32 s3, $0x3;
	s8 =	smin.u32 s3, $0x18FC  }
0xd: {  	s1 =	sadd.s32 s1, s6;
	s10 =	smax.u32 s0, $0x1;
	s8 =	smul.u32 $0x271, s8  }
0xe: {  	v0 =	vimm.f32 $1.000000000e+00;
	vm0 =	vcmask $0x1F00;
	s7 =	sadd.s32 s5, s6;
	s5 =	sadd.s32 $0x600, s6;
	s9 =	sadd.s32 $0x2FBE00, s1  }
0xf: {  	v0 =	vsel vm0, $0x0, v0;
	s6 =	sadd.s32 $0x2FBA00, s7;
	s7 =	sadd.s32 $0x2FB600, s7;
	s8 =	sadd.s32 s4, s8  }
.LBB2_1:
0x10: {  	[tilespmem:s2], [sflag:$0x5] =	stream.linear.gather [hbm4b:s6+s2], $0xD0, $0x38;
	[tilespmem:$0x13A90] =	vst v63  }
0x11: {  	_ =	swait.ge [sflag:s11], $0xD0  }
0x12: {  	[sflag:s11] =	ssyncset.done $0x0  }
0x13: {  	s0 =	simm.s32 $0xE0;
	[sflag:s11] =	ssyncadd.s32 $0xFFFFFF30  }
0x14: {  	[tilespmem:s0], [sflag:$0x5] =	stream.linear.gather [hbm4b:s7+s2], $0xD0, $0x38;
	[tilespmem:$0x13A90] =	vst v63  }
0x15: {  	_ =	swait.ge [sflag:s11], $0xD0  }
0x16: {  	[sflag:s11] =	ssyncset.done $0x0  }
0x17: {  	[sflag:s11] =	ssyncadd.s32 $0xFFFFFF30  }
0x18: {  	v1 =	vld [tilespmem:$0x0];
	_ =	sdelay $0x4  }
0x19: {  	v1 =	vmul.u32 $0x1388, v1;
	_ =	sdelay $0x1  }
0x1a: {  	v1 =	vshrl.u32 v1, $0x3  }
0x1b: {  	v1 =	vadd.s32 s5, v1  }
0x1c: {  	(v2sf) =	vpush v1, $0x0;
	_ =	sdelay $0x1  }
0x1d: {  	(v2sf) =	vpush v1, $0x1;
	_ =	sdelay $0x1  }
0x1e: {  	(v2sf) =	vpush v1, $0x2;
	_ =	sdelay $0x1  }
0x1f: {  	(v2sf) =	vpush v1, $0x3;
	_ =	sdelay $0x8  }
0x20: {  	s1 =	spop (v2sf)  }
0x21: {  	[tilespmem:s13], [sflag:$0x1] =	stream.linear.gather [hbm4b:s1+s2], $0x1388, $0x38;
	[tilespmem:$0x13A90] =	vst v63  }
0x22: {  	s12 =	spop (v2sf)  }
0x23: {  	[tilespmem:s14], [sflag:$0x1] =	stream.linear.gather [hbm4b:s12+s2], $0x1388, $0x38;
	[tilespmem:$0x13A90] =	vst v63  }
0x24: {  	s28 =	spop (v2sf)  }
0x25: {  	[tilespmem:s15], [sflag:$0x1] =	stream.linear.gather [hbm4b:s28+s2], $0x1388, $0x38;
	[tilespmem:$0x13A90] =	vst v63  }
0x26: {  	s31 =	spop (v2sf)  }
0x27: {  	[tilespmem:s16], [sflag:$0x1] =	stream.linear.gather [hbm4b:s31+s2], $0x1388, $0x38;
	[tilespmem:$0x13A90] =	vst v63  }
0x28: {  	s30 =	simm.s32 $0x0  }
0x29: {  	v3 =	vimm.f32 $0.0e+00;
	v2 =	vimm.f32 $0.0e+00;
	v4 =	vimm.f32 $0.0e+00;
	[tilespmem:s17], [sflag:$0x3] =	stream.linear.gather [hbm4b:s8+s2], $0x4E20, $0x38;
	[tilespmem:$0x13A90] =	vst v63  }
.LBB2_2:
0x2a: {  	s31 =	sshll.u32 s30, $0x3  }
0x2b: {  	v1 =	vld [tilespmem:s31+$0x4];
	_ =	sdelay $0x4  }
0x2c: {  	v1 =	vmul.u32 $0x1388, v1;
	_ =	sdelay $0x1  }
0x2d: {  	v1 =	vshrl.u32 v1, $0x3  }
0x2e: {  	v1 =	vadd.s32 s5, v1  }
0x2f: {  	(v2sf) =	vpush v1, $0x0;
	_ =	sdelay $0x1  }
0x30: {  	(v2sf) =	vpush v1, $0x1;
	_ =	sdelay $0x1  }
0x31: {  	(v2sf) =	vpush v1, $0x2;
	_ =	sdelay $0x3  }
0x32: {  	(v2sf) =	vpush v1, $0x3;
	_ =	sdelay $0x6  }
0x33: {  	s12 =	simm.s32 $0x0;
	s0 =	spop (v2sf)  }
0x34: {  	[tilespmem:s18], [sflag:$0x2] =	stream.linear.gather [hbm4b:s0+s12], $0x1388, $0x38;
	[tilespmem:$0x13A90] =	vst v63  }
0x35: {  	s1 =	spop (v2sf)  }
0x36: {  	[tilespmem:s19], [sflag:$0x2] =	stream.linear.gather [hbm4b:s1+s12], $0x1388, $0x38;
	[tilespmem:$0x13A90] =	vst v63  }
0x37: {  	s28 =	spop (v2sf);
	s1 =	sor.u32 $0x4, s31  }
0x38: {  	[tilespmem:s20], [sflag:$0x2] =	stream.linear.gather [hbm4b:s28+s12], $0x1388, $0x38;
	[tilespmem:$0x13A90] =	vst v63  }
0x39: {  	s28 =	sadd.s32 s3, s1  }
0x3a: {  	[tilespmem:$0x1FFD0] =	vst v4;
	s0 =	smin.u32 s28, $0x18FC  }
0x3b: {  	[tilespmem:$0x1FFE0] =	vst v2;
	s28 =	spop (v2sf);
	s0 =	smul.u32 $0x271, s0  }
0x3c: {  	[tilespmem:s21], [sflag:$0x2] =	stream.linear.gather [hbm4b:s28+s12], $0x1388, $0x38;
	[tilespmem:$0x13A90] =	vst v63  }
0x3d: {  	[tilespmem:$0x1FFF0] =	vst v3;
	s0 =	sadd.s32 s4, s0  }
0x3e: {  	[tilespmem:s22], [sflag:$0x4] =	stream.linear.gather [hbm4b:s0+s12], $0x4E20, $0x38;
	[tilespmem:$0x13A90] =	vst v63  }
0x3f: {  	_ =	swait.ge [sflag:s23], $0x1388  }
0x40: {  	[sflag:s23] =	ssyncset.done $0x0  }
0x41: {  	[sflag:s23] =	ssyncadd.s32 $0xFFFFEC78  }
0x42: {  	_ =	swait.ge [sflag:s23], $0x1388  }
0x43: {  	[sflag:s23] =	ssyncset.done $0x0  }
0x44: {  	[sflag:s23] =	ssyncadd.s32 $0xFFFFEC78  }
0x45: {  	_ =	swait.ge [sflag:s23], $0x1388  }
0x46: {  	[sflag:s23] =	ssyncset.done $0x0  }
0x47: {  	[sflag:s23] =	ssyncadd.s32 $0xFFFFEC78  }
0x48: {  	_ =	swait.ge [sflag:s23], $0x1388  }
0x49: {  	[sflag:s23] =	ssyncset.done $0x0  }
0x4a: {  	[sflag:s23] =	ssyncadd.s32 $0xFFFFEC78  }
0x4b: {  	_ =	swait.ge [sflag:s24], $0x4E20  }
0x4c: {  	[sflag:s24] =	ssyncset.done $0x0  }
0x4d: {  	s28 =	simm.s32 $0x0;
	[sflag:s24] =	ssyncadd.s32 $0xFFFFB1E0  }
0x4e: {  	v1 =	vld [tilespmem:s28+$0x230]  }
0x4f: {  	v2 =	vld [tilespmem:s28+$0x1E0]  }
0x50: {  	v3 =	vld [tilespmem:s28+$0x1D0]  }
0x51: {  	s0 =	simm.s32 $0x80;
	v4 =	vld [tilespmem:s28+$0x1F0]  }
0x52: {  	v9 =	vld [tilespmem:s0+$0x1D0]  }
0x53: {  	v10 =	vld [tilespmem:s0+$0x1F0]  }
0x54: {  	v18 =	vld [tilespmem:s0+$0x1C0]  }
0x55: {  	v1 =	vmul.f32 $1.000000000e+01, v1;
	v2 =	vmul.f32 $1.000000000e+01, v2  }
0x56: {  	v5 =	vld [tilespmem:s28+$0x210];
	v3 =	vmul.f32 $1.000000000e+01, v3;
	v4 =	vmul.f32 $1.000000000e+01, v4  }
0x57: {  	v6 =	vld [tilespmem:s28+$0x200];
	v9 =	vmul.f32 $1.000000000e+01, v9;
	v1 =	vmul.f32 $1.442695020e+00, v1  }
0x58: {  	v7 =	vld [tilespmem:s28+$0x1C0];
	v10 =	vmul.f32 $1.000000000e+01, v10;
	v2 =	vmul.f32 $1.442695020e+00, v2  }
0x59: {  	v24 =	vmul.f32 $1.000000000e+01, v18;
	(erf) = vpow2.f32 v1;
	v1 =	vld [tilespmem:s28+$0x220]  }
0x5a: {  	(erf) = vpow2.f32 v2;
	v2 =	vmul.f32 $1.442695020e+00, v3  }
0x5b: {  	v9 =	vmul.f32 $1.442695020e+00, v9;
	v3 =	vmul.f32 $1.442695020e+00, v4  }
0x5c: {  	v4 =	vmul.f32 $1.000000000e+01, v5;
	(erf) = vpow2.f32 v2  }
0x5d: {  	v5 =	vmul.f32 $1.000000000e+01, v6;
	v2 =	vmul.f32 $1.000000000e+01, v7;
	v7 =	vld [tilespmem:s0+$0x230]  }
0x5e: {  	v8 =	vld [tilespmem:s0+$0x1E0];
	v4 =	vmul.f32 $1.442695020e+00, v4;
	v1 =	vmul.f32 $1.000000000e+01, v1  }
0x5f: {  	v6 =	vld [tilespmem:s28+$0x9E20];
	(erf) = vpow2.f32 v3;
	v3 =	vmul.f32 $1.442695020e+00, v2  }
0x60: {  	(erf) = vpow2.f32 v4;
	v1 =	vmul.f32 $1.442695020e+00, v1  }
0x61: {  	v12 =	vld [tilespmem:s28+$0x9E30];
	v4 =	vmul.f32 $1.442695020e+00, v5;
	(erf) = vpow2.f32 v3  }
0x62: {  	v3 =	vmul.f32 $1.000000000e+01, v7;
	v2 =	vpop (erf);
	(erf) = vpow2.f32 v1;
	v1 =	vld [tilespmem:s0+$0x210]  }
0x63: {  	v7 =	vmul.f32 $1.000000000e+01, v8;
	v8 =	vld [tilespmem:s0+$0x200];
	v5 =	vpop (erf);
	(erf) = vpow2.f32 v4  }
0x64: {  	v20 =	vld [tilespmem:s28+$0x9E50];
	v3 =	vmul.f32 $1.442695020e+00, v3;
	v6 =	vmul.f32 v5, v6  }
0x65: {  	v21 =	vimm.f32 $0.0e+00;
	v11 =	vld [tilespmem:s0+$0x220];
	v16 =	vmul.f32 $1.442695020e+00, v10;
	v19 =	vmul.f32 $1.442695020e+00, v7;
	v4 =	vpop (erf)  }
0x66: {  	v17 =	vld [tilespmem:s28+$0x9E70];
	v13 =	vadd.f32 v5, v21;
	(erf) = vpow2.f32 v3;
	v3 =	vadd.f32 v4, v21  }
0x67: {  	v15 =	vld [tilespmem:s28+$0x9E00];
	v5 =	vadd.f32 v6, v21;
	(erf) = vpow2.f32 v19;
	v10 =	vmul.f32 $1.000000000e+01, v1  }
0x68: {  	v18 =	vld [tilespmem:s28+$0x9E10];
	v14 =	vmul.f32 $1.000000000e+01, v8;
	v6 =	vpop (erf);
	(erf) = vpow2.f32 v9;
	v9 =	vimm.f32 $0.0e+00  }
0x69: {  	v19 =	vld [tilespmem:s28+$0x9E60];
	v1 =	vadd.f32 v6, v21;
	v6 =	vmul.f32 v6, v12;
	v12 =	vpop (erf);
	v23 =	vmul.f32 $1.442695020e+00, v10  }
0x6a: {  	v7 =	vld [tilespmem:s28+$0x9E40];
	v10 =	vimm.f32 $0.0e+00;
	v3 =	vadd.f32 v12, v3;
	v8 =	vmul.f32 v12, v20;
	v20 =	vpop (erf)  }
0x6b: {  	s12 =	simm.s32 $0x400;
	v12 =	vimm.f32 $0.0e+00;
	v1 =	vadd.f32 v2, v1;
	v21 =	vadd.f32 v6, v21;
	v6 =	vld [tilespmem:s0+$0x9E30];
	v22 =	vpop (erf)  }
.LBB2_3:
0x6c: {  	s28 =	sshra.s32 s12, $0x2;
	p0 =	sne.s32 s12, $0x4C00;
	s12 =	sadd.s32 $0x200, s12;
	v24 =	vmul.f32 $1.442695020e+00, v24;
	v25 =	vld [tilespmem:s0+$0x9E20];
	v13 =	vadd.f32 v22, v13;
	v27 =	vmul.f32 v2, v17;
	v17 =	vpop (erf)  }
0x6d: {  	v11 =	vmul.f32 $1.000000000e+01, v11;
	v12 =	vadd.f32 v20, v12;
	v26 =	vld [tilespmem:s28+$0x230];
	v15 =	vmul.f32 v20, v15  }
0x6e: {  	v20 =	vld [tilespmem:s28+$0x1E0];
	(erf) = vpow2.f32 v16;
	v16 =	vmul.f32 v22, v19;
	v21 =	vadd.f32 v27, v21  }
0x6f: {  	v12 =	vadd.f32 v17, v12;
	v19 =	vld [tilespmem:s28+$0x1D0];
	(erf) = vpow2.f32 v23;
	v2 =	vpop (erf);
	v4 =	vmul.f32 v4, v18  }
0x70: {  	v7 =	vmul.f32 v17, v7;
	v22 =	vmul.f32 $1.442695020e+00, v11;
	v10 =	vadd.f32 v15, v10;
	v18 =	vld [tilespmem:s28+$0x1F0]  }
0x71: {  	v14 =	vmul.f32 $1.442695020e+00, v14;
	v11 =	vld [tilespmem:s28+$0x220];
	(erf) = vpow2.f32 v24;
	v9 =	vadd.f32 v4, v9  }
0x72: {  	v5 =	vadd.f32 v16, v5;
	v23 =	vld [tilespmem:s28+$0x1C0];
	v24 =	vmul.f32 $1.000000000e+01, v26;
	v15 =	vpop (erf);
	(erf) = vpow2.f32 v22  }
0x73: {  	v10 =	vadd.f32 v7, v10;
	v22 =	vld [tilespmem:s28+$0x210];
	v17 =	vmul.f32 v15, v25;
	(erf) = vpow2.f32 v14  }
0x74: {  	v7 =	vmul.f32 $1.000000000e+01, v20;
	v9 =	vadd.f32 v8, v9;
	v14 =	vld [tilespmem:s28+$0x200];
	v16 =	vmul.f32 $1.442695020e+00, v24;
	v4 =	vpop (erf)  }
0x75: {  	v13 =	vadd.f32 v15, v13;
	v24 =	vmul.f32 $1.000000000e+01, v19;
	v18 =	vmul.f32 $1.000000000e+01, v18;
	v20 =	vld [tilespmem:s0+$0x9E50]  }
0x76: {  	v19 =	vmul.f32 $1.442695020e+00, v7;
	v3 =	vadd.f32 v4, v3;
	(erf) = vpow2.f32 v16;
	v7 =	vld [tilespmem:s0+$0x9E40]  }
.Ltmp0:
0x77: {  	v5 =	vadd.f32 v17, v5;
	v25 =	vmul.f32 $1.442695020e+00, v24;
	v16 =	vmul.f32 $1.442695020e+00, v18;
	v17 =	vld [tilespmem:s0+$0x9E70];
	v8 =	vpop (erf);
	(pc) =	sbr.rel @p0 .LBB2_3-.Ltmp0, $4  }
0x78: {  	v27 =	vmul.f32 $1.000000000e+01, v22;
	v15 =	vld [tilespmem:s0+$0x9E00];
	v1 =	vadd.f32 v8, v1;
	v26 =	vmul.f32 v8, v6;
	v6 =	vpop (erf)  }
0x79: {  	v14 =	vmul.f32 $1.000000000e+01, v14;
	(erf) = vpow2.f32 v19;
	v3 =	vadd.f32 v6, v3;
	v19 =	vld [tilespmem:s0+$0x9E60]  }
0x7a: {  	v24 =	vmul.f32 $1.000000000e+01, v23;
	v18 =	vld [tilespmem:s0+$0x9E10];
	v8 =	vmul.f32 v6, v20;
	v1 =	vadd.f32 v2, v1;
	v20 =	vpop (erf);
	s0 =	smov.u32 s28  }
0x7b: {  	v23 =	vmul.f32 $1.442695020e+00, v27;
	v21 =	vadd.f32 v26, v21;
	v6 =	vld [tilespmem:s0+$0x9E30];
	(erf) = vpow2.f32 v25;
	v22 =	vpop (erf)  }
0x7c: {  	v25 =	vld [tilespmem:s31+$0x0];
	_ =	sdelay $0x4  }
0x7d: {  	(v2sf) =	vpush v25, $0x0;
	_ =	sdelay $0x2  }
0x7e: {  	v26 =	vld [tilespmem:s0+$0x9E20];
	v11 =	vmul.f32 $1.000000000e+01, v11;
	(erf) = vpow2.f32 v16  }
0x7f: {  	v2 =	vmul.f32 v2, v17;
	v17 =	vld [tilespmem:s0+$0x9E60];
	(erf) = vpow2.f32 v23  }
0x80: {  	v16 =	vmul.f32 $1.442695020e+00, v24;
	s12 =	simm.s32 $0x0;
	v23 =	vld [tilespmem:s0+$0x9E50]  }
0x81: {  	v12 =	vadd.f32 v20, v12;
	v15 =	vmul.f32 v20, v15;
	v20 =	vld [tilespmem:s12+$0x15B8];
	v11 =	vmul.f32 $1.442695020e+00, v11  }
0x82: {  	v13 =	vadd.f32 v22, v13;
	v14 =	vmul.f32 $1.442695020e+00, v14;
	(erf) = vpow2.f32 v16;
	v16 =	vld [tilespmem:s0+$0x9E70];
	v25 =	vpop (erf)  }
0x83: {  	v19 =	vmul.f32 v22, v19;
	v2 =	vadd.f32 v2, v21;
	v21 =	vld [tilespmem:s0+$0x9E10];
	(erf) = vpow2.f32 v11;
	v27 =	vpop (erf)  }
0x84: {  	v22 =	vld [tilespmem:s12+$0x1558];
	v4 =	vmul.f32 v4, v18;
	v10 =	vadd.f32 v15, v10;
	v7 =	vmul.f32 v25, v7;
	v18 =	vpop (erf)  }
0x85: {  	v5 =	vadd.f32 v19, v5;
	(erf) = vpow2.f32 v14;
	v14 =	vld [tilespmem:s12+$0x1568];
	v19 =	vmul.f32 v18, v26  }
0x86: {  	v11 =	vld [tilespmem:s0+$0x9E00];
	v4 =	vadd.f32 v4, v9;
	v15 =	vpop (erf);
	v7 =	vadd.f32 v7, v10  }
0x87: {  	v20 =	vmul.f32 $1.000000000e+01, v20;
	v9 =	vpop (erf);
	v3 =	vadd.f32 v15, v3;
	v5 =	vadd.f32 v19, v5;
	v19 =	vld [tilespmem:s12+$0x1548]  }
0x88: {  	v6 =	vmul.f32 v9, v6;
	v10 =	vpop (erf);
	v1 =	vadd.f32 v9, v1;
	v9 =	vmul.f32 v15, v21;
	v15 =	vld [tilespmem:s31+$0xE0]  }
0x89: {  	v4 =	vadd.f32 v8, v4;
	v8 =	vmul.f32 v10, v23;
	v23 =	vld [tilespmem:s12+$0x1578]  }
0x8a: {  	v20 =	vmul.f32 $1.442695020e+00, v20;
	v56 =	vadd.f32 v10, v3;
	v10 =	vld [tilespmem:s12+$0x15A8];
	v14 =	vmul.f32 $1.000000000e+01, v14;
	s28 =	spop (v2sf)  }
0x8b: {  	v16 =	vmul.f32 v27, v16;
	v13 =	vadd.f32 v18, v13;
	v18 =	vpop (erf);
	v2 =	vadd.f32 v6, v2;
	v6 =	vld [tilespmem:s28+$0x9E00]  }
0x8c: {  	v12 =	vadd.f32 v25, v12;
	v26 =	vld [tilespmem:s12+$0x1598];
	(erf) = vpow2.f32 v20;
	v25 =	vpop (erf);
	v14 =	vmul.f32 $1.442695020e+00, v14  }
0x8d: {  	v24 =	vld [tilespmem:s0+$0x9E40];
	v11 =	vmul.f32 v18, v11;
	v17 =	vmul.f32 v25, v17  }
0x8e: {  	v54 =	vld [tilespmem:$0x1538];
	v58 =	vadd.f32 v27, v1;
	[tilespmem:$0x1FF90] =	vst v15;
	v15 =	vmul.f32 $1.000000000e+01, v22;
	(erf) = vpow2.f32 v14  }
0x8f: {  	v61 =	vadd.f32 v25, v13;
	v19 =	vmul.f32 $1.000000000e+01, v19;
	v14 =	vld [tilespmem:s12+$0x1588];
	v20 =	vmul.f32 $1.000000000e+01, v23  }
0x90: {  	v53 =	vld [tilespmem:$0xB178];
	s0 =	simm.s32 $0x80;
	v59 =	vadd.f32 v16, v2;
	v2 =	vmul.f32 $1.000000000e+01, v10;
	[tilespmem:$0x1FFA0] =	vst v6;
	v6 =	vmul.f32 $1.442695020e+00, v15  }
0x91: {  	v7 =	vadd.f32 v11, v7;
	v11 =	vld [tilespmem:s0+$0x1578];
	v3 =	vpop (erf);
	v13 =	vmul.f32 $1.442695020e+00, v20;
	v15 =	vmul.f32 $1.000000000e+01, v26  }
0x92: {  	v12 =	vadd.f32 v18, v12;
	v1 =	vmul.f32 v3, v24;
	(erf) = vpow2.f32 v6;
	v6 =	vld [tilespmem:s0+$0x15B8]  }
0x93: {  	v15 =	vmul.f32 $1.442695020e+00, v15;
	(erf) = vpow2.f32 v13;
	v13 =	vld [tilespmem:s0+$0x1558]  }
0x94: {  	v63 =	vadd.f32 v3, v12;
	v12 =	vmul.f32 $1.442695020e+00, v19;
	v20 =	vld [tilespmem:s12+$0xB1A8];
	v3 =	vmul.f32 $1.000000000e+01, v14  }
0x95: {  	v4 =	vadd.f32 v9, v4;
	v10 =	vld [tilespmem:s0+$0x1568];
	v14 =	vmul.f32 $1.442695020e+00, v2;
	(erf) = vpow2.f32 v15  }
0x96: {  	v9 =	vld [tilespmem:s12+$0xB1B8];
	v1 =	vadd.f32 v1, v7;
	v2 =	vpop (erf);
	v3 =	vmul.f32 $1.442695020e+00, v3;
	(erf) = vpow2.f32 v12  }
0x97: {  	v18 =	vld [tilespmem:s12+$0xB1D8];
	v62 =	vadd.f32 v17, v5;
	v15 =	vpop (erf);
	(erf) = vpow2.f32 v14;
	v5 =	vmul.f32 $1.000000000e+01, v6  }
0x98: {  	[tilespmem:$0x1FFB0] =	vst v1;
	v1 =	vld [tilespmem:s0+$0x1598];
	(erf) = vpow2.f32 v3;
	v3 =	vadd.f32 v8, v4;
	v14 =	vmul.f32 $1.000000000e+01, v13  }
0x99: {  	v16 =	vmul.f32 $1.000000000e+01, v11;
	v12 =	vld [tilespmem:s0+$0x1548];
	v7 =	vmul.f32 v15, v20  }
0x9a: {  	v4 =	vimm.f32 $0.0e+00;
	[tilespmem:$0x1FFC0] =	vst v3;
	v3 =	vmul.f32 $1.000000000e+01, v10;
	v10 =	vld [tilespmem:s0+$0x1588];
	v5 =	vmul.f32 $1.442695020e+00, v5  }
0x9b: {  	v17 =	vld [tilespmem:s12+$0xB1F8];
	v16 =	vmul.f32 $1.442695020e+00, v16;
	v13 =	vadd.f32 v15, v4;
	v21 =	vmul.f32 $1.442695020e+00, v14;
	v6 =	vpop (erf)  }
0x9c: {  	v11 =	vld [tilespmem:s0+$0x15A8];
	v3 =	vmul.f32 $1.442695020e+00, v3;
	(erf) = vpow2.f32 v5;
	v5 =	vadd.f32 v7, v4;
	v14 =	vpop (erf)  }
0x9d: {  	v8 =	vld [tilespmem:s12+$0xB1C8];
	v7 =	vmul.f32 $1.000000000e+01, v1;
	v19 =	vadd.f32 v6, v4;
	v22 =	vmul.f32 v14, v9  }
0x9e: {  	v15 =	vld [tilespmem:s12+$0xB188];
	v24 =	vmul.f32 $1.000000000e+01, v12;
	v1 =	vadd.f32 v14, v4;
	v9 =	vpop (erf);
	(erf) = vpow2.f32 v3  }
0x9f: {  	v23 =	vmul.f32 $1.442695020e+00, v7;
	v14 =	vmul.f32 $1.000000000e+01, v10;
	v3 =	vadd.f32 v9, v19;
	v19 =	vld [tilespmem:s12+$0xB1E8]  }
0xa0: {  	v12 =	vimm.f32 $0.0e+00;
	v9 =	vmul.f32 v9, v18;
	v18 =	vld [tilespmem:s12+$0xB198];
	v20 =	vpop (erf);
	(erf) = vpow2.f32 v21  }
0xa1: {  	v7 =	vld [tilespmem:s0+$0xB1B8];
	s12 =	simm.s32 $0x400;
	v10 =	vimm.f32 $0.0e+00;
	v1 =	vadd.f32 v2, v1;
	v21 =	vadd.f32 v22, v4;
	v22 =	vpop (erf)  }
.LBB2_5:
0xa2: {  	s28 =	sshra.s32 s12, $0x2;
	p0 =	sne.s32 s12, $0x4C00;
	s12 =	sadd.s32 $0x200, s12;
	v24 =	vmul.f32 $1.442695020e+00, v24;
	v25 =	vld [tilespmem:s0+$0xB1A8];
	v13 =	vadd.f32 v22, v13;
	v27 =	vmul.f32 v2, v17;
	v17 =	vpop (erf)  }
0xa3: {  	v11 =	vmul.f32 $1.000000000e+01, v11;
	v4 =	vadd.f32 v20, v4;
	v26 =	vld [tilespmem:s28+$0x15B8];
	v15 =	vmul.f32 v20, v15  }
0xa4: {  	v20 =	vld [tilespmem:s28+$0x1568];
	(erf) = vpow2.f32 v16;
	v16 =	vmul.f32 v22, v19;
	v21 =	vadd.f32 v27, v21  }
0xa5: {  	v4 =	vadd.f32 v17, v4;
	v19 =	vld [tilespmem:s28+$0x1558];
	(erf) = vpow2.f32 v23;
	v2 =	vpop (erf);
	v6 =	vmul.f32 v6, v18  }
0xa6: {  	v8 =	vmul.f32 v17, v8;
	v22 =	vmul.f32 $1.442695020e+00, v11;
	v12 =	vadd.f32 v15, v12;
	v18 =	vld [tilespmem:s28+$0x1578]  }
0xa7: {  	v14 =	vmul.f32 $1.442695020e+00, v14;
	v11 =	vld [tilespmem:s28+$0x15A8];
	(erf) = vpow2.f32 v24;
	v10 =	vadd.f32 v6, v10  }
0xa8: {  	v5 =	vadd.f32 v16, v5;
	v23 =	vld [tilespmem:s28+$0x1548];
	v24 =	vmul.f32 $1.000000000e+01, v26;
	v15 =	vpop (erf);
	(erf) = vpow2.f32 v22  }
0xa9: {  	v12 =	vadd.f32 v8, v12;
	v22 =	vld [tilespmem:s28+$0x1598];
	v17 =	vmul.f32 v15, v25;
	(erf) = vpow2.f32 v14  }
0xaa: {  	v8 =	vmul.f32 $1.000000000e+01, v20;
	v10 =	vadd.f32 v9, v10;
	v14 =	vld [tilespmem:s28+$0x1588];
	v16 =	vmul.f32 $1.442695020e+00, v24;
	v6 =	vpop (erf)  }
0xab: {  	v13 =	vadd.f32 v15, v13;
	v24 =	vmul.f32 $1.000000000e+01, v19;
	v18 =	vmul.f32 $1.000000000e+01, v18;
	v20 =	vld [tilespmem:s0+$0xB1D8]  }
0xac: {  	v19 =	vmul.f32 $1.442695020e+00, v8;
	v3 =	vadd.f32 v6, v3;
	(erf) = vpow2.f32 v16;
	v8 =	vld [tilespmem:s0+$0xB1C8]  }
.Ltmp1:
0xad: {  	v5 =	vadd.f32 v17, v5;
	v25 =	vmul.f32 $1.442695020e+00, v24;
	v16 =	vmul.f32 $1.442695020e+00, v18;
	v17 =	vld [tilespmem:s0+$0xB1F8];
	v9 =	vpop (erf);
	(pc) =	sbr.rel @p0 .LBB2_5-.Ltmp1, $4  }
0xae: {  	v27 =	vmul.f32 $1.000000000e+01, v22;
	v15 =	vld [tilespmem:s0+$0xB188];
	v1 =	vadd.f32 v9, v1;
	v26 =	vmul.f32 v9, v7;
	v7 =	vpop (erf)  }
0xaf: {  	v14 =	vmul.f32 $1.000000000e+01, v14;
	(erf) = vpow2.f32 v19;
	v3 =	vadd.f32 v7, v3;
	v19 =	vld [tilespmem:s0+$0xB1E8]  }
0xb0: {  	v24 =	vmul.f32 $1.000000000e+01, v23;
	v18 =	vld [tilespmem:s0+$0xB198];
	v9 =	vmul.f32 v7, v20;
	v1 =	vadd.f32 v2, v1;
	v20 =	vpop (erf);
	s0 =	smov.u32 s28  }
0xb1: {  	v23 =	vmul.f32 $1.442695020e+00, v27;
	v21 =	vadd.f32 v26, v21;
	v7 =	vld [tilespmem:s0+$0xB1B8];
	(erf) = vpow2.f32 v25;
	v22 =	vpop (erf)  }
0xb2: {  	s12 =	sor.u32 $0x1, s31  }
0xb3: {  	v25 =	vld [tilespmem:s12+$0x0];
	_ =	sdelay $0x3  }
0xb4: {  	v26 =	vld [tilespmem:s0+$0xB1A8]  }
0xb5: {  	(erf) = vpow2.f32 v16;
	v16 =	vmul.f32 $1.442695020e+00, v24;
	v24 =	vld [tilespmem:s0+$0xB1C8];
	(v2sf) =	vpush v25, $0x0  }
0xb6: {  	v2 =	vmul.f32 v2, v17;
	v17 =	vld [tilespmem:s0+$0xB1E8]  }
0xb7: {  	v11 =	vmul.f32 $1.000000000e+01, v11;
	(erf) = vpow2.f32 v23;
	v23 =	vld [tilespmem:s0+$0xB1D8];
	s12 =	simm.s32 $0x0  }
0xb8: {  	v4 =	vadd.f32 v20, v4;
	v15 =	vmul.f32 v20, v15;
	v19 =	vmul.f32 v22, v19;
	v20 =	vld [tilespmem:s12+$0x2940]  }
0xb9: {  	v13 =	vadd.f32 v22, v13;
	v22 =	vld [tilespmem:$0xC500]  }
0xba: {  	v11 =	vmul.f32 $1.442695020e+00, v11;
	v5 =	vadd.f32 v19, v5;
	v19 =	vld [tilespmem:$0x28C0]  }
0xbb: {  	(erf) = vpow2.f32 v16;
	v16 =	vld [tilespmem:s0+$0xB1F8]  }
0xbc: {  	v14 =	vmul.f32 $1.442695020e+00, v14;
	v2 =	vadd.f32 v2, v21;
	v21 =	vld [tilespmem:s0+$0xB198];
	(erf) = vpow2.f32 v11;
	v25 =	vpop (erf)  }
0xbd: {  	v6 =	vmul.f32 v6, v18;
	v11 =	vld [tilespmem:s0+$0xB188];
	v27 =	vpop (erf)  }
0xbe: {  	v12 =	vadd.f32 v15, v12;
	v8 =	vmul.f32 v25, v8;
	[tilespmem:$0x1FEE0] =	vst v22;
	v18 =	vpop (erf);
	(erf) = vpow2.f32 v14;
	v14 =	vld [tilespmem:s12+$0x28F0]  }
0xbf: {  	v6 =	vadd.f32 v6, v10;
	v22 =	vld [tilespmem:s12+$0x28E0];
	v20 =	vmul.f32 $1.000000000e+01, v20;
	[tilespmem:$0x1FED0] =	vst v19;
	v19 =	vmul.f32 v18, v26  }
0xc0: {  	v4 =	vadd.f32 v25, v4;
	v15 =	vpop (erf);
	v8 =	vadd.f32 v8, v12;
	v26 =	vld [tilespmem:s12+$0x2920]  }
0xc1: {  	v20 =	vmul.f32 $1.442695020e+00, v20;
	v10 =	vpop (erf);
	v3 =	vadd.f32 v15, v3;
	v5 =	vadd.f32 v19, v5;
	v19 =	vld [tilespmem:s12+$0x28D0]  }
0xc2: {  	v7 =	vmul.f32 v10, v7;
	v12 =	vpop (erf);
	v1 =	vadd.f32 v10, v1;
	v10 =	vmul.f32 v15, v21;
	v15 =	vld [tilespmem:s31+$0xE1]  }
0xc3: {  	v6 =	vadd.f32 v9, v6;
	v9 =	vmul.f32 v12, v23;
	v23 =	vld [tilespmem:s12+$0x2900];
	v14 =	vmul.f32 $1.000000000e+01, v14  }
0xc4: {  	v16 =	vmul.f32 v27, v16;
	v13 =	vadd.f32 v18, v13;
	v18 =	vpop (erf);
	v3 =	vadd.f32 v12, v3;
	v12 =	vld [tilespmem:s12+$0x2930];
	s28 =	spop (v2sf)  }
0xc5: {  	(erf) = vpow2.f32 v20;
	v25 =	vpop (erf);
	v2 =	vadd.f32 v7, v2;
	v14 =	vmul.f32 $1.442695020e+00, v14;
	v7 =	vld [tilespmem:s28+$0xB188]  }
0xc6: {  	v11 =	vmul.f32 v18, v11;
	v1 =	vadd.f32 v27, v1;
	v17 =	vmul.f32 v25, v17;
	[tilespmem:$0x1FF00] =	vst v3  }
0xc7: {  	v2 =	vadd.f32 v16, v2;
	[tilespmem:$0x1FEF0] =	vst v15;
	v15 =	vmul.f32 $1.000000000e+01, v22;
	(erf) = vpow2.f32 v14  }
0xc8: {  	v4 =	vadd.f32 v18, v4;
	[tilespmem:$0x1FF10] =	vst v1;
	v19 =	vmul.f32 $1.000000000e+01, v19;
	v3 =	vpop (erf);
	v14 =	vld [tilespmem:s12+$0x2910];
	v20 =	vmul.f32 $1.000000000e+01, v23  }
0xc9: {  	s0 =	simm.s32 $0x80;
	v13 =	vadd.f32 v25, v13;
	[tilespmem:$0x1FF40] =	vst v2;
	v2 =	vmul.f32 $1.000000000e+01, v12;
	v1 =	vmul.f32 v3, v24  }
0xca: {  	v18 =	vld [tilespmem:s0+$0x28D0];
	v8 =	vadd.f32 v11, v8;
	[tilespmem:$0x1FF20] =	vst v7;
	v7 =	vmul.f32 $1.442695020e+00, v15;
	v15 =	vmul.f32 $1.000000000e+01, v26  }
0xcb: {  	v11 =	vld [tilespmem:s0+$0x2900];
	[tilespmem:$0x1FF30] =	vst v13;
	v3 =	vadd.f32 v3, v4;
	v4 =	vmul.f32 $1.442695020e+00, v19;
	v13 =	vmul.f32 $1.442695020e+00, v20  }
0xcc: {  	v15 =	vmul.f32 $1.442695020e+00, v15;
	(erf) = vpow2.f32 v7;
	v7 =	vld [tilespmem:s0+$0x2940]  }
0xcd: {  	v20 =	vld [tilespmem:s12+$0xC530];
	[tilespmem:$0x1FF50] =	vst v3;
	v3 =	vmul.f32 $1.000000000e+01, v14;
	(erf) = vpow2.f32 v13  }
0xce: {  	v12 =	vld [tilespmem:s0+$0x28F0];
	v1 =	vadd.f32 v1, v8;
	v14 =	vmul.f32 $1.442695020e+00, v2;
	(erf) = vpow2.f32 v15  }
0xcf: {  	v24 =	vmul.f32 $1.000000000e+01, v18;
	v2 =	vpop (erf);
	v13 =	vld [tilespmem:s0+$0x28E0];
	(erf) = vpow2.f32 v4;
	v4 =	vadd.f32 v17, v5  }
0xd0: {  	v6 =	vadd.f32 v10, v6;
	[tilespmem:$0x1FF70] =	vst v1;
	v1 =	vld [tilespmem:s0+$0x2920];
	v3 =	vmul.f32 $1.442695020e+00, v3;
	v5 =	vpop (erf);
	(erf) = vpow2.f32 v14  }
0xd1: {  	v10 =	vld [tilespmem:s12+$0xC540];
	v14 =	vmul.f32 $1.000000000e+01, v11;
	[tilespmem:$0x1FF60] =	vst v4;
	v4 =	vmul.f32 $1.000000000e+01, v7  }
0xd2: {  	v18 =	vld [tilespmem:s12+$0xC520];
	v7 =	vmul.f32 v5, v20;
	(erf) = vpow2.f32 v3;
	v3 =	vadd.f32 v9, v6  }
0xd3: {  	v9 =	vld [tilespmem:s0+$0x2910];
	v16 =	vmul.f32 $1.442695020e+00, v14;
	v8 =	vmul.f32 $1.442695020e+00, v4;
	v4 =	vimm.f32 $0.0e+00  }
0xd4: {  	v20 =	vld [tilespmem:s12+$0xC560];
	[tilespmem:$0x1FF80] =	vst v3;
	v3 =	vmul.f32 $1.000000000e+01, v12;
	v12 =	vmul.f32 $1.000000000e+01, v13;
	v13 =	vadd.f32 v5, v4  }
0xd5: {  	v15 =	vld [tilespmem:s12+$0xC510];
	v5 =	vadd.f32 v7, v4;
	v7 =	vmul.f32 $1.000000000e+01, v1;
	v6 =	vpop (erf);
	(erf) = vpow2.f32 v8  }
0xd6: {  	v17 =	vld [tilespmem:s12+$0xC580];
	v3 =	vmul.f32 $1.442695020e+00, v3;
	v12 =	vmul.f32 $1.442695020e+00, v12;
	v19 =	vadd.f32 v6, v4;
	v14 =	vpop (erf)  }
0xd7: {  	v11 =	vld [tilespmem:s0+$0x2930];
	v23 =	vmul.f32 $1.442695020e+00, v7;
	v10 =	vmul.f32 v14, v10;
	v1 =	vadd.f32 v14, v4;
	v21 =	vpop (erf)  }
0xd8: {  	v14 =	vmul.f32 $1.000000000e+01, v9;
	(erf) = vpow2.f32 v3;
	v3 =	vadd.f32 v21, v19;
	v19 =	vld [tilespmem:s12+$0xC570]  }
0xd9: {  	v8 =	vld [tilespmem:s12+$0xC550];
	v9 =	vmul.f32 v21, v20;
	v20 =	vpop (erf);
	(erf) = vpow2.f32 v12;
	v12 =	vimm.f32 $0.0e+00  }
0xda: {  	v7 =	vld [tilespmem:s0+$0xC540];
	s12 =	simm.s32 $0x400;
	v1 =	vadd.f32 v2, v1;
	v21 =	vadd.f32 v10, v4;
	v22 =	vpop (erf);
	v10 =	vimm.f32 $0.0e+00  }
.LBB2_7:
0xdb: {  	s28 =	sshra.s32 s12, $0x2;
	p0 =	sne.s32 s12, $0x4C00;
	s12 =	sadd.s32 $0x200, s12;
	v24 =	vmul.f32 $1.442695020e+00, v24;
	v25 =	vld [tilespmem:s0+$0xC530];
	v13 =	vadd.f32 v22, v13;
	v27 =	vmul.f32 v2, v17;
	v17 =	vpop (erf)  }
0xdc: {  	v11 =	vmul.f32 $1.000000000e+01, v11;
	v4 =	vadd.f32 v20, v4;
	v26 =	vld [tilespmem:s28+$0x2940];
	v15 =	vmul.f32 v20, v15  }
0xdd: {  	v20 =	vld [tilespmem:s28+$0x28F0];
	(erf) = vpow2.f32 v16;
	v16 =	vmul.f32 v22, v19;
	v21 =	vadd.f32 v27, v21  }
0xde: {  	v4 =	vadd.f32 v17, v4;
	v19 =	vld [tilespmem:s28+$0x28E0];
	(erf) = vpow2.f32 v23;
	v2 =	vpop (erf);
	v6 =	vmul.f32 v6, v18  }
0xdf: {  	v8 =	vmul.f32 v17, v8;
	v22 =	vmul.f32 $1.442695020e+00, v11;
	v12 =	vadd.f32 v15, v12;
	v18 =	vld [tilespmem:s28+$0x2900]  }
0xe0: {  	v14 =	vmul.f32 $1.442695020e+00, v14;
	v11 =	vld [tilespmem:s28+$0x2930];
	(erf) = vpow2.f32 v24;
	v10 =	vadd.f32 v6, v10  }
0xe1: {  	v5 =	vadd.f32 v16, v5;
	v23 =	vld [tilespmem:s28+$0x28D0];
	v24 =	vmul.f32 $1.000000000e+01, v26;
	v15 =	vpop (erf);
	(erf) = vpow2.f32 v22  }
0xe2: {  	v12 =	vadd.f32 v8, v12;
	v22 =	vld [tilespmem:s28+$0x2920];
	v17 =	vmul.f32 v15, v25;
	(erf) = vpow2.f32 v14  }
0xe3: {  	v8 =	vmul.f32 $1.000000000e+01, v20;
	v10 =	vadd.f32 v9, v10;
	v14 =	vld [tilespmem:s28+$0x2910];
	v16 =	vmul.f32 $1.442695020e+00, v24;
	v6 =	vpop (erf)  }
0xe4: {  	v13 =	vadd.f32 v15, v13;
	v24 =	vmul.f32 $1.000000000e+01, v19;
	v18 =	vmul.f32 $1.000000000e+01, v18;
	v20 =	vld [tilespmem:s0+$0xC560]  }
0xe5: {  	v19 =	vmul.f32 $1.442695020e+00, v8;
	v3 =	vadd.f32 v6, v3;
	(erf) = vpow2.f32 v16;
	v8 =	vld [tilespmem:s0+$0xC550]  }
.Ltmp2:
0xe6: {  	v5 =	vadd.f32 v17, v5;
	v25 =	vmul.f32 $1.442695020e+00, v24;
	v16 =	vmul.f32 $1.442695020e+00, v18;
	v17 =	vld [tilespmem:s0+$0xC580];
	v9 =	vpop (erf);
	(pc) =	sbr.rel @p0 .LBB2_7-.Ltmp2, $4  }
0xe7: {  	v27 =	vmul.f32 $1.000000000e+01, v22;
	v15 =	vld [tilespmem:s0+$0xC510];
	v1 =	vadd.f32 v9, v1;
	v26 =	vmul.f32 v9, v7;
	v7 =	vpop (erf)  }
0xe8: {  	v14 =	vmul.f32 $1.000000000e+01, v14;
	(erf) = vpow2.f32 v19;
	v3 =	vadd.f32 v7, v3;
	v19 =	vld [tilespmem:s0+$0xC570]  }
0xe9: {  	v24 =	vmul.f32 $1.000000000e+01, v23;
	v18 =	vld [tilespmem:s0+$0xC520];
	v9 =	vmul.f32 v7, v20;
	v1 =	vadd.f32 v2, v1;
	v20 =	vpop (erf);
	s0 =	smov.u32 s28  }
0xea: {  	v23 =	vmul.f32 $1.442695020e+00, v27;
	v21 =	vadd.f32 v26, v21;
	v7 =	vld [tilespmem:s0+$0xC540];
	(erf) = vpow2.f32 v25;
	v22 =	vpop (erf)  }
0xeb: {  	s12 =	sor.u32 $0x2, s31  }
0xec: {  	v25 =	vld [tilespmem:s12+$0x0];
	_ =	sdelay $0x4  }
0xed: {  	v26 =	vld [tilespmem:s0+$0xC530];
	(erf) = vpow2.f32 v16;
	(v2sf) =	vpush v25, $0x0  }
0xee: {  	v16 =	vmul.f32 $1.442695020e+00, v24;
	v2 =	vmul.f32 v2, v17;
	v17 =	vld [tilespmem:s0+$0xC570]  }
0xef: {  	(erf) = vpow2.f32 v23;
	v23 =	vld [tilespmem:s0+$0xC560]  }
0xf0: {  	(erf) = vpow2.f32 v16;
	v16 =	vld [tilespmem:s0+$0xC580];
	v19 =	vmul.f32 v22, v19  }
0xf1: {  	v11 =	vmul.f32 $1.000000000e+01, v11;
	v13 =	vadd.f32 v22, v13;
	v22 =	vld [tilespmem:$0xD888]  }
0xf2: {  	s12 =	simm.s32 $0x0;
	v5 =	vadd.f32 v19, v5;
	v19 =	vld [tilespmem:$0x3C48]  }
0xf3: {  	v4 =	vadd.f32 v20, v4;
	v15 =	vmul.f32 v20, v15;
	v11 =	vmul.f32 $1.442695020e+00, v11;
	v20 =	vld [tilespmem:s12+$0x3CC8]  }
0xf4: {  	v14 =	vmul.f32 $1.442695020e+00, v14;
	v2 =	vadd.f32 v2, v21;
	v21 =	vld [tilespmem:s0+$0xC520];
	v25 =	vpop (erf)  }
0xf5: {  	v6 =	vmul.f32 v6, v18;
	(erf) = vpow2.f32 v11;
	v11 =	vld [tilespmem:s0+$0xC510];
	v27 =	vpop (erf)  }
0xf6: {  	v12 =	vadd.f32 v15, v12;
	v8 =	vmul.f32 v25, v8;
	[tilespmem:$0x1FE20] =	vst v22;
	v22 =	vld [tilespmem:s12+$0x3C68];
	v18 =	vpop (erf)  }
0xf7: {  	v6 =	vadd.f32 v6, v10;
	(erf) = vpow2.f32 v14;
	v14 =	vld [tilespmem:s12+$0x3C78];
	[tilespmem:$0x1FE10] =	vst v19;
	v19 =	vmul.f32 v18, v26  }
0xf8: {  	v4 =	vadd.f32 v25, v4;
	v15 =	vpop (erf);
	v8 =	vadd.f32 v8, v12;
	v26 =	vld [tilespmem:s12+$0x3CA8]  }
0xf9: {  	v20 =	vmul.f32 $1.000000000e+01, v20;
	v10 =	vpop (erf);
	v3 =	vadd.f32 v15, v3;
	v5 =	vadd.f32 v19, v5;
	v19 =	vld [tilespmem:s12+$0x3C58]  }
0xfa: {  	v7 =	vmul.f32 v10, v7;
	v12 =	vpop (erf);
	v1 =	vadd.f32 v10, v1;
	v10 =	vmul.f32 v15, v21;
	v15 =	vld [tilespmem:s31+$0xE2]  }
0xfb: {  	v6 =	vadd.f32 v9, v6;
	v20 =	vmul.f32 $1.442695020e+00, v20;
	v9 =	vmul.f32 v12, v23;
	v23 =	vld [tilespmem:s12+$0x3C88]  }
0xfc: {  	v16 =	vmul.f32 v27, v16;
	v3 =	vadd.f32 v12, v3;
	v12 =	vld [tilespmem:s12+$0x3CB8];
	v14 =	vmul.f32 $1.000000000e+01, v14;
	s28 =	spop (v2sf)  }
0xfd: {  	v13 =	vadd.f32 v18, v13;
	(erf) = vpow2.f32 v20;
	v18 =	vpop (erf);
	v2 =	vadd.f32 v7, v2;
	v7 =	vld [tilespmem:s28+$0xC510]  }
0xfe: {  	v24 =	vld [tilespmem:s0+$0xC550];
	v25 =	vpop (erf);
	v11 =	vmul.f32 v18, v11;
	v1 =	vadd.f32 v27, v1;
	[tilespmem:$0x1FE40] =	vst v3;
	v14 =	vmul.f32 $1.442695020e+00, v14  }
0xff: {  	v17 =	vmul.f32 v25, v17;
	v2 =	vadd.f32 v16, v2;
	[tilespmem:$0x1FE30] =	vst v15;
	v15 =	vmul.f32 $1.000000000e+01, v22  }
0x100: {  	[tilespmem:$0x1FE50] =	vst v1;
	v19 =	vmul.f32 $1.000000000e+01, v19;
	(erf) = vpow2.f32 v14  }
0x101: {  	v13 =	vadd.f32 v25, v13;
	v1 =	vld [tilespmem:s12+$0x3C98];
	v20 =	vmul.f32 $1.000000000e+01, v23;
	[tilespmem:$0x1FE80] =	vst v2;
	v2 =	vmul.f32 $1.000000000e+01, v12  }
0x102: {  	s0 =	simm.s32 $0x80;
	v4 =	vadd.f32 v18, v4;
	v3 =	vpop (erf);
	[tilespmem:$0x1FE60] =	vst v7;
	v7 =	vmul.f32 $1.442695020e+00, v15;
	v15 =	vmul.f32 $1.000000000e+01, v26  }
0x103: {  	v8 =	vadd.f32 v11, v8;
	v11 =	vld [tilespmem:s0+$0x3C88];
	[tilespmem:$0x1FE70] =	vst v13;
	v14 =	vmul.f32 v3, v24;
	v13 =	vmul.f32 $1.442695020e+00, v20  }
0x104: {  	v3 =	vadd.f32 v3, v4;
	v15 =	vmul.f32 $1.442695020e+00, v15;
	(erf) = vpow2.f32 v7;
	v7 =	vld [tilespmem:s0+$0x3CC8]  }
0x105: {  	v16 =	vld [tilespmem:s0+$0x3C58];
	v4 =	vmul.f32 $1.442695020e+00, v19;
	(erf) = vpow2.f32 v13  }
0x106: {  	v12 =	vld [tilespmem:s0+$0x3C78];
	[tilespmem:$0x1FE90] =	vst v3;
	v3 =	vmul.f32 $1.000000000e+01, v1;
	(erf) = vpow2.f32 v15  }
0x107: {  	v2 =	vmul.f32 $1.442695020e+00, v2;
	v1 =	vpop (erf);
	v13 =	vld [tilespmem:s0+$0x3C68];
	(erf) = vpow2.f32 v4;
	v4 =	vadd.f32 v17, v5  }
0x108: {  	v6 =	vadd.f32 v10, v6;
	v20 =	vld [tilespmem:s12+$0xD8B8];
	v11 =	vmul.f32 $1.000000000e+01, v11;
	v3 =	vmul.f32 $1.442695020e+00, v3  }
0x109: {  	v10 =	vld [tilespmem:s12+$0xD8C8];
	[tilespmem:$0x1FEA0] =	vst v4;
	v4 =	vmul.f32 $1.000000000e+01, v7;
	v7 =	vpop (erf);
	(erf) = vpow2.f32 v2;
	v2 =	vadd.f32 v14, v8  }
0x10a: {  	v18 =	vld [tilespmem:s12+$0xD8E8];
	v24 =	vmul.f32 $1.000000000e+01, v16;
	v22 =	vmul.f32 $1.442695020e+00, v11  }
0x10b: {  	(erf) = vpow2.f32 v3;
	v3 =	vadd.f32 v9, v6;
	v6 =	vmul.f32 $1.000000000e+01, v12;
	[tilespmem:$0x1FEB0] =	vst v2;
	v2 =	vld [tilespmem:s0+$0x3CA8]  }
0x10c: {  	v9 =	vld [tilespmem:s0+$0x3C98];
	v13 =	vmul.f32 $1.000000000e+01, v13;
	v4 =	vmul.f32 $1.442695020e+00, v4  }
0x10d: {  	v16 =	vld [tilespmem:s12+$0xD8A8];
	v8 =	vmul.f32 v7, v20;
	[tilespmem:$0x1FEC0] =	vst v3;
	v3 =	vimm.f32 $0.0e+00;
	v17 =	vmul.f32 $1.442695020e+00, v6  }
0x10e: {  	v15 =	vld [tilespmem:s0+$0x3CB8];
	v19 =	vmul.f32 $1.442695020e+00, v13;
	v5 =	vpop (erf);
	v12 =	vadd.f32 v7, v3;
	(erf) = vpow2.f32 v4  }
0x10f: {  	v14 =	vld [tilespmem:s12+$0xD908];
	v6 =	vadd.f32 v8, v3;
	v4 =	vadd.f32 v5, v3;
	v11 =	vpop (erf);
	(erf) = vpow2.f32 v17  }
0x110: {  	v13 =	vld [tilespmem:s12+$0xD898];
	v10 =	vmul.f32 v11, v10;
	v8 =	vmul.f32 $1.000000000e+01, v2;
	v2 =	vadd.f32 v11, v3;
	v11 =	vpop (erf)  }
0x111: {  	v17 =	vld [tilespmem:s12+$0xD8F8];
	v21 =	vmul.f32 $1.000000000e+01, v9;
	(erf) = vpow2.f32 v19;
	v4 =	vadd.f32 v11, v4  }
0x112: {  	v7 =	vld [tilespmem:s12+$0xD8D8];
	v9 =	vmul.f32 v11, v18;
	v18 =	vpop (erf);
	v19 =	vadd.f32 v10, v3;
	v11 =	vimm.f32 $0.0e+00  }
0x113: {  	s12 =	simm.s32 $0x400;
	v10 =	vimm.f32 $0.0e+00;
	v2 =	vadd.f32 v1, v2;
	v23 =	vmul.f32 $1.442695020e+00, v8;
	v8 =	vld [tilespmem:s0+$0xD8C8];
	v20 =	vpop (erf)  }
.LBB2_9:
0x114: {  	s28 =	sshra.s32 s12, $0x2;
	p0 =	sne.s32 s12, $0x4C00;
	s12 =	sadd.s32 $0x200, s12;
	v24 =	vmul.f32 $1.442695020e+00, v24;
	v25 =	vld [tilespmem:s0+$0xD8B8];
	v12 =	vadd.f32 v20, v12;
	v27 =	vmul.f32 v1, v14;
	v14 =	vpop (erf)  }
0x115: {  	v15 =	vmul.f32 $1.000000000e+01, v15;
	v3 =	vadd.f32 v18, v3;
	v26 =	vld [tilespmem:s28+$0x3CC8];
	v13 =	vmul.f32 v18, v13  }
0x116: {  	v18 =	vld [tilespmem:s28+$0x3C78];
	(erf) = vpow2.f32 v22;
	v17 =	vmul.f32 v20, v17;
	v19 =	vadd.f32 v27, v19  }
0x117: {  	v3 =	vadd.f32 v14, v3;
	v20 =	vld [tilespmem:s28+$0x3C68];
	(erf) = vpow2.f32 v23;
	v1 =	vpop (erf);
	v5 =	vmul.f32 v5, v16  }
0x118: {  	v7 =	vmul.f32 v14, v7;
	v22 =	vmul.f32 $1.442695020e+00, v15;
	v11 =	vadd.f32 v13, v11;
	v16 =	vld [tilespmem:s28+$0x3C88]  }
0x119: {  	v13 =	vmul.f32 $1.442695020e+00, v21;
	v15 =	vld [tilespmem:s28+$0x3CB8];
	(erf) = vpow2.f32 v24;
	v10 =	vadd.f32 v5, v10  }
0x11a: {  	v6 =	vadd.f32 v17, v6;
	v23 =	vld [tilespmem:s28+$0x3C58];
	v24 =	vmul.f32 $1.000000000e+01, v26;
	v14 =	vpop (erf);
	(erf) = vpow2.f32 v22  }
0x11b: {  	v11 =	vadd.f32 v7, v11;
	v17 =	vld [tilespmem:s28+$0x3CA8];
	v21 =	vmul.f32 v14, v25;
	(erf) = vpow2.f32 v13  }
0x11c: {  	v7 =	vmul.f32 $1.000000000e+01, v18;
	v10 =	vadd.f32 v9, v10;
	v18 =	vld [tilespmem:s28+$0x3C98];
	v13 =	vmul.f32 $1.442695020e+00, v24;
	v5 =	vpop (erf)  }
0x11d: {  	v12 =	vadd.f32 v14, v12;
	v26 =	vmul.f32 $1.000000000e+01, v20;
	v16 =	vmul.f32 $1.000000000e+01, v16;
	v20 =	vld [tilespmem:s0+$0xD8E8]  }
0x11e: {  	v24 =	vmul.f32 $1.442695020e+00, v7;
	v4 =	vadd.f32 v5, v4;
	(erf) = vpow2.f32 v13;
	v7 =	vld [tilespmem:s0+$0xD8D8]  }
.Ltmp3:
0x11f: {  	v6 =	vadd.f32 v21, v6;
	v25 =	vmul.f32 $1.442695020e+00, v26;
	v22 =	vmul.f32 $1.442695020e+00, v16;
	v14 =	vld [tilespmem:s0+$0xD908];
	v9 =	vpop (erf);
	(pc) =	sbr.rel @p0 .LBB2_9-.Ltmp3, $4  }
0x120: {  	v26 =	vmul.f32 $1.000000000e+01, v17;
	v13 =	vld [tilespmem:s0+$0xD898];
	v2 =	vadd.f32 v9, v2;
	v27 =	vmul.f32 v9, v8;
	v8 =	vpop (erf)  }
0x121: {  	v21 =	vmul.f32 $1.000000000e+01, v18;
	(erf) = vpow2.f32 v24;
	v4 =	vadd.f32 v8, v4;
	v17 =	vld [tilespmem:s0+$0xD8F8]  }
0x122: {  	v24 =	vmul.f32 $1.000000000e+01, v23;
	v16 =	vld [tilespmem:s0+$0xD8A8];
	v9 =	vmul.f32 v8, v20;
	v2 =	vadd.f32 v1, v2;
	v18 =	vpop (erf);
	s0 =	smov.u32 s28  }
0x123: {  	v23 =	vmul.f32 $1.442695020e+00, v26;
	v19 =	vadd.f32 v27, v19;
	v8 =	vld [tilespmem:s0+$0xD8C8];
	(erf) = vpow2.f32 v25;
	v20 =	vpop (erf)  }
0x124: {  	s12 =	smin.u32 s31, $0xC4  }
0x125: {  	s28 =	sor.u32 $0x3, s31;
	v25 =	vld [tilespmem:s12+$0x8]  }
0x126: {  	v26 =	vld [tilespmem:s28+$0x0];
	_ =	sdelay $0x4  }
0x127: {  	v25 =	vmul.u32 $0x1388, v25;
	(v2sf) =	vpush v26, $0x0;
	_ =	sdelay $0x1  }
0x128: {  	v25 =	vshrl.u32 v25, $0x3  }
0x129: {  	v25 =	vadd.s32 s5, v25  }
0x12a: {  	(v2sf) =	vpush v25, $0x0;
	_ =	sdelay $0x1  }
0x12b: {  	(erf) = vpow2.f32 v22;
	v22 =	vld [tilespmem:$0xEC10];
	(v2sf) =	vpush v25, $0x1;
	_ =	sdelay $0x1  }
0x12c: {  	v27 =	vld [tilespmem:s0+$0xD8E8];
	(v2sf) =	vpush v25, $0x2  }
0x12d: {  	v28 =	vld [tilespmem:s0+$0xD8D8]  }
0x12e: {  	v29 =	vld [tilespmem:s0+$0xD908];
	(v2sf) =	vpush v25, $0x3  }
0x12f: {  	[tilespmem:$0x1FD60] =	vst v22;
	v22 =	vld [tilespmem:s31+$0xE3]  }
0x130: {  	v30 =	vld [tilespmem:s0+$0xD8F8]  }
0x131: {  	v31 =	vld [tilespmem:s0+$0xD8A8]  }
0x132: {  	v15 =	vmul.f32 $1.000000000e+01, v15;
	v26 =	vld [tilespmem:s0+$0xD8B8]  }
0x133: {  	v24 =	vmul.f32 $1.442695020e+00, v24;
	v25 =	vld [tilespmem:s0+$0xD898];
	s0 =	spop (v2sf)  }
0x134: {  	(erf) = vpow2.f32 v23;
	v15 =	vmul.f32 $1.442695020e+00, v15;
	[tilespmem:$0x1FD70] =	vst v22;
	v22 =	vld [tilespmem:s0+$0xD898]  }
0x135: {  	v21 =	vmul.f32 $1.442695020e+00, v21;
	(erf) = vpow2.f32 v24  }
0x136: {  	(erf) = vpow2.f32 v15  }
0x137: {  	s12 =	sadd.s32 $0x8, s12;
	(erf) = vpow2.f32 v21;
	s0 =	simm.s32 $0x0;
	s28 =	spop (v2sf)  }
0x138: {  	v32 =	vld [tilespmem:$0x4FD0];
	v15 =	vpop (erf);
	[tilespmem:s13], [sflag:$0x1] =	stream.linear.gather [hbm4b:s28+s0], $0x1388, $0x38  }
0x139: {  	s12 =	sadd.s32 s3, s12;
	v21 =	vpop (erf);
	s28 =	spop (v2sf);
	[tilespmem:$0x1FD80] =	vst v22  }
0x13a: {  	v22 =	vpop (erf);
	[tilespmem:s14], [sflag:$0x1] =	stream.linear.gather [hbm4b:s28+s0], $0x1388, $0x38;
	[tilespmem:$0x13A90] =	vst v63  }
0x13b: {  	s12 =	smin.u32 s12, $0x18FC;
	s28 =	spop (v2sf);
	v23 =	vpop (erf)  }
0x13c: {  	v24 =	vpop (erf);
	[tilespmem:s15], [sflag:$0x1] =	stream.linear.gather [hbm4b:s28+s0], $0x1388, $0x38;
	[tilespmem:$0x13A90] =	vst v63  }
0x13d: {  	s12 =	smul.u32 $0x271, s12;
	v60 =	vpop (erf);
	s28 =	spop (v2sf)  }
0x13e: {  	v33 =	vpop (erf);
	[tilespmem:s16], [sflag:$0x1] =	stream.linear.gather [hbm4b:s28+s0], $0x1388, $0x38;
	[tilespmem:$0x13A90] =	vst v63  }
0x13f: {  	[tilespmem:$0x1FD50] =	vst v32;
	s12 =	sadd.s32 s4, s12;
	v34 =	vpop (erf)  }
0x140: {  	v35 =	vpop (erf);
	[tilespmem:s17], [sflag:$0x3] =	stream.linear.gather [hbm4b:s12+s0], $0x4E20, $0x38;
	[tilespmem:$0x13A90] =	vst v63  }
0x141: {  	_ =	swait.ge [sflag:s25], $0x1388  }
0x142: {  	[sflag:s25] =	ssyncset.done $0x0  }
0x143: {  	[sflag:s25] =	ssyncadd.s32 $0xFFFFEC78  }
0x144: {  	_ =	swait.ge [sflag:s25], $0x1388  }
0x145: {  	[sflag:s25] =	ssyncset.done $0x0  }
0x146: {  	[sflag:s25] =	ssyncadd.s32 $0xFFFFEC78  }
0x147: {  	_ =	swait.ge [sflag:s25], $0x1388  }
0x148: {  	[sflag:s25] =	ssyncset.done $0x0  }
0x149: {  	[sflag:s25] =	ssyncadd.s32 $0xFFFFEC78  }
0x14a: {  	_ =	swait.ge [sflag:s25], $0x1388  }
0x14b: {  	[sflag:s25] =	ssyncset.done $0x0  }
0x14c: {  	[sflag:s25] =	ssyncadd.s32 $0xFFFFEC78  }
0x14d: {  	_ =	swait.ge [sflag:s26], $0x4E20  }
0x14e: {  	v1 =	vmul.f32 v1, v14;
	v12 =	vadd.f32 v20, v12;
	v13 =	vmul.f32 v18, v13;
	[sflag:s26] =	ssyncset.done $0x0  }
0x14f: {  	v3 =	vadd.f32 v18, v3;
	v17 =	vmul.f32 v20, v17;
	v5 =	vmul.f32 v5, v16;
	s28 =	simm.s32 $0x0;
	[sflag:s26] =	ssyncadd.s32 $0xFFFFB1E0  }
0x150: {  	v1 =	vadd.f32 v1, v19;
	v11 =	vadd.f32 v13, v11;
	v14 =	vld [tilespmem:s28+$0x5050]  }
0x151: {  	v6 =	vadd.f32 v17, v6;
	v5 =	vadd.f32 v5, v10;
	v7 =	vmul.f32 v15, v7;
	v16 =	vld [tilespmem:s28+$0x5000]  }
0x152: {  	v3 =	vadd.f32 v15, v3;
	v2 =	vadd.f32 v24, v2  }
0x153: {  	v5 =	vadd.f32 v9, v5;
	v7 =	vadd.f32 v7, v11;
	v10 =	vmul.f32 v22, v26  }
0x154: {  	v12 =	vadd.f32 v22, v12;
	v20 =	vmul.f32 v23, v31;
	v2 =	vadd.f32 v21, v2;
	v11 =	vld [tilespmem:s28+$0x4FF0]  }
0x155: {  	v4 =	vadd.f32 v23, v4;
	v8 =	vmul.f32 v24, v8;
	v15 =	vld [tilespmem:s28+$0x5010];
	v13 =	vmul.f32 $1.000000000e+01, v14  }
0x156: {  	v6 =	vadd.f32 v10, v6;
	v9 =	vmul.f32 v60, v27;
	[tilespmem:$0x1FDA0] =	vst v2;
	v2 =	vld [tilespmem:s28+$0x5020];
	v16 =	vmul.f32 $1.000000000e+01, v16  }
0x157: {  	v17 =	vmul.f32 v33, v25;
	v3 =	vadd.f32 v33, v3;
	v18 =	vld [tilespmem:s28+$0x5030];
	v13 =	vmul.f32 $1.442695020e+00, v13  }
0x158: {  	v4 =	vadd.f32 v60, v4;
	v10 =	vmul.f32 v34, v30;
	v19 =	vld [tilespmem:s28+$0x4FE0];
	v16 =	vmul.f32 $1.442695020e+00, v16  }
0x159: {  	v3 =	vadd.f32 v35, v3;
	v14 =	vmul.f32 v21, v29;
	(erf) = vpow2.f32 v13  }
0x15a: {  	v1 =	vadd.f32 v8, v1;
	[tilespmem:$0x1FD90] =	vst v4;
	v4 =	vld [tilespmem:s28+$0x5040];
	v11 =	vmul.f32 $1.000000000e+01, v11;
	(erf) = vpow2.f32 v16  }
0x15b: {  	v12 =	vadd.f32 v34, v12;
	[tilespmem:$0x1FDD0] =	vst v3;
	v15 =	vmul.f32 $1.000000000e+01, v15;
	v3 =	vmul.f32 $1.000000000e+01, v2  }
0x15c: {  	s0 =	simm.s32 $0x80;
	v6 =	vadd.f32 v10, v6;
	v8 =	vmul.f32 $1.442695020e+00, v11;
	v11 =	vmul.f32 $1.000000000e+01, v18  }
0x15d: {  	[tilespmem:$0x1FDB0] =	vst v12;
	v10 =	vld [tilespmem:s0+$0x4FE0];
	v12 =	vmul.f32 $1.442695020e+00, v15;
	v15 =	vmul.f32 $1.000000000e+01, v19;
	v1 =	vadd.f32 v14, v1  }
0x15e: {  	v11 =	vmul.f32 $1.442695020e+00, v11;
	(erf) = vpow2.f32 v8;
	v8 =	vld [tilespmem:s0+$0x5050]  }
0x15f: {  	v14 =	vld [tilespmem:s0+$0x4FF0];
	[tilespmem:$0x1FDC0] =	vst v1;
	v1 =	vmul.f32 $1.000000000e+01, v4;
	(erf) = vpow2.f32 v12  }
0x160: {  	v12 =	vmul.f32 $1.442695020e+00, v15;
	(erf) = vpow2.f32 v11;
	v11 =	vld [tilespmem:s0+$0x5010]  }
0x161: {  	v7 =	vadd.f32 v17, v7;
	v13 =	vmul.f32 v35, v28;
	v16 =	vld [tilespmem:s28+$0xEC50];
	v1 =	vmul.f32 $1.442695020e+00, v1  }
0x162: {  	v5 =	vadd.f32 v20, v5;
	v3 =	vmul.f32 $1.442695020e+00, v3;
	v4 =	vld [tilespmem:s0+$0x5000];
	v2 =	vpop (erf);
	(erf) = vpow2.f32 v12  }
0x163: {  	[tilespmem:$0x1FDE0] =	vst v6;
	v17 =	vld [tilespmem:s28+$0xECA0];
	v6 =	vmul.f32 $1.000000000e+01, v8;
	v8 =	vpop (erf);
	(erf) = vpow2.f32 v1;
	v1 =	vadd.f32 v13, v7  }
0x164: {  	v24 =	vmul.f32 $1.000000000e+01, v10;
	v15 =	vld [tilespmem:s28+$0xEC60];
	v12 =	vmul.f32 $1.000000000e+01, v14  }
0x165: {  	v14 =	vmul.f32 $1.000000000e+01, v11;
	(erf) = vpow2.f32 v3;
	v3 =	vadd.f32 v9, v5;
	[tilespmem:$0x1FDF0] =	vst v1;
	v1 =	vld [tilespmem:s0+$0x5030]  }
0x166: {  	v10 =	vimm.f32 $0.0e+00;
	v7 =	vmul.f32 v8, v16;
	v9 =	vld [tilespmem:s0+$0x5020];
	v5 =	vmul.f32 $1.442695020e+00, v6  }
0x167: {  	v18 =	vld [tilespmem:s28+$0xEC80];
	v12 =	vmul.f32 $1.442695020e+00, v12;
	[tilespmem:$0x1FE00] =	vst v3;
	v3 =	vmul.f32 $1.000000000e+01, v4;
	v4 =	vimm.f32 $0.0e+00  }
0x168: {  	v11 =	vld [tilespmem:s0+$0x5040];
	v6 =	vpop (erf);
	v16 =	vmul.f32 $1.442695020e+00, v14;
	(erf) = vpow2.f32 v5;
	v13 =	vadd.f32 v8, v4  }
0x169: {  	v14 =	vpop (erf);
	v19 =	vadd.f32 v6, v4;
	v8 =	vld [tilespmem:s28+$0xEC70];
	v5 =	vadd.f32 v7, v4;
	v3 =	vmul.f32 $1.442695020e+00, v3  }
0x16a: {  	v21 =	vmul.f32 v14, v15;
	v15 =	vld [tilespmem:s28+$0xEC30];
	v20 =	vpop (erf);
	v7 =	vmul.f32 $1.000000000e+01, v1;
	v1 =	vadd.f32 v14, v4  }
0x16b: {  	v14 =	vmul.f32 $1.000000000e+01, v9;
	(erf) = vpow2.f32 v3;
	v3 =	vadd.f32 v20, v19;
	v19 =	vld [tilespmem:s28+$0xEC90]  }
0x16c: {  	v21 =	vadd.f32 v21, v4;
	v9 =	vmul.f32 v20, v18;
	v18 =	vld [tilespmem:s28+$0xEC40];
	v20 =	vpop (erf);
	(erf) = vpow2.f32 v12  }
0x16d: {  	s12 =	simm.s32 $0x400;
	v12 =	vimm.f32 $0.0e+00;
	v1 =	vadd.f32 v2, v1;
	v23 =	vmul.f32 $1.442695020e+00, v7;
	v7 =	vld [tilespmem:s0+$0xEC60];
	v22 =	vpop (erf)  }
.LBB2_11:
0x16e: {  	s28 =	sshra.s32 s12, $0x2;
	p0 =	sne.s32 s12, $0x4C00;
	s12 =	sadd.s32 $0x200, s12;
	v24 =	vmul.f32 $1.442695020e+00, v24;
	v25 =	vld [tilespmem:s0+$0xEC50];
	v13 =	vadd.f32 v22, v13;
	v27 =	vmul.f32 v2, v17;
	v17 =	vpop (erf)  }
0x16f: {  	v11 =	vmul.f32 $1.000000000e+01, v11;
	v4 =	vadd.f32 v20, v4;
	v26 =	vld [tilespmem:s28+$0x5050];
	v15 =	vmul.f32 v20, v15  }
0x170: {  	v20 =	vld [tilespmem:s28+$0x5000];
	(erf) = vpow2.f32 v16;
	v16 =	vmul.f32 v22, v19;
	v21 =	vadd.f32 v27, v21  }
0x171: {  	v4 =	vadd.f32 v17, v4;
	v19 =	vld [tilespmem:s28+$0x4FF0];
	(erf) = vpow2.f32 v23;
	v2 =	vpop (erf);
	v6 =	vmul.f32 v6, v18  }
0x172: {  	v8 =	vmul.f32 v17, v8;
	v22 =	vmul.f32 $1.442695020e+00, v11;
	v12 =	vadd.f32 v15, v12;
	v18 =	vld [tilespmem:s28+$0x5010]  }
0x173: {  	v14 =	vmul.f32 $1.442695020e+00, v14;
	v11 =	vld [tilespmem:s28+$0x5040];
	(erf) = vpow2.f32 v24;
	v10 =	vadd.f32 v6, v10  }
0x174: {  	v5 =	vadd.f32 v16, v5;
	v23 =	vld [tilespmem:s28+$0x4FE0];
	v24 =	vmul.f32 $1.000000000e+01, v26;
	v15 =	vpop (erf);
	(erf) = vpow2.f32 v22  }
0x175: {  	v12 =	vadd.f32 v8, v12;
	v22 =	vld [tilespmem:s28+$0x5030];
	v17 =	vmul.f32 v15, v25;
	(erf) = vpow2.f32 v14  }
0x176: {  	v8 =	vmul.f32 $1.000000000e+01, v20;
	v10 =	vadd.f32 v9, v10;
	v14 =	vld [tilespmem:s28+$0x5020];
	v16 =	vmul.f32 $1.442695020e+00, v24;
	v6 =	vpop (erf)  }
0x177: {  	v13 =	vadd.f32 v15, v13;
	v24 =	vmul.f32 $1.000000000e+01, v19;
	v18 =	vmul.f32 $1.000000000e+01, v18;
	v20 =	vld [tilespmem:s0+$0xEC80]  }
0x178: {  	v19 =	vmul.f32 $1.442695020e+00, v8;
	v3 =	vadd.f32 v6, v3;
	(erf) = vpow2.f32 v16;
	v8 =	vld [tilespmem:s0+$0xEC70]  }
.Ltmp4:
0x179: {  	v5 =	vadd.f32 v17, v5;
	v25 =	vmul.f32 $1.442695020e+00, v24;
	v16 =	vmul.f32 $1.442695020e+00, v18;
	v17 =	vld [tilespmem:s0+$0xECA0];
	v9 =	vpop (erf);
	(pc) =	sbr.rel @p0 .LBB2_11-.Ltmp4, $4  }
0x17a: {  	v27 =	vmul.f32 $1.000000000e+01, v22;
	v15 =	vld [tilespmem:s0+$0xEC30];
	v1 =	vadd.f32 v9, v1;
	v26 =	vmul.f32 v9, v7;
	v7 =	vpop (erf)  }
0x17b: {  	v14 =	vmul.f32 $1.000000000e+01, v14;
	(erf) = vpow2.f32 v19;
	v3 =	vadd.f32 v7, v3;
	v19 =	vld [tilespmem:s0+$0xEC90]  }
0x17c: {  	v24 =	vmul.f32 $1.000000000e+01, v23;
	v18 =	vld [tilespmem:s0+$0xEC40];
	v9 =	vmul.f32 v7, v20;
	v1 =	vadd.f32 v2, v1;
	v20 =	vpop (erf);
	s0 =	smov.u32 s28  }
0x17d: {  	v23 =	vmul.f32 $1.442695020e+00, v27;
	v21 =	vadd.f32 v26, v21;
	v7 =	vld [tilespmem:s0+$0xEC60];
	(erf) = vpow2.f32 v25;
	v22 =	vpop (erf)  }
0x17e: {  	v25 =	vld [tilespmem:s1+$0x0];
	_ =	sdelay $0x3  }
0x17f: {  	v26 =	vld [tilespmem:s0+$0xEC50]  }
0x180: {  	(erf) = vpow2.f32 v16;
	v16 =	vmul.f32 $1.442695020e+00, v24;
	v24 =	vld [tilespmem:s0+$0xEC70];
	(v2sf) =	vpush v25, $0x0  }
0x181: {  	v2 =	vmul.f32 v2, v17;
	v17 =	vld [tilespmem:s0+$0xEC90]  }
0x182: {  	v11 =	vmul.f32 $1.000000000e+01, v11;
	s12 =	simm.s32 $0x0;
	(erf) = vpow2.f32 v23;
	v23 =	vld [tilespmem:s0+$0xEC80]  }
0x183: {  	v4 =	vadd.f32 v20, v4;
	v15 =	vmul.f32 v20, v15;
	v20 =	vld [tilespmem:s12+$0x63D8];
	v19 =	vmul.f32 v22, v19  }
0x184: {  	v13 =	vadd.f32 v22, v13;
	v11 =	vmul.f32 $1.442695020e+00, v11;
	v22 =	vld [tilespmem:$0xFFA8]  }
0x185: {  	(erf) = vpow2.f32 v16;
	v5 =	vadd.f32 v19, v5;
	v19 =	vld [tilespmem:$0x6358]  }
0x186: {  	v2 =	vadd.f32 v2, v21;
	v21 =	vld [tilespmem:s0+$0xEC40];
	(erf) = vpow2.f32 v11;
	v25 =	vpop (erf)  }
0x187: {  	v14 =	vmul.f32 $1.442695020e+00, v14;
	v16 =	vld [tilespmem:s0+$0xECA0];
	v6 =	vmul.f32 v6, v18;
	v12 =	vadd.f32 v15, v12;
	v27 =	vpop (erf)  }
0x188: {  	v11 =	vld [tilespmem:s0+$0xEC30];
	v8 =	vmul.f32 v25, v8;
	v18 =	vpop (erf)  }
0x189: {  	v6 =	vadd.f32 v6, v10;
	v20 =	vmul.f32 $1.000000000e+01, v20;
	(erf) = vpow2.f32 v14;
	v14 =	vld [tilespmem:s12+$0x6388];
	[tilespmem:$0x1FCA0] =	vst v22;
	v15 =	vpop (erf)  }
0x18a: {  	v22 =	vld [tilespmem:s12+$0x6378];
	v8 =	vadd.f32 v8, v12;
	v10 =	vpop (erf);
	[tilespmem:$0x1FC90] =	vst v19;
	v19 =	vmul.f32 v18, v26;
	v3 =	vadd.f32 v15, v3  }
0x18b: {  	v7 =	vmul.f32 v10, v7;
	v12 =	vpop (erf);
	v1 =	vadd.f32 v10, v1;
	v10 =	vmul.f32 v15, v21;
	v15 =	vld [tilespmem:s1+$0xE0]  }
0x18c: {  	v4 =	vadd.f32 v25, v4;
	v6 =	vadd.f32 v9, v6;
	v9 =	vmul.f32 v12, v23;
	v23 =	vld [tilespmem:s12+$0x6398]  }
0x18d: {  	v16 =	vmul.f32 v27, v16;
	v20 =	vmul.f32 $1.442695020e+00, v20;
	v5 =	vadd.f32 v19, v5;
	v19 =	vld [tilespmem:s12+$0x6368]  }
0x18e: {  	v13 =	vadd.f32 v18, v13;
	v18 =	vpop (erf);
	v3 =	vadd.f32 v12, v3;
	v12 =	vld [tilespmem:s12+$0x63C8];
	v14 =	vmul.f32 $1.000000000e+01, v14  }
0x18f: {  	v26 =	vld [tilespmem:s12+$0x63B8];
	(erf) = vpow2.f32 v20;
	v11 =	vmul.f32 v18, v11;
	v2 =	vadd.f32 v7, v2;
	v25 =	vpop (erf);
	s28 =	spop (v2sf)  }
0x190: {  	s0 =	simm.s32 $0x80;
	v1 =	vadd.f32 v27, v1;
	[tilespmem:$0x1FCC0] =	vst v3;
	v17 =	vmul.f32 v25, v17;
	v14 =	vmul.f32 $1.442695020e+00, v14;
	v7 =	vld [tilespmem:s28+$0xEC30]  }
0x191: {  	v2 =	vadd.f32 v16, v2;
	v8 =	vadd.f32 v11, v8;
	v11 =	vld [tilespmem:s0+$0x6398];
	[tilespmem:$0x1FCB0] =	vst v15;
	v15 =	vmul.f32 $1.000000000e+01, v22  }
0x192: {  	[tilespmem:$0x1FCD0] =	vst v1;
	v13 =	vadd.f32 v25, v13;
	(erf) = vpow2.f32 v14;
	v20 =	vmul.f32 $1.000000000e+01, v23  }
0x193: {  	v3 =	vpop (erf);
	v14 =	vld [tilespmem:s12+$0x63A8];
	v19 =	vmul.f32 $1.000000000e+01, v19;
	[tilespmem:$0x1FD00] =	vst v2;
	v2 =	vmul.f32 $1.000000000e+01, v12  }
0x194: {  	v4 =	vadd.f32 v18, v4;
	[tilespmem:$0x1FCF0] =	vst v13;
	v1 =	vmul.f32 v3, v24;
	v13 =	vmul.f32 $1.442695020e+00, v20  }
0x195: {  	v12 =	vld [tilespmem:s0+$0x6388];
	[tilespmem:$0x1FCE0] =	vst v7;
	v7 =	vmul.f32 $1.442695020e+00, v15;
	v15 =	vmul.f32 $1.000000000e+01, v26  }
0x196: {  	v3 =	vadd.f32 v3, v4;
	v4 =	vmul.f32 $1.442695020e+00, v19;
	v19 =	vld [tilespmem:s0+$0x6368];
	v11 =	vmul.f32 $1.000000000e+01, v11  }
0x197: {  	v15 =	vmul.f32 $1.442695020e+00, v15;
	(erf) = vpow2.f32 v7;
	v7 =	vld [tilespmem:s0+$0x63D8]  }
0x198: {  	v20 =	vld [tilespmem:s12+$0xFFD8];
	[tilespmem:$0x1FD10] =	vst v3;
	v3 =	vmul.f32 $1.000000000e+01, v14;
	(erf) = vpow2.f32 v13  }
0x199: {  	v1 =	vadd.f32 v1, v8;
	v14 =	vmul.f32 $1.442695020e+00, v2;
	v13 =	vld [tilespmem:s0+$0x6378];
	(erf) = vpow2.f32 v15  }
0x19a: {  	v2 =	vpop (erf);
	v3 =	vmul.f32 $1.442695020e+00, v3;
	v15 =	vld [tilespmem:s0+$0x63A8];
	(erf) = vpow2.f32 v4;
	v4 =	vadd.f32 v17, v5  }
0x19b: {  	v6 =	vadd.f32 v10, v6;
	[tilespmem:$0x1FD30] =	vst v1;
	v1 =	vld [tilespmem:s0+$0x63B8];
	v25 =	vmul.f32 $1.000000000e+01, v19;
	v17 =	vmul.f32 $1.442695020e+00, v11  }
0x19c: {  	v5 =	vpop (erf);
	(erf) = vpow2.f32 v14;
	[tilespmem:$0x1FD20] =	vst v4;
	v4 =	vmul.f32 $1.000000000e+01, v7  }
0x19d: {  	v10 =	vld [tilespmem:s12+$0xFFE8];
	v8 =	vmul.f32 v5, v20;
	(erf) = vpow2.f32 v3;
	v3 =	vadd.f32 v9, v6  }
0x19e: {  	v21 =	vld [tilespmem:s12+$0x10008];
	v13 =	vmul.f32 $1.000000000e+01, v13;
	v9 =	vmul.f32 $1.442695020e+00, v4;
	v4 =	vimm.f32 $0.0e+00  }
0x19f: {  	v18 =	vld [tilespmem:s12+$0x10028];
	[tilespmem:$0x1FD40] =	vst v3;
	v3 =	vmul.f32 $1.000000000e+01, v12;
	v15 =	vmul.f32 $1.000000000e+01, v15;
	v14 =	vadd.f32 v5, v4  }
0x1a0: {  	v16 =	vld [tilespmem:s12+$0xFFB8];
	v5 =	vadd.f32 v8, v4;
	v8 =	vmul.f32 $1.000000000e+01, v1;
	v7 =	vpop (erf);
	(erf) = vpow2.f32 v9  }
0x1a1: {  	v19 =	vld [tilespmem:s12+$0xFFC8];
	v13 =	vmul.f32 $1.442695020e+00, v13;
	v3 =	vmul.f32 $1.442695020e+00, v3;
	v20 =	vadd.f32 v7, v4;
	v11 =	vpop (erf)  }
0x1a2: {  	v12 =	vld [tilespmem:s0+$0x63C8];
	v24 =	vmul.f32 $1.442695020e+00, v8;
	v22 =	vmul.f32 v11, v10;
	v10 =	vpop (erf)  }
0x1a3: {  	v1 =	vadd.f32 v11, v4;
	(erf) = vpow2.f32 v3;
	v3 =	vadd.f32 v10, v20;
	v20 =	vld [tilespmem:s12+$0x10018]  }
0x1a4: {  	v9 =	vld [tilespmem:s12+$0xFFF8];
	v11 =	vimm.f32 $0.0e+00;
	v10 =	vmul.f32 v10, v21;
	v21 =	vpop (erf);
	(erf) = vpow2.f32 v13  }
0x1a5: {  	s1 =	simm.s32 $0x400;
	v8 =	vld [tilespmem:s0+$0xFFE8];
	v13 =	vimm.f32 $0.0e+00;
	v1 =	vadd.f32 v2, v1;
	v22 =	vadd.f32 v22, v4;
	v23 =	vpop (erf)  }
.LBB2_13:
0x1a6: {  	s12 =	sshra.s32 s1, $0x2;
	p0 =	sne.s32 s1, $0x4C00;
	s1 =	sadd.s32 $0x200, s1;
	v25 =	vmul.f32 $1.442695020e+00, v25;
	v26 =	vld [tilespmem:s0+$0xFFD8];
	v14 =	vadd.f32 v23, v14;
	v6 =	vmul.f32 v2, v18;
	v18 =	vpop (erf)  }
0x1a7: {  	v12 =	vmul.f32 $1.000000000e+01, v12;
	v4 =	vadd.f32 v21, v4;
	v27 =	vld [tilespmem:s12+$0x63D8];
	v16 =	vmul.f32 v21, v16  }
0x1a8: {  	v21 =	vld [tilespmem:s12+$0x6388];
	(erf) = vpow2.f32 v17;
	v17 =	vmul.f32 v23, v20;
	v22 =	vadd.f32 v6, v22  }
0x1a9: {  	v4 =	vadd.f32 v18, v4;
	v20 =	vld [tilespmem:s12+$0x6378];
	(erf) = vpow2.f32 v24;
	v2 =	vpop (erf);
	v7 =	vmul.f32 v7, v19  }
0x1aa: {  	v9 =	vmul.f32 v18, v9;
	v23 =	vmul.f32 $1.442695020e+00, v12;
	v13 =	vadd.f32 v16, v13;
	v19 =	vld [tilespmem:s12+$0x6398]  }
0x1ab: {  	v15 =	vmul.f32 $1.442695020e+00, v15;
	v12 =	vld [tilespmem:s12+$0x63C8];
	(erf) = vpow2.f32 v25;
	v11 =	vadd.f32 v7, v11  }
0x1ac: {  	v5 =	vadd.f32 v17, v5;
	v24 =	vld [tilespmem:s12+$0x6368];
	v6 =	vmul.f32 $1.000000000e+01, v27;
	v16 =	vpop (erf);
	(erf) = vpow2.f32 v23  }
0x1ad: {  	v13 =	vadd.f32 v9, v13;
	v23 =	vld [tilespmem:s12+$0x63B8];
	v18 =	vmul.f32 v16, v26;
	(erf) = vpow2.f32 v15  }
0x1ae: {  	v9 =	vmul.f32 $1.000000000e+01, v21;
	v11 =	vadd.f32 v10, v11;
	v15 =	vld [tilespmem:s12+$0x63A8];
	v17 =	vmul.f32 $1.442695020e+00, v6;
	v7 =	vpop (erf)  }
0x1af: {  	v14 =	vadd.f32 v16, v14;
	v6 =	vmul.f32 $1.000000000e+01, v20;
	v19 =	vmul.f32 $1.000000000e+01, v19;
	v21 =	vld [tilespmem:s0+$0x10008]  }
0x1b0: {  	v20 =	vmul.f32 $1.442695020e+00, v9;
	v3 =	vadd.f32 v7, v3;
	(erf) = vpow2.f32 v17;
	v9 =	vld [tilespmem:s0+$0xFFF8]  }
.Ltmp5:
0x1b1: {  	v5 =	vadd.f32 v18, v5;
	v26 =	vmul.f32 $1.442695020e+00, v6;
	v17 =	vmul.f32 $1.442695020e+00, v19;
	v18 =	vld [tilespmem:s0+$0x10028];
	v10 =	vpop (erf);
	(pc) =	sbr.rel @p0 .LBB2_13-.Ltmp5, $4  }
0x1b2: {  	v6 =	vmul.f32 $1.000000000e+01, v23;
	v16 =	vld [tilespmem:s0+$0xFFB8];
	v1 =	vadd.f32 v10, v1;
	v27 =	vmul.f32 v10, v8;
	v8 =	vpop (erf)  }
0x1b3: {  	v15 =	vmul.f32 $1.000000000e+01, v15;
	(erf) = vpow2.f32 v20;
	v3 =	vadd.f32 v8, v3;
	v20 =	vld [tilespmem:s0+$0x10018]  }
0x1b4: {  	v25 =	vmul.f32 $1.000000000e+01, v24;
	v19 =	vld [tilespmem:s0+$0xFFC8];
	v10 =	vmul.f32 v8, v21;
	v1 =	vadd.f32 v2, v1;
	v21 =	vpop (erf);
	s0 =	smov.u32 s12  }
0x1b5: {  	v24 =	vmul.f32 $1.442695020e+00, v6;
	v22 =	vadd.f32 v27, v22;
	v8 =	vld [tilespmem:s0+$0xFFE8];
	(erf) = vpow2.f32 v26;
	v23 =	vpop (erf)  }
0x1b6: {  	s1 =	sor.u32 $0x5, s31  }
0x1b7: {  	v26 =	vld [tilespmem:s1+$0x0]  }
0x1b8: {  	v27 =	vld [tilespmem:s0+$0xFFD8];
	(erf) = vpow2.f32 v17;
	v17 =	vmul.f32 $1.442695020e+00, v25  }
0x1b9: {  	v12 =	vmul.f32 $1.000000000e+01, v12;
	v25 =	vld [tilespmem:s0+$0xFFF8];
	(erf) = vpow2.f32 v24  }
0x1ba: {  	v2 =	vmul.f32 v2, v18;
	v18 =	vld [tilespmem:s0+$0x10018];
	(erf) = vpow2.f32 v17  }
0x1bb: {  	v15 =	vmul.f32 $1.442695020e+00, v15;
	s12 =	simm.s32 $0x0;
	v4 =	vadd.f32 v21, v4;
	v12 =	vmul.f32 $1.442695020e+00, v12;
	v17 =	vld [tilespmem:s0+$0x10028]  }
0x1bc: {  	v16 =	vmul.f32 v21, v16;
	v21 =	vld [tilespmem:s12+$0x7760];
	v20 =	vmul.f32 v23, v20;
	(v2sf) =	vpush v26, $0x0;
	v26 =	vpop (erf)  }
0x1bd: {  	v14 =	vadd.f32 v23, v14;
	v24 =	vld [tilespmem:s0+$0x10008];
	v7 =	vmul.f32 v7, v19;
	(erf) = vpow2.f32 v12;
	v28 =	vpop (erf)  }
0x1be: {  	v13 =	vadd.f32 v16, v13;
	v16 =	vmul.f32 v26, v9;
	v19 =	vpop (erf);
	(erf) = vpow2.f32 v15;
	v15 =	vld [tilespmem:s12+$0x7710]  }
0x1bf: {  	v2 =	vadd.f32 v2, v22;
	v12 =	vld [tilespmem:s0+$0xFFB8];
	v7 =	vadd.f32 v7, v11  }
0x1c0: {  	v23 =	vld [tilespmem:s0+$0xFFC8];
	v5 =	vadd.f32 v20, v5;
	v4 =	vadd.f32 v26, v4;
	v17 =	vmul.f32 v28, v17;
	v22 =	vpop (erf)  }
0x1c1: {  	v20 =	vmul.f32 v19, v27;
	v27 =	vadd.f32 v10, v7;
	v7 =	vld [tilespmem:s12+$0x7700];
	v10 =	vmul.f32 $1.000000000e+01, v21;
	v11 =	vpop (erf)  }
0x1c2: {  	v26 =	vadd.f32 v16, v13;
	v14 =	vadd.f32 v19, v14;
	v21 =	vld [tilespmem:s12+$0x7720];
	v13 =	vmul.f32 v11, v8;
	v16 =	vpop (erf)  }
0x1c3: {  	v31 =	vld [tilespmem:s12+$0x7740];
	v3 =	vadd.f32 v22, v3;
	v10 =	vmul.f32 $1.442695020e+00, v10;
	v19 =	vpop (erf);
	v15 =	vmul.f32 $1.000000000e+01, v15  }
0x1c4: {  	v5 =	vadd.f32 v20, v5;
	v20 =	vld [tilespmem:s12+$0x76F0];
	v24 =	vmul.f32 v16, v24;
	v30 =	vmul.f32 v19, v12  }
0x1c5: {  	v33 =	vld [tilespmem:s12+$0x11390];
	v11 =	vadd.f32 v11, v1;
	(erf) = vpow2.f32 v10;
	v12 =	vmul.f32 $1.442695020e+00, v15  }
0x1c6: {  	v10 =	vadd.f32 v16, v3;
	v16 =	vld [tilespmem:s12+$0x7750];
	v15 =	vmul.f32 v22, v23;
	v22 =	vmul.f32 $1.000000000e+01, v7  }
0x1c7: {  	v9 =	vld [tilespmem:$0x76E0];
	v29 =	vpop (erf);
	(erf) = vpow2.f32 v12;
	v12 =	vadd.f32 v28, v11;
	v11 =	vmul.f32 $1.000000000e+01, v21  }
0x1c8: {  	s0 =	simm.s32 $0x80;
	v8 =	vld [tilespmem:$0x11330];
	v2 =	vadd.f32 v13, v2;
	v3 =	vpop (erf);
	v21 =	vmul.f32 $1.442695020e+00, v22;
	v22 =	vmul.f32 $1.000000000e+01, v31  }
0x1c9: {  	v4 =	vadd.f32 v19, v4;
	v20 =	vmul.f32 $1.000000000e+01, v20;
	v31 =	vld [tilespmem:s0+$0x76F0];
	v23 =	vmul.f32 v3, v25  }
0x1ca: {  	v13 =	vadd.f32 v29, v14;
	v25 =	vld [tilespmem:s12+$0x7730];
	v14 =	vmul.f32 $1.442695020e+00, v11;
	v19 =	vmul.f32 $1.442695020e+00, v22  }
0x1cb: {  	(erf) = vpow2.f32 v21;
	v21 =	vld [tilespmem:s0+$0x7760];
	v11 =	vadd.f32 v17, v2;
	v2 =	vmul.f32 $1.000000000e+01, v16  }
0x1cc: {  	(erf) = vpow2.f32 v14;
	v14 =	vmul.f32 $1.442695020e+00, v20;
	v20 =	vld [tilespmem:s0+$0x7700]  }
0x1cd: {  	(erf) = vpow2.f32 v19;
	v19 =	vld [tilespmem:s0+$0x7720]  }
0x1ce: {  	v18 =	vmul.f32 v29, v18;
	v17 =	vld [tilespmem:s0+$0x7710];
	v16 =	vadd.f32 v3, v4;
	v2 =	vmul.f32 $1.442695020e+00, v2  }
0x1cf: {  	v28 =	vld [tilespmem:s12+$0x11360];
	v37 =	vmul.f32 $1.000000000e+01, v31;
	v4 =	vmul.f32 $1.000000000e+01, v25;
	v25 =	vadd.f32 v15, v27  }
0x1d0: {  	v1 =	vld [tilespmem:s31+$0xE5];
	v3 =	vpop (erf);
	(erf) = vpow2.f32 v14;
	v14 =	vadd.f32 v18, v5;
	v5 =	vmul.f32 $1.000000000e+01, v21  }
0x1d1: {  	v22 =	vadd.f32 v30, v26;
	v30 =	vld [tilespmem:s12+$0x113B0];
	v4 =	vmul.f32 $1.442695020e+00, v4;
	v21 =	vpop (erf);
	(erf) = vpow2.f32 v2  }
0x1d2: {  	v27 =	vld [tilespmem:s12+$0x11370];
	v18 =	vadd.f32 v24, v25;
	v20 =	vmul.f32 $1.000000000e+01, v20;
	v25 =	vmul.f32 $1.000000000e+01, v19  }
0x1d3: {  	v2 =	vld [tilespmem:s0+$0x7740];
	(erf) = vpow2.f32 v4;
	v4 =	vmul.f32 $1.000000000e+01, v17  }
0x1d4: {  	s28 =	spop (v2sf);
	v15 =	vadd.f32 v23, v22;
	v23 =	vld [tilespmem:s0+$0x7730];
	v22 =	vmul.f32 v21, v28;
	v17 =	vmul.f32 $1.442695020e+00, v5  }
0x1d5: {  	v6 =	vld [tilespmem:s28+$0xFFB8];
	v5 =	vimm.f32 $0.0e+00;
	v19 =	vpop (erf);
	v20 =	vmul.f32 $1.442695020e+00, v20;
	v4 =	vmul.f32 $1.442695020e+00, v4  }
0x1d6: {  	v31 =	vld [tilespmem:s12+$0x11350];
	v26 =	vadd.f32 v21, v5;
	(erf) = vpow2.f32 v17;
	v29 =	vmul.f32 $1.442695020e+00, v25;
	v25 =	vpop (erf)  }
0x1d7: {  	v24 =	vld [tilespmem:s0+$0x7750];
	v32 =	vadd.f32 v19, v5;
	v17 =	vadd.f32 v22, v5;
	v35 =	vmul.f32 v25, v27  }
0x1d8: {  	v28 =	vld [tilespmem:s12+$0x11340];
	v34 =	vmul.f32 $1.000000000e+01, v2;
	(erf) = vpow2.f32 v4;
	v2 =	vadd.f32 v25, v5;
	v22 =	vpop (erf)  }
0x1d9: {  	v27 =	vmul.f32 $1.000000000e+01, v23;
	(erf) = vpow2.f32 v20;
	v4 =	vadd.f32 v22, v32;
	v32 =	vld [tilespmem:s12+$0x113A0]  }
0x1da: {  	v21 =	vld [tilespmem:s12+$0x11380];
	v25 =	vimm.f32 $0.0e+00;
	v23 =	vimm.f32 $0.0e+00;
	v22 =	vmul.f32 v22, v33;
	v33 =	vpop (erf)  }
0x1db: {  	s1 =	simm.s32 $0x400;
	[tilespmem:$0x1FC80] =	vst v6;
	v20 =	vld [tilespmem:s0+$0x11370];
	v36 =	vmul.f32 $1.442695020e+00, v34;
	v2 =	vadd.f32 v3, v2;
	v34 =	vadd.f32 v35, v5;
	v35 =	vpop (erf)  }
.LBB2_15:
0x1dc: {  	s12 =	sshra.s32 s1, $0x2;
	p0 =	sne.s32 s1, $0x4C00;
	s1 =	sadd.s32 $0x200, s1;
	v37 =	vmul.f32 $1.442695020e+00, v37;
	v38 =	vld [tilespmem:s0+$0x11360];
	v26 =	vadd.f32 v35, v26;
	v6 =	vmul.f32 v3, v30;
	v30 =	vpop (erf)  }
0x1dd: {  	v24 =	vmul.f32 $1.000000000e+01, v24;
	v5 =	vadd.f32 v33, v5;
	v39 =	vld [tilespmem:s12+$0x7760];
	v28 =	vmul.f32 v33, v28  }
0x1de: {  	v33 =	vld [tilespmem:s12+$0x7710];
	(erf) = vpow2.f32 v29;
	v29 =	vmul.f32 v35, v32;
	v34 =	vadd.f32 v6, v34  }
0x1df: {  	v5 =	vadd.f32 v30, v5;
	v32 =	vld [tilespmem:s12+$0x7700];
	(erf) = vpow2.f32 v36;
	v3 =	vpop (erf);
	v19 =	vmul.f32 v19, v31  }
0x1e0: {  	v21 =	vmul.f32 v30, v21;
	v35 =	vmul.f32 $1.442695020e+00, v24;
	v25 =	vadd.f32 v28, v25;
	v31 =	vld [tilespmem:s12+$0x7720]  }
0x1e1: {  	v27 =	vmul.f32 $1.442695020e+00, v27;
	v24 =	vld [tilespmem:s12+$0x7750];
	(erf) = vpow2.f32 v37;
	v23 =	vadd.f32 v19, v23  }
0x1e2: {  	v17 =	vadd.f32 v29, v17;
	v36 =	vld [tilespmem:s12+$0x76F0];
	v6 =	vmul.f32 $1.000000000e+01, v39;
	v28 =	vpop (erf);
	(erf) = vpow2.f32 v35  }
0x1e3: {  	v25 =	vadd.f32 v21, v25;
	v35 =	vld [tilespmem:s12+$0x7740];
	v30 =	vmul.f32 v28, v38;
	(erf) = vpow2.f32 v27  }
0x1e4: {  	v21 =	vmul.f32 $1.000000000e+01, v33;
	v23 =	vadd.f32 v22, v23;
	v27 =	vld [tilespmem:s12+$0x7730];
	v29 =	vmul.f32 $1.442695020e+00, v6;
	v19 =	vpop (erf)  }
0x1e5: {  	v26 =	vadd.f32 v28, v26;
	v6 =	vmul.f32 $1.000000000e+01, v32;
	v31 =	vmul.f32 $1.000000000e+01, v31;
	v33 =	vld [tilespmem:s0+$0x11390]  }
0x1e6: {  	v32 =	vmul.f32 $1.442695020e+00, v21;
	v4 =	vadd.f32 v19, v4;
	(erf) = vpow2.f32 v29;
	v21 =	vld [tilespmem:s0+$0x11380]  }
.Ltmp6:
0x1e7: {  	v17 =	vadd.f32 v30, v17;
	v38 =	vmul.f32 $1.442695020e+00, v6;
	v29 =	vmul.f32 $1.442695020e+00, v31;
	v30 =	vld [tilespmem:s0+$0x113B0];
	v22 =	vpop (erf);
	(pc) =	sbr.rel @p0 .LBB2_15-.Ltmp6, $4  }
0x1e8: {  	v6 =	vmul.f32 $1.000000000e+01, v35;
	v28 =	vld [tilespmem:s0+$0x11340];
	v2 =	vadd.f32 v22, v2;
	v39 =	vmul.f32 v22, v20;
	v20 =	vpop (erf)  }
0x1e9: {  	v27 =	vmul.f32 $1.000000000e+01, v27;
	(erf) = vpow2.f32 v32;
	v4 =	vadd.f32 v20, v4;
	v32 =	vld [tilespmem:s0+$0x113A0]  }
0x1ea: {  	v37 =	vmul.f32 $1.000000000e+01, v36;
	v31 =	vld [tilespmem:s0+$0x11350];
	v22 =	vmul.f32 v20, v33;
	v2 =	vadd.f32 v3, v2;
	v33 =	vpop (erf);
	s0 =	smov.u32 s12  }
0x1eb: {  	v36 =	vmul.f32 $1.442695020e+00, v6;
	v34 =	vadd.f32 v39, v34;
	v20 =	vld [tilespmem:s0+$0x11370];
	(erf) = vpow2.f32 v38;
	v35 =	vpop (erf)  }
0x1ec: {  	v39 =	vld [tilespmem:s0+$0x11360]  }
0x1ed: {  	v24 =	vmul.f32 $1.000000000e+01, v24;
	v46 =	vld [tilespmem:s0+$0x11390]  }
0x1ee: {  	s1 =	sor.u32 $0x6, s31;
	(erf) = vpow2.f32 v29;
	v29 =	vmul.f32 $1.442695020e+00, v37;
	v37 =	vld [tilespmem:s0+$0x11380]  }
0x1ef: {  	s12 =	simm.s32 $0x0;
	v38 =	vld [tilespmem:s1+$0x0];
	v24 =	vmul.f32 $1.442695020e+00, v24  }
0x1f0: {  	v3 =	vmul.f32 v3, v30;
	(erf) = vpow2.f32 v36;
	v55 =	vld [tilespmem:s12+$0x8AA8]  }
0x1f1: {  	v27 =	vmul.f32 $1.442695020e+00, v27;
	v57 =	vld [tilespmem:s12+$0x8A78];
	(erf) = vpow2.f32 v29  }
0x1f2: {  	v26 =	vadd.f32 v35, v26;
	v28 =	vmul.f32 v33, v28;
	v48 =	vld [tilespmem:s12+$0x8AE8];
	(erf) = vpow2.f32 v24  }
0x1f3: {  	v5 =	vadd.f32 v33, v5;
	v29 =	vld [tilespmem:s0+$0x113B0];
	v32 =	vmul.f32 v35, v32;
	v19 =	vmul.f32 v19, v31;
	v24 =	vpop (erf)  }
0x1f4: {  	v49 =	vld [tilespmem:s0+$0x11350];
	v3 =	vadd.f32 v3, v34;
	v25 =	vadd.f32 v28, v25;
	v40 =	vpop (erf)  }
0x1f5: {  	v17 =	vadd.f32 v32, v17;
	v19 =	vadd.f32 v19, v23;
	v31 =	vpop (erf);
	(erf) = vpow2.f32 v27;
	v27 =	vld [tilespmem:s12+$0x8A98]  }
0x1f6: {  	v30 =	vld [tilespmem:s0+$0x113A0];
	(v2sf) =	vpush v38, $0x0;
	v33 =	vmul.f32 $1.000000000e+01, v55;
	v32 =	vmul.f32 $1.000000000e+01, v57  }
0x1f7: {  	v42 =	vld [tilespmem:s12+$0x8AC8];
	v21 =	vmul.f32 v24, v21;
	v52 =	vadd.f32 v22, v19;
	v19 =	vmul.f32 $1.000000000e+01, v48;
	v28 =	vpop (erf)  }
0x1f8: {  	v5 =	vadd.f32 v24, v5;
	v22 =	vld [tilespmem:s12+$0x8A88];
	v29 =	vmul.f32 v40, v29;
	v50 =	vmul.f32 v31, v39;
	v23 =	vpop (erf)  }
0x1f9: {  	v47 =	vld [tilespmem:s0+$0x11340];
	s1 =	simm.s32 $0x80;
	v26 =	vadd.f32 v31, v26;
	v43 =	vmul.f32 $1.442695020e+00, v19;
	v20 =	vmul.f32 v23, v20;
	v51 =	vpop (erf)  }
0x1fa: {  	v2 =	vadd.f32 v23, v2;
	v23 =	vmul.f32 v28, v49;
	v49 =	vld [tilespmem:s1+$0x8A88];
	v31 =	vpop (erf);
	v27 =	vmul.f32 $1.000000000e+01, v27  }
0x1fb: {  	v17 =	vadd.f32 v50, v17;
	(erf) = vpow2.f32 v43;
	v50 =	vld [tilespmem:s1+$0x8AA8];
	v36 =	vmul.f32 v51, v46;
	v41 =	vpop (erf)  }
0x1fc: {  	v60 =	vld [tilespmem:s12+$0x8AD8];
	v4 =	vadd.f32 v28, v4;
	v44 =	vmul.f32 v41, v30;
	v30 =	vmul.f32 $1.442695020e+00, v27  }
0x1fd: {  	v45 =	vld [tilespmem:s12+$0x8AB8];
	v25 =	vadd.f32 v21, v25;
	v22 =	vmul.f32 $1.000000000e+01, v22;
	v46 =	vmul.f32 $1.000000000e+01, v42  }
0x1fe: {  	v55 =	vld [tilespmem:s12+$0x12718];
	v42 =	vimm.f32 $0.0e+00;
	v38 =	vmul.f32 v31, v47;
	(erf) = vpow2.f32 v30  }
0x1ff: {  	v24 =	vld [tilespmem:$0x8A68];
	v28 =	vadd.f32 v40, v2;
	v3 =	vadd.f32 v20, v3;
	v22 =	vmul.f32 $1.442695020e+00, v22  }
0x200: {  	v48 =	vld [tilespmem:s1+$0x8AE8];
	v27 =	vadd.f32 v51, v4;
	v34 =	vmul.f32 $1.000000000e+01, v49;
	v35 =	vmul.f32 $1.000000000e+01, v50;
	v4 =	vpop (erf)  }
0x201: {  	v21 =	vld [tilespmem:$0x126B8];
	v30 =	vadd.f32 v41, v26;
	v26 =	vmul.f32 $1.442695020e+00, v33;
	v2 =	vmul.f32 v4, v37  }
0x202: {  	v19 =	vld [tilespmem:s31+$0xE6];
	v5 =	vadd.f32 v31, v5;
	v37 =	vmul.f32 $1.442695020e+00, v46;
	(erf) = vpow2.f32 v22  }
0x203: {  	v39 =	vld [tilespmem:s12+$0x12708];
	v22 =	vadd.f32 v29, v3;
	v3 =	vmul.f32 $1.000000000e+01, v60;
	(erf) = vpow2.f32 v26  }
0x204: {  	v47 =	vld [tilespmem:s12+$0x126E8];
	v31 =	vadd.f32 v4, v5;
	v4 =	vmul.f32 $1.000000000e+01, v45;
	v5 =	vmul.f32 $1.442695020e+00, v32  }
0x205: {  	v25 =	vadd.f32 v38, v25;
	v29 =	vld [tilespmem:s1+$0x8A98];
	(erf) = vpow2.f32 v37;
	v3 =	vmul.f32 $1.442695020e+00, v3  }
0x206: {  	v41 =	vld [tilespmem:s1+$0x8A78];
	v26 =	vadd.f32 v23, v52;
	v32 =	vpop (erf);
	v4 =	vmul.f32 $1.442695020e+00, v4;
	(erf) = vpow2.f32 v5  }
0x207: {  	v23 =	vadd.f32 v44, v17;
	v52 =	vld [tilespmem:s1+$0x8AB8];
	v5 =	vmul.f32 $1.000000000e+01, v48;
	v17 =	vpop (erf);
	(erf) = vpow2.f32 v3  }
0x208: {  	v51 =	vld [tilespmem:s12+$0x126F8];
	v33 =	vimm.f32 $0.0e+00;
	v57 =	vmul.f32 $1.442695020e+00, v34;
	(erf) = vpow2.f32 v4  }
0x209: {  	v44 =	vmul.f32 $1.442695020e+00, v35;
	v25 =	vadd.f32 v2, v25;
	v5 =	vmul.f32 $1.442695020e+00, v5;
	v3 =	vld [tilespmem:s1+$0x8AC8]  }
0x20a: {  	v43 =	vld [tilespmem:s12+$0x126C8];
	v26 =	vadd.f32 v36, v26;
	v2 =	vmul.f32 v17, v47;
	v4 =	vmul.f32 $1.000000000e+01, v29  }
0x20b: {  	v38 =	vld [tilespmem:s1+$0x126F8];
	v48 =	vmul.f32 $1.000000000e+01, v41;
	v41 =	vimm.f32 $0.0e+00;
	v37 =	vpop (erf);
	(erf) = vpow2.f32 v5  }
0x20c: {  	v36 =	vmul.f32 $1.000000000e+01, v52;
	v60 =	vpop (erf);
	v4 =	vmul.f32 $1.442695020e+00, v4;
	v35 =	vadd.f32 v2, v33;
	v2 =	vld [tilespmem:s12+$0x12738]  }
0x20d: {  	v29 =	vld [tilespmem:s1+$0x8AD8];
	v5 =	vadd.f32 v37, v33;
	v49 =	vmul.f32 v60, v51;
	v34 =	vadd.f32 v60, v33  }
0x20e: {  	v17 =	vadd.f32 v17, v33;
	v46 =	vmul.f32 $1.000000000e+01, v3;
	v3 =	vpop (erf);
	(erf) = vpow2.f32 v4;
	v4 =	vld [tilespmem:s12+$0x12728]  }
0x20f: {  	s28 =	spop (v2sf);
	v34 =	vadd.f32 v32, v34;
	v5 =	vadd.f32 v3, v5;
	v40 =	vmul.f32 v3, v55;
	v3 =	vld [tilespmem:s12+$0x126D8];
	v45 =	vpop (erf)  }
0x210: {  	s0 =	simm.s32 $0x400;
	v20 =	vld [tilespmem:s28+$0x11340];
	(erf) = vpow2.f32 v57;
	v47 =	vmul.f32 $1.442695020e+00, v46;
	v46 =	vadd.f32 v49, v33;
	v50 =	vpop (erf)  }
.LBB2_17:
0x211: {  	s12 =	sshra.s32 s0, $0x2;
	p0 =	sne.s32 s0, $0x4C00;
	s0 =	sadd.s32 $0x200, s0;
	v48 =	vmul.f32 $1.442695020e+00, v48;
	v49 =	vld [tilespmem:s1+$0x126E8];
	v17 =	vadd.f32 v50, v17;
	v2 =	vmul.f32 v32, v2;
	v51 =	vpop (erf)  }
0x212: {  	v29 =	vmul.f32 $1.000000000e+01, v29;
	v33 =	vadd.f32 v45, v33;
	v52 =	vld [tilespmem:s12+$0x8AE8];
	v43 =	vmul.f32 v45, v43  }
0x213: {  	v45 =	vld [tilespmem:s12+$0x8A98];
	(erf) = vpow2.f32 v44;
	v4 =	vmul.f32 v50, v4;
	v46 =	vadd.f32 v2, v46  }
0x214: {  	v33 =	vadd.f32 v51, v33;
	v2 =	vld [tilespmem:s12+$0x8A88];
	(erf) = vpow2.f32 v47;
	v32 =	vpop (erf);
	v3 =	vmul.f32 v37, v3  }
0x215: {  	v39 =	vmul.f32 v51, v39;
	v37 =	vmul.f32 $1.442695020e+00, v29;
	v42 =	vadd.f32 v43, v42;
	v44 =	vld [tilespmem:s12+$0x8AA8]  }
0x216: {  	v36 =	vmul.f32 $1.442695020e+00, v36;
	v29 =	vld [tilespmem:s12+$0x8AD8];
	(erf) = vpow2.f32 v48;
	v3 =	vadd.f32 v3, v41  }
0x217: {  	v4 =	vadd.f32 v4, v35;
	v47 =	vld [tilespmem:s12+$0x8A78];
	v41 =	vmul.f32 $1.000000000e+01, v52;
	v43 =	vpop (erf);
	(erf) = vpow2.f32 v37  }
0x218: {  	v42 =	vadd.f32 v39, v42;
	v48 =	vld [tilespmem:s12+$0x8AC8];
	v35 =	vmul.f32 v43, v49;
	(erf) = vpow2.f32 v36  }
0x219: {  	v36 =	vmul.f32 $1.000000000e+01, v45;
	v45 =	vld [tilespmem:s12+$0x8AB8];
	v39 =	vmul.f32 $1.442695020e+00, v41;
	v37 =	vpop (erf);
	v41 =	vadd.f32 v40, v3  }
0x21a: {  	v17 =	vadd.f32 v43, v17;
	v2 =	vmul.f32 $1.000000000e+01, v2;
	v6 =	vmul.f32 $1.000000000e+01, v44;
	v40 =	vld [tilespmem:s1+$0x12718]  }
0x21b: {  	v49 =	vmul.f32 $1.442695020e+00, v36;
	v5 =	vadd.f32 v37, v5;
	(erf) = vpow2.f32 v39;
	v39 =	vld [tilespmem:s1+$0x12708]  }
.Ltmp7:
0x21c: {  	v35 =	vadd.f32 v35, v4;
	v50 =	vmul.f32 $1.442695020e+00, v2;
	v44 =	vmul.f32 $1.442695020e+00, v6;
	v2 =	vld [tilespmem:s1+$0x12738];
	v3 =	vpop (erf);
	(pc) =	sbr.rel @p0 .LBB2_17-.Ltmp7, $4  }
0x21d: {  	v51 =	vmul.f32 $1.000000000e+01, v48;
	v43 =	vld [tilespmem:s1+$0x126C8];
	v34 =	vadd.f32 v3, v34;
	v52 =	vmul.f32 v3, v38;
	v38 =	vpop (erf)  }
0x21e: {  	v36 =	vmul.f32 $1.000000000e+01, v45;
	(erf) = vpow2.f32 v49;
	v5 =	vadd.f32 v38, v5;
	v4 =	vld [tilespmem:s1+$0x12728]  }
0x21f: {  	v48 =	vmul.f32 $1.000000000e+01, v47;
	v3 =	vld [tilespmem:s1+$0x126D8];
	v40 =	vmul.f32 v38, v40;
	v34 =	vadd.f32 v32, v34;
	v45 =	vpop (erf);
	s1 =	smov.u32 s12  }
0x220: {  	v47 =	vmul.f32 $1.442695020e+00, v51;
	v46 =	vadd.f32 v52, v46;
	v38 =	vld [tilespmem:s1+$0x126F8];
	(erf) = vpow2.f32 v50;
	v50 =	vpop (erf)  }
0x221: {  	(erf) = vpow2.f32 v44  }
0x222: {  	v29 =	vmul.f32 $1.000000000e+01, v29;
	v57 =	vmul.f32 $1.000000000e+01, v54  }
0x223: {  	v55 =	vmul.f32 $1.442695020e+00, v48;
	(erf) = vpow2.f32 v47  }
0x224: {  	v29 =	vmul.f32 $1.442695020e+00, v29;
	v60 =	vmul.f32 $1.442695020e+00, v57  }
0x225: {  	v36 =	vmul.f32 $1.442695020e+00, v36;
	(erf) = vpow2.f32 v55  }
0x226: {  	(erf) = vpow2.f32 v29  }
0x227: {  	(erf) = vpow2.f32 v36  }
0x228: {  	(erf) = vpow2.f32 v60;
	v60 =	vpop (erf)  }
0x229: {  	v29 =	vpop (erf)  }
0x22a: {  	v55 =	vpop (erf)  }
0x22b: {  	v49 =	vpop (erf)  }
0x22c: {  	v57 =	vpop (erf)  }
0x22d: {  	v44 =	vpop (erf)  }
0x22e: {  	v36 =	vpop (erf)  }
0x22f: {  	v52 =	vpop (erf)  }
0x230: {  	v47 =	vadd.f32 v56, v63;
	v63 =	vadd.f32 v58, v61;
	v51 =	vpop (erf)  }
0x231: {  	v58 =	vpop (erf)  }
0x232: {  	v47 =	vadd.f32 v63, v47;
	v54 =	vmul.f32 v0, v58;
	_ =	sdelay $0x1  }
0x233: {  	v47 =	vadd.f32 v54, v47;
	_ =	sdelay $0x1  }
0x234: {  	(xrf2) =	vadd.scan.msk.f32 $0xffff, v47;
	_ =	sdelay $0x3  }
0x235: {  	v6 =	vld [tilespmem:$0x1FED0];
	_ =	sdelay $0x3  }
0x236: {  	v7 =	vld [tilespmem:$0x1FFC0]  }
0x237: {  	v61 =	vmul.f32 $1.000000000e+01, v6;
	v6 =	vld [tilespmem:$0x1FFB0]  }
0x238: {  	v63, _, _ =	vpop (xrf2)  }
0x239: {  	v48 =	vbroadcast v63, $0xF  }
0x23a: {  	v47 =	vmul.f32 $1.442695020e+00, v61  }
0x23b: {  	(erf) = vrcp.f32 v48  }
0x23c: {  	(erf) = vpow2.f32 v47;
	v47 =	vadd.f32 v7, v6;
	v6 =	vld [tilespmem:$0x1FF00]  }
0x23d: {  	v7 =	vld [tilespmem:$0x1FF50];
	_ =	sdelay $0x4  }
0x23e: {  	v58 =	vadd.f32 v59, v62;
	v59 =	vadd.f32 v6, v7;
	v6 =	vld [tilespmem:$0x1FF10]  }
0x23f: {  	v7 =	vld [tilespmem:$0x1FF30];
	_ =	sdelay $0x4  }
0x240: {  	v48 =	vpop (erf);
	v61 =	vadd.f32 v6, v7  }
0x241: {  	v54 =	vmul.f32 v54, v53;
	v47 =	vadd.f32 v58, v47;
	v53 =	vpop (erf)  }
0x242: {  	v58 =	vmul.f32 v0, v53;
	v59 =	vadd.f32 v61, v59  }
0x243: {  	v47 =	vadd.f32 v54, v47  }
0x244: {  	v62 =	vadd.f32 v58, v59  }
0x245: {  	(xrf2) =	vadd.scan.msk.f32 $0xffff, v47  }
0x246: {  	(xrf2) =	vadd.scan.msk.f32 $0xffff, v62;
	_ =	sdelay $0x2  }
0x247: {  	v6 =	vld [tilespmem:$0x1FE10];
	_ =	sdelay $0x3  }
0x248: {  	v7 =	vld [tilespmem:$0x1FF80]  }
0x249: {  	v63 =	vmul.f32 $1.000000000e+01, v6;
	v6 =	vld [tilespmem:$0x1FF70]  }
0x24a: {  	v59, _, _ =	vpop (xrf2)  }
0x24b: {  	v54, _, _ =	vpop (xrf2)  }
0x24c: {  	v54 =	vbroadcast v54, $0xF;
	_ =	sdelay $0x1  }
0x24d: {  	(erf) = vrcp.f32 v54;
	v54 =	vadd.f32 v7, v6;
	v6 =	vld [tilespmem:$0x1FF40]  }
0x24e: {  	v7 =	vld [tilespmem:$0x1FF60];
	_ =	sdelay $0x4  }
0x24f: {  	v53 =	vadd.f32 v6, v7;
	v6 =	vld [tilespmem:$0x1FE40]  }
0x250: {  	v7 =	vld [tilespmem:$0x1FE90];
	_ =	sdelay $0x4  }
0x251: {  	v47 =	vmul.f32 $1.442695020e+00, v63;
	v56 =	vadd.f32 v6, v7;
	v6 =	vld [tilespmem:$0x1FE50]  }
0x252: {  	v7 =	vld [tilespmem:$0x1FE70]  }
0x253: {  	(erf) = vpow2.f32 v47;
	_ =	sdelay $0x3  }
0x254: {  	v62 =	vadd.f32 v6, v7;
	v6 =	vld [tilespmem:$0x1FEE0];
	_ =	sdelay $0x3  }
0x255: {  	v47 =	vpop (erf)  }
0x256: {  	v54 =	vadd.f32 v53, v54;
	v53 =	vpop (erf);
	v58 =	vmul.f32 v58, v6  }
0x257: {  	v61 =	vmul.f32 v0, v53;
	v56 =	vadd.f32 v62, v56  }
0x258: {  	v54 =	vadd.f32 v58, v54  }
0x259: {  	v56 =	vadd.f32 v61, v56  }
0x25a: {  	(xrf2) =	vadd.scan.msk.f32 $0xffff, v54  }
0x25b: {  	(xrf2) =	vadd.scan.msk.f32 $0xffff, v56;
	_ =	sdelay $0x2  }
0x25c: {  	v6 =	vld [tilespmem:$0x1FD50];
	_ =	sdelay $0x3  }
0x25d: {  	v7 =	vld [tilespmem:$0x1FEC0]  }
0x25e: {  	v63 =	vmul.f32 $1.000000000e+01, v6;
	v6 =	vld [tilespmem:$0x1FEB0]  }
0x25f: {  	v58, _, _ =	vpop (xrf2)  }
0x260: {  	v56, _, _ =	vpop (xrf2)  }
0x261: {  	v56 =	vbroadcast v56, $0xF;
	_ =	sdelay $0x1  }
0x262: {  	(erf) = vrcp.f32 v56;
	v56 =	vadd.f32 v7, v6;
	v6 =	vld [tilespmem:$0x1FE80]  }
0x263: {  	v7 =	vld [tilespmem:$0x1FEA0];
	_ =	sdelay $0x4  }
0x264: {  	v62 =	vadd.f32 v6, v7;
	v6 =	vld [tilespmem:$0x1FD90]  }
0x265: {  	v7 =	vld [tilespmem:$0x1FDD0];
	_ =	sdelay $0x4  }
0x266: {  	v54 =	vmul.f32 $1.442695020e+00, v63;
	v63 =	vadd.f32 v6, v7;
	v6 =	vld [tilespmem:$0x1FDA0]  }
0x267: {  	v7 =	vld [tilespmem:$0x1FDB0]  }
0x268: {  	(erf) = vpow2.f32 v54;
	_ =	sdelay $0x3  }
0x269: {  	v6 =	vadd.f32 v6, v7;
	v7 =	vld [tilespmem:$0x1FE20];
	_ =	sdelay $0x3  }
0x26a: {  	v54 =	vpop (erf)  }
0x26b: {  	v56 =	vadd.f32 v62, v56;
	v53 =	vpop (erf);
	v61 =	vmul.f32 v61, v7  }
0x26c: {  	v62 =	vmul.f32 v0, v53;
	v6 =	vadd.f32 v6, v63  }
0x26d: {  	v56 =	vadd.f32 v61, v56  }
0x26e: {  	v6 =	vadd.f32 v62, v6  }
0x26f: {  	(xrf2) =	vadd.scan.msk.f32 $0xffff, v56  }
0x270: {  	(xrf2) =	vadd.scan.msk.f32 $0xffff, v6;
	_ =	sdelay $0x4  }
0x271: {  	v6 =	vld [tilespmem:$0x1FC90];
	_ =	sdelay $0x3  }
0x272: {  	v61, _, _ =	vpop (xrf2)  }
0x273: {  	v6 =	vmul.f32 $1.000000000e+01, v6;
	v53, _, _ =	vpop (xrf2)  }
0x274: {  	v56 =	vbroadcast v53, $0xF  }
0x275: {  	v6 =	vmul.f32 $1.442695020e+00, v6  }
0x276: {  	v7 =	vld [tilespmem:$0x1FE00];
	(erf) = vrcp.f32 v56  }
0x277: {  	(erf) = vpow2.f32 v6;
	v6 =	vld [tilespmem:$0x1FDF0];
	_ =	sdelay $0x3  }
0x278: {  	v63 =	vld [tilespmem:$0x1FDE0]  }
0x279: {  	v6 =	vadd.f32 v7, v6;
	v7 =	vld [tilespmem:$0x1FDC0];
	_ =	sdelay $0x3  }
0x27a: {  	v56 =	vld [tilespmem:$0x1FD10]  }
0x27b: {  	v63 =	vadd.f32 v7, v63;
	v7 =	vld [tilespmem:$0x1FCC0];
	_ =	sdelay $0x3  }
0x27c: {  	v53 =	vld [tilespmem:$0x1FCD0]  }
0x27d: {  	v7 =	vadd.f32 v7, v56;
	v56 =	vld [tilespmem:$0x1FCF0]  }
0x27e: {  	v6 =	vadd.f32 v63, v6;
	v63 =	vld [tilespmem:$0x1FD60];
	_ =	sdelay $0x3  }
0x27f: {  	v53 =	vadd.f32 v53, v56;
	v56 =	vpop (erf)  }
0x280: {  	v62 =	vmul.f32 v62, v63;
	v63 =	vpop (erf)  }
0x281: {  	v7 =	vadd.f32 v53, v7;
	v53 =	vmul.f32 v0, v63  }
0x282: {  	v6 =	vadd.f32 v62, v6  }
0x283: {  	v7 =	vadd.f32 v53, v7  }
0x284: {  	(xrf2) =	vadd.scan.msk.f32 $0xffff, v6  }
0x285: {  	(xrf2) =	vadd.scan.msk.f32 $0xffff, v7;
	_ =	sdelay $0x8  }
0x286: {  	v63, _, _ =	vpop (xrf2)  }
0x287: {  	v6 =	vmul.f32 $1.000000000e+01, v9;
	v7, _, _ =	vpop (xrf2)  }
0x288: {  	v7 =	vbroadcast v7, $0xF  }
0x289: {  	v6 =	vmul.f32 $1.442695020e+00, v6  }
0x28a: {  	(erf) = vrcp.f32 v7;
	v7 =	vld [tilespmem:$0x1FD40]  }
0x28b: {  	(erf) = vpow2.f32 v6;
	v6 =	vld [tilespmem:$0x1FD30];
	_ =	sdelay $0x3  }
0x28c: {  	v62 =	vld [tilespmem:$0x1FD20]  }
0x28d: {  	v7 =	vadd.f32 v7, v6;
	v6 =	vld [tilespmem:$0x1FD00];
	_ =	sdelay $0x1  }
0x28e: {  	v12 =	vadd.f32 v12, v13;
	v13 =	vld [tilespmem:$0x1FCA0];
	_ =	sdelay $0x2  }
0x28f: {  	v9 =	vadd.f32 v6, v62  }
0x290: {  	v10 =	vadd.f32 v10, v16;
	v6 =	vpop (erf)  }
0x291: {  	v16 =	vpop (erf);
	v7 =	vadd.f32 v9, v7;
	v9 =	vmul.f32 v53, v13  }
0x292: {  	v10 =	vadd.f32 v12, v10;
	v12 =	vmul.f32 v0, v16  }
0x293: {  	v7 =	vadd.f32 v9, v7  }
0x294: {  	v53 =	vadd.f32 v12, v10  }
0x295: {  	(xrf2) =	vadd.scan.msk.f32 $0xffff, v7  }
0x296: {  	(xrf2) =	vadd.scan.msk.f32 $0xffff, v53;
	_ =	sdelay $0x8  }
0x297: {  	v10, _, _ =	vpop (xrf2)  }
0x298: {  	v7 =	vmul.f32 $1.000000000e+01, v24;
	v9, _, _ =	vpop (xrf2)  }
0x299: {  	v9 =	vbroadcast v9, $0xF  }
0x29a: {  	v7 =	vmul.f32 $1.442695020e+00, v7  }
0x29b: {  	(erf) = vrcp.f32 v9  }
0x29c: {  	(erf) = vpow2.f32 v7;
	_ =	sdelay $0x6  }
0x29d: {  	v11 =	vadd.f32 v11, v14;
	v7 =	vadd.f32 v18, v15  }
0x29e: {  	v62 =	vadd.f32 v27, v31;
	v16 =	vadd.f32 v28, v30;
	v9 =	vpop (erf)  }
0x29f: {  	v8 =	vmul.f32 v12, v8;
	v7 =	vadd.f32 v11, v7;
	v18 =	vpop (erf)  }
0x2a0: {  	v24 =	vadd.f32 v16, v62;
	v11 =	vmul.f32 v0, v18  }
0x2a1: {  	v7 =	vadd.f32 v8, v7  }
0x2a2: {  	v27 =	vadd.f32 v11, v24  }
0x2a3: {  	(xrf2) =	vadd.scan.msk.f32 $0xffff, v7  }
0x2a4: {  	(xrf2) =	vadd.scan.msk.f32 $0xffff, v27  }
0x2a5: {  	v2 =	vmul.f32 v32, v2;
	v32 =	vld [tilespmem:s1+$0x126E8];
	_ =	sdelay $0x3  }
0x2a6: {  	s0 =	sor.u32 $0x7, s31;
	v3 =	vmul.f32 v37, v3;
	v7 =	vld [tilespmem:$0x9DF0]  }
0x2a7: {  	v22 =	vadd.f32 v22, v23;
	v4 =	vmul.f32 v50, v4;
	v14 =	vmul.f32 v55, v32;
	v32 =	vld [tilespmem:s0+$0x0]  }
0x2a8: {  	v2 =	vadd.f32 v2, v46;
	v3 =	vadd.f32 v3, v41  }
0x2a9: {  	v4 =	vadd.f32 v4, v35;
	v5 =	vadd.f32 v49, v5  }
0x2aa: {  	v3 =	vadd.f32 v40, v3;
	v28 =	vadd.f32 v45, v33;
	v30 =	vmul.f32 v45, v43;
	v45 =	vld [tilespmem:s1+$0x126D8];
	v15, _, _ =	vpop (xrf2)  }
0x2ab: {  	v4 =	vadd.f32 v14, v4;
	v5 =	vadd.f32 v44, v5;
	v7 =	vmul.f32 $1.000000000e+01, v7;
	v37, _, _ =	vpop (xrf2)  }
0x2ac: {  	v41 =	vld [tilespmem:s1+$0x126C8];
	(v2sf) =	vpush v32, $0x0;
	v31 =	vadd.f32 v50, v17;
	v17 =	vbroadcast v37, $0xF  }
0x2ad: {  	v59 =	vsub.f32 $0.0e+00, v59;
	v33 =	vmul.f32 v60, v39;
	v7 =	vmul.f32 $1.442695020e+00, v7  }
0x2ae: {  	v13 =	vadd.f32 v55, v31;
	v43 =	vadd.f32 v57, v34;
	(erf) = vrcp.f32 v17  }
0x2af: {  	v12 =	vadd.f32 v30, v42;
	v14 =	vmul.f32 v49, v45;
	v49 =	vld [tilespmem:$0x1FCB0];
	(erf) = vpow2.f32 v7  }
0x2b0: {  	v39 =	vld [tilespmem:s1+$0x12738];
	v55 =	vadd.f32 v26, v25;
	v42 =	vmul.f32 v57, v38;
	v13 =	vadd.f32 v52, v13  }
0x2b1: {  	v50 =	vmul.f32 v36, v41;
	v57 =	vld [tilespmem:s1+$0x12718];
	v12 =	vadd.f32 v33, v12;
	v8 =	vadd.f32 v60, v28  }
0x2b2: {  	v2 =	vadd.f32 v42, v2;
	v53 =	vld [tilespmem:s1+$0x12708];
	v10 =	vsub.f32 $0.0e+00, v10  }
0x2b3: {  	v12 =	vadd.f32 v50, v12;
	v8 =	vadd.f32 v36, v8;
	v7 =	vld [tilespmem:s1+$0x12728]  }
0x2b4: {  	v3 =	vadd.f32 v14, v3;
	v50 =	vbroadcast v49, $0x0;
	v10 =	vbroadcast v10, $0xF  }
0x2b5: {  	v46 =	vmul.f32 v29, v39;
	v8 =	vadd.f32 v51, v8;
	v17 =	vadd.f32 v29, v43  }
0x2b6: {  	v35 =	vld [tilespmem:$0x1FEF0];
	v10 =	vmul.f32 v10, v50;
	v28 =	vadd.f32 v22, v55;
	v18 =	vmul.f32 v44, v57  }
0x2b7: {  	v60 =	vld [tilespmem:$0x1FF90];
	v5 =	vadd.f32 v5, v8;
	v24 =	vmul.f32 v51, v53;
	v13 =	vadd.f32 v17, v13;
	v27 =	vpop (erf)  }
0x2b8: {  	v40 =	vld [tilespmem:$0x1FFE0];
	v11 =	vmul.f32 v11, v21;
	v3 =	vadd.f32 v18, v3;
	v7 =	vmul.f32 v52, v7;
	v29 =	vpop (erf)  }
0x2b9: {  	v33 =	vld [tilespmem:$0x1FFA0];
	v12 =	vadd.f32 v24, v12;
	v5 =	vadd.f32 v13, v5;
	v16 =	vmul.f32 v0, v29  }
0x2ba: {  	v25 =	vbroadcast v59, $0xF;
	v31 =	vld [tilespmem:$0x13A40];
	v4 =	vadd.f32 v7, v4;
	v7 =	vadd.f32 v11, v28  }
0x2bb: {  	v41 =	vld [tilespmem:$0x1FFF0];
	v2 =	vadd.f32 v46, v2;
	v6 =	vmul.f32 v10, v6;
	v5 =	vadd.f32 v16, v5  }
0x2bc: {  	v39 =	vld [tilespmem:$0x1FE30];
	v36 =	vbroadcast v35, $0x0;
	v62 =	vbroadcast v60, $0x0;
	v3 =	vadd.f32 v3, v12;
	(xrf2) =	vadd.scan.msk.f32 $0xffff, v7  }
0x2bd: {  	v57 =	vbroadcast v19, $0x0;
	v7 =	vsub.f32 $0.0e+00, v58;
	v2 =	vadd.f32 v2, v4;
	(xrf2) =	vadd.scan.msk.f32 $0xffff, v5;
	v5 =	vld [tilespmem:$0x1FF20]  }
0x2be: {  	v30 =	vmul.f32 v25, v62;
	v18 =	vmul.f32 v33, v60;
	v53 =	vld [tilespmem:$0x1FCE0];
	v37 =	vsub.f32 $0.0e+00, v61  }
0x2bf: {  	v34 =	vld [tilespmem:$0x1FFD0];
	v7 =	vbroadcast v7, $0xF;
	v2 =	vadd.f32 v2, v3;
	v4 =	vmul.f32 v16, v31  }
0x2c0: {  	v44 =	vld [tilespmem:$0x1FD70];
	v8 =	vadd.f32 v62, v41;
	v38 =	vbroadcast v18, $0x0;
	v13 =	vmul.f32 v30, v48  }
0x2c1: {  	v11 =	vbroadcast v37, $0xF;
	v7 =	vmul.f32 v7, v36;
	v2 =	vadd.f32 v4, v2  }
0x2c2: {  	v42 =	vsub.f32 $0.0e+00, v63;
	v43 =	vld [tilespmem:$0x1FE60];
	v3 =	vbroadcast v39, $0x0;
	v5 =	vmul.f32 v5, v35  }
0x2c3: {  	v8 =	vadd.f32 v36, v8;
	v10 =	vmul.f32 v53, v49;
	v7 =	vmul.f32 v7, v47;
	(xrf2) =	vadd.scan.msk.f32 $0xffff, v2  }
0x2c4: {  	v13 =	vadd.f32 v13, v34;
	v4 =	vbroadcast v5, $0x0;
	v5 =	vmul.f32 v11, v3  }
0x2c5: {  	v45 =	vbroadcast v44, $0x0;
	v14 =	vadd.f32 v38, v40;
	v10 =	vbroadcast v10, $0x0  }
0x2c6: {  	v46 =	vld [tilespmem:$0x1FD80];
	v7 =	vadd.f32 v7, v13;
	v11 =	vbroadcast v42, $0xF;
	v5 =	vmul.f32 v5, v54  }
0x2c7: {  	v51 =	vsub.f32 $0.0e+00, v15;
	v61 =	vmul.f32 v20, v19;
	v13 =	vmul.f32 v43, v39;
	v2, _, _ =	vpop (xrf2)  }
0x2c8: {  	v2 =	vsub.f32 $0.0e+00, v2;
	v47, _, _ =	vpop (xrf2);
	v5 =	vadd.f32 v5, v7;
	v7 =	vmul.f32 v11, v45  }
0x2c9: {  	v13 =	vbroadcast v13, $0x0;
	v3 =	vadd.f32 v3, v8;
	v48 =	vbroadcast v47, $0xF  }
0x2ca: {  	v2 =	vbroadcast v2, $0xF;
	v4 =	vadd.f32 v4, v14;
	v7 =	vmul.f32 v7, v56;
	v56 =	vld [tilespmem:$0x1FC80]  }
0x2cb: {  	v14 =	vmul.f32 v46, v44;
	v3 =	vadd.f32 v45, v3;
	(erf) = vrcp.f32 v48  }
0x2cc: {  	v54 =	vld [tilespmem:s31+$0xE7];
	s31 =	spop (v2sf);
	v11 =	vbroadcast v51, $0xF;
	v5 =	vadd.f32 v7, v5;
	v7 =	vbroadcast v1, $0x0  }
0x2cd: {  	v59 =	vld [tilespmem:s31+$0x126C8];
	v2 =	vmul.f32 v2, v57;
	v4 =	vadd.f32 v13, v4;
	v52 =	vbroadcast v14, $0x0;
	v58, _, _ =	vpop (xrf2)  }
0x2ce: {  	v3 =	vadd.f32 v50, v3;
	v12 =	vsub.f32 $0.0e+00, v58;
	v55 =	vmul.f32 v11, v7  }
0x2cf: {  	v2 =	vmul.f32 v2, v27;
	v4 =	vadd.f32 v52, v4;
	v1 =	vmul.f32 v56, v1  }
0x2d0: {  	v60 =	vbroadcast v12, $0xF;
	v5 =	vadd.f32 v6, v5;
	v8 =	vmul.f32 v55, v9  }
0x2d1: {  	s30 =	sadd.s32 $0x1, s30;
	v4 =	vadd.f32 v10, v4;
	v6 =	vbroadcast v54, $0x0;
	v1 =	vbroadcast v1, $0x0  }
0x2d2: {  	p0 =	sne.s32 s30, $0x1A;
	v62 =	vmul.f32 v59, v54;
	v3 =	vadd.f32 v7, v3;
	v5 =	vadd.f32 v8, v5  }
.Ltmp8:
0x2d3: {  	v7 =	vbroadcast v61, $0x0;
	v1 =	vadd.f32 v1, v4;
	v4 =	vmul.f32 v60, v6;
	(pc) =	sbr.rel @p0 .LBB2_2-.Ltmp8, $4  }
0x2d4: {  	v3 =	vadd.f32 v57, v3;
	v63 =	vpop (erf);
	v2 =	vadd.f32 v2, v5  }
0x2d5: {  	v5 =	vbroadcast v62, $0x0;
	v4 =	vmul.f32 v4, v63;
	v1 =	vadd.f32 v7, v1  }
0x2d6: {  	v3 =	vadd.f32 v6, v3  }
0x2d7: {  	v4 =	vadd.f32 v4, v2;
	v2 =	vadd.f32 v5, v1  }
0x2d8: {  	_ =	swait.ge [sflag:s23], $0x1388  }
0x2d9: {  	[sflag:s23] =	ssyncset.done $0x0  }
0x2da: {  	[sflag:s23] =	ssyncadd.s32 $0xFFFFEC78  }
0x2db: {  	_ =	swait.ge [sflag:s23], $0x1388  }
0x2dc: {  	[sflag:s23] =	ssyncset.done $0x0  }
0x2dd: {  	[sflag:s23] =	ssyncadd.s32 $0xFFFFEC78  }
0x2de: {  	_ =	swait.ge [sflag:s23], $0x1388  }
0x2df: {  	[sflag:s23] =	ssyncset.done $0x0  }
0x2e0: {  	[sflag:s23] =	ssyncadd.s32 $0xFFFFEC78  }
0x2e1: {  	_ =	swait.ge [sflag:s23], $0x1388  }
0x2e2: {  	[sflag:s23] =	ssyncset.done $0x0  }
0x2e3: {  	[sflag:s23] =	ssyncadd.s32 $0xFFFFEC78  }
0x2e4: {  	_ =	swait.ge [sflag:s24], $0x4E20  }
0x2e5: {  	v1 =	vmul.f32 $6.250000000e-02, v4;
	[sflag:s24] =	ssyncset.done $0x0  }
0x2e6: {  	v2 =	vmul.f32 $6.250000000e-02, v2;
	[sflag:s24] =	ssyncadd.s32 $0xFFFFB1E0  }
0x2e7: {  	s29 =	sadd.s32 $0x1, s29;
	[tilespmem:$0x13A60] =	vst v1;
	v1 =	vmul.f32 $6.250000000e-02, v3  }
0x2e8: {  	p0 =	sne.s32 s29, s10;
	[tilespmem:$0x13A70] =	vst v2  }
.Ltmp9:
0x2e9: {  	s0 =	simm.s32 $0x13A60;
	[tilespmem:$0x13A80] =	vst v1;
	(pc) =	sbr.rel @p0 .LBB2_1-.Ltmp9, $4  }
0x2ea: {  	[hbm4b:s9+s2] =	stream.linear.scatter [tilespmem:s0], [sflag:$0x5], $0x30, $0x38;
	[tilespmem:$0x13A90] =	vst v63  }
0x2eb: {  	_ =	swait.ge [sflag:s11], $0x30  }
0x2ec: {  	[sflag:s11] =	ssyncset.done $0x0  }
0x2ed: {  	[sflag:s11] =	ssyncadd.s32 $0xFFFFFFD0  }
0x2ee: {  	_ =	sfence.sel $0x180000  }
0x2ef: {  	[bflag:$0x0] =	sbarrier.arrive $0xFFFF  }
0x2f0: {  	_ =	strace $0x90000047  }
0x2f1: {  	s0 =	stileid.u32;
	[bflag:$0x2] =	sbarrier.arrive $0xFFFF  }
0x2f2: {  	p0 =	sne.s32 s0, $0x0;
	s0 =	rddreg [dreg:$0x1]  }
0x2f3: {  	s0 =	sadd.s32 @!p0 $0x100000, s0  }
0x2f4: {  	[sflag:s0] =	ssyncadd.tile.s32 @!p0 $0x1;
	_ =	shalt  }
.Lfunc_end2:
_tile_overlayer_lowered:
.L_overlay_start_2:
0x2f5: {  	(tag) =	ssettag $0x2  }
0x2f6: {  	s0 =	rddreg [dreg:$0x0];
	s2 =	stileid.u32  }
0x2f7: {  	s1 =	rddreg [dreg:$0x1];
	p0 =	sne.s32 s2, $0x0  }
0x2f8: {  	s3 =	rddreg [dreg:$0x2];
	[bflag:$0x3] =	sbarrier.arrive $0xFFFF;
	s2 =	simm.s32 @!p0 $0x1C05  }
0x2f9: {  	[timem:s3], [sflag:s2] =	dma.local @!p0 [hbm:s0], s1  }
0x2fa: {  	s0 =	simm.s32 @!p0 $0x5  }
0x2fb: {  	_ =	swait.ge @!p0 [sflag:s0], s1  }
0x2fc: {  	s1 =	ssub.s32 @!p0 $0x0, s1;
	[sflag:s0] =	ssyncset.done @!p0 $0x0  }
0x2fd: {  	[sflag:s0] =	ssyncadd.s32 @!p0 s1  }
0x2fe: {  	[bflag:$0x3] =	sbarrier.arrive $0xFFFF  }
0x2ff: {  	_ =	shalt  }

</sc_bundles>
